<compile_context>
chip_gen: v7x
topology: tpu7x:2x2x1
jax: 0.10.2.dev20260603
libtpu: 0.0.44.dev20260713+nightly
codegen_flags: <defaults>
</compile_context>

<pallas_src>
import functools
import jax
import jax.numpy as jnp
from jax import lax
from jax.experimental import pallas as pl
from jax.experimental.pallas import tpu as pltpu
from jax.experimental.pallas import tpu_sc as plsc

B = 8
N = 10000
F = 4
P = 12
E = 160000
EMBED = 32
FP = F * P
TP = P * EMBED
RB = 2000
NB = N // RB

NC = 2
NS = 16
NW = NC * NS

DEG_CH = 40
DEG_PAD = DEG_CH * 128
NDEG = 10240

GPACK = 4
FPG = GPACK * FP
NGRP = B // GPACK
AGG_CH = 80
AGG_PAD = AGG_CH * 128
SCH = 1
NSCH = AGG_CH // SCH
ACC_ROWS = 10240

def _deg_body(col_hbm, ones_hbm, zero_hbm, deg_hbm, idx_v, ones_v, zb_v, deg_sh, sem):
    c = lax.axis_index("c")
    s = lax.axis_index("s")
    w = c * NS + s
    pltpu.sync_copy(col_hbm.at[pl.ds(w * DEG_CH, DEG_CH)], idx_v)
    pltpu.sync_copy(ones_hbm, ones_v)
    pltpu.sync_copy(zero_hbm, zb_v)
    for j in range(NDEG // NS // 128):
        pltpu.sync_copy(zb_v, deg_sh.at[pl.ds(s * (NDEG // NS) + j * 128, 128)])
    plsc.subcore_barrier()
    for j in range(DEG_CH):
        pltpu.sync_copy(ones_v, deg_sh.at[idx_v.at[j]], add=True)
    plsc.subcore_barrier()
    pltpu.sync_copy(deg_sh.at[pl.ds(s * (NDEG // NS), NDEG // NS)],
                    deg_hbm.at[pl.ds(c * NDEG + s * (NDEG // NS), NDEG // NS)])


@functools.cache
def _deg_call():
    mesh = plsc.VectorSubcoreMesh(
        core_axis_name="c", subcore_axis_name="s", num_cores=NC, num_subcores=NS)
    return pl.kernel(
        _deg_body,
        out_type=jax.ShapeDtypeStruct((NC * NDEG, 1), jnp.float32),
        mesh=mesh,
        scratch_types=[
            pltpu.VMEM((DEG_CH, 128), jnp.int32),
            pltpu.VMEM((128, 1), jnp.float32),
            pltpu.VMEM((128, 1), jnp.float32),
            pltpu.VMEM_SHARED((NDEG, 1), jnp.float32),
            pltpu.SemaphoreType.DMA,
        ],
        compiler_params=pltpu.CompilerParams(use_tc_tiling_on_sc=False),
    )


def _agg_body(xs_hbm, rid_hbm, cid_hbm, z_hbm, acc_hbm,
              idxr_v, idxc_v, zb_v, gb0, gb1, acc_sh, sem0, sem1):
    c = lax.axis_index("c")
    s = lax.axis_index("s")
    sl = ACC_ROWS // NS
    pltpu.sync_copy(z_hbm, zb_v)
    base = (c * NS + s) * AGG_PAD
    pltpu.sync_copy(rid_hbm.at[pl.ds(base, AGG_PAD)], idxr_v)
    pltpu.sync_copy(cid_hbm.at[pl.ds(base, AGG_PAD)], idxc_v)
    for j in range(sl // 128):
        pltpu.sync_copy(zb_v, acc_sh.at[pl.ds(s * sl + j * 128, 128)])
    plsc.subcore_barrier()

    SR = SCH * 128
    pltpu.async_copy(xs_hbm.at[idxr_v.at[pl.ds(0, SR)]], gb0, sem0)

    def body(jj, carry):
        j = jj * 2
        pltpu.async_copy(xs_hbm.at[idxr_v.at[pl.ds((j + 1) * SR, SR)]],
                         gb1, sem1)
        pltpu.make_async_copy(xs_hbm.at[idxr_v.at[pl.ds(j * SR, SR)]],
                              gb0, sem0).wait()
        pltpu.sync_copy(gb0, acc_sh.at[idxc_v.at[pl.ds(j * SR, SR)]],
                        add=True)

        @pl.when(jj < NSCH // 2 - 1)
        def _():
            pltpu.async_copy(
                xs_hbm.at[idxr_v.at[pl.ds((j + 2) * SR, SR)]], gb0, sem0)

        pltpu.make_async_copy(xs_hbm.at[idxr_v.at[pl.ds((j + 1) * SR, SR)]],
                              gb1, sem1).wait()
        pltpu.sync_copy(gb1, acc_sh.at[idxc_v.at[pl.ds((j + 1) * SR, SR)]],
                        add=True)
        return carry

    lax.fori_loop(0, NSCH // 2, body, 0)
    plsc.subcore_barrier()
    pltpu.sync_copy(acc_sh.at[pl.ds(s * sl, sl)],
                    acc_hbm.at[pl.ds(c * ACC_ROWS + s * sl, sl)])


@functools.cache
def _agg_call():
    mesh = plsc.VectorSubcoreMesh(
        core_axis_name="c", subcore_axis_name="s", num_cores=NC, num_subcores=NS)
    return pl.kernel(
        _agg_body,
        out_type=jax.ShapeDtypeStruct((NGRP * ACC_ROWS, FPG), jnp.bfloat16),
        mesh=mesh,
        scratch_types=[
            pltpu.VMEM((AGG_PAD,), jnp.int32),
            pltpu.VMEM((AGG_PAD,), jnp.int32),
            pltpu.VMEM((128, FPG), jnp.bfloat16),
            pltpu.VMEM((SCH * 128, FPG), jnp.bfloat16),
            pltpu.VMEM((SCH * 128, FPG), jnp.bfloat16),
            pltpu.VMEM_SHARED((ACC_ROWS, FPG), jnp.bfloat16),
            pltpu.SemaphoreType.DMA,
            pltpu.SemaphoreType.DMA,
        ],
        compiler_params=pltpu.CompilerParams(use_tc_tiling_on_sc=False),
    )


def _prep_body(deg_ref, x_ref, xs_ref, dinv_ref):
    dv = lax.rsqrt(deg_ref[0] + deg_ref[1] + 1.0)
    dinv_ref[...] = dv
    xs_ref[...] = (x_ref[...] * dv).astype(jnp.bfloat16)


_prep_call = pl.pallas_call(
    _prep_body,
    grid=(B, NB),
    in_specs=[
        pl.BlockSpec((2, RB, 1), lambda b, i: (0, i, 0)),
        pl.BlockSpec((RB, FP), lambda b, i: (b * NB + i, 0)),
    ],
    out_specs=[
        pl.BlockSpec((RB, FP), lambda b, i: (b * NB + i, 0)),
        pl.BlockSpec((RB, 1), lambda b, i: (i, 0)),
    ],
    out_shape=[
        jax.ShapeDtypeStruct((B * N, FP), jnp.bfloat16),
        jax.ShapeDtypeStruct((N, 1), jnp.float32),
    ],
)


def _dense_body(acc_ref, xs_ref, dinv_ref, wz_ref, wh_ref, bz_ref, bh_ref,
                gp_ref, l1w_ref, l1b_ref, l2w_ref, l2b_ref, l3w_ref, l3b_ref,
                out_ref):
    g = pl.program_id(0)
    i = pl.program_id(1)
    dinv = dinv_ref[...]

    @pl.when((g == 0) & (i == 0))
    def _():
        out_ref[...] = jnp.zeros_like(out_ref)

    for bp in range(GPACK):
        y = dinv * (acc_ref[0, :, bp, :].astype(jnp.float32)
                    + xs_ref[0, :, bp, :].astype(jnp.float32))
        sz = jnp.dot(y, wz_ref[...], preferred_element_type=jnp.float32) + bz_ref[...]
        sh = jnp.dot(y, wh_ref[...], preferred_element_type=jnp.float32) + bh_ref[...]
        cell = (1.0 - jax.nn.sigmoid(sz)) * jnp.tanh(sh)
        hacc = jnp.dot(cell, gp_ref[...], preferred_element_type=jnp.float32)
        h1 = jax.nn.relu(hacc)
        h2 = jax.nn.relu(jnp.dot(h1, l1w_ref[...], preferred_element_type=jnp.float32) + l1b_ref[...])
        gv = jnp.dot(h2, l2w_ref[...], preferred_element_type=jnp.float32) + l2b_ref[0, 0]
        part = jnp.sum(gv * l3w_ref[...]).reshape(1, 1)
        b = g * GPACK + bp
        cur = out_ref[pl.ds(b, 1), :] + part

        @pl.when(i == NB - 1)
        def _():
            out_ref[pl.ds(b, 1), :] = jax.nn.sigmoid(cur + l3b_ref[0, 0])

        @pl.when(i != NB - 1)
        def _():
            out_ref[pl.ds(b, 1), :] = cur


_dense_call = pl.pallas_call(
    _dense_body,
    grid=(NGRP, NB),
    in_specs=[
        pl.BlockSpec((1, RB, GPACK, FP), lambda g, i: (g, i, 0, 0)),
        pl.BlockSpec((1, RB, GPACK, FP), lambda g, i: (g, i, 0, 0)),
        pl.BlockSpec((RB, 1), lambda g, i: (i, 0)),
        pl.BlockSpec((FP, TP), lambda g, i: (0, 0)),
        pl.BlockSpec((FP, TP), lambda g, i: (0, 0)),
        pl.BlockSpec((1, TP), lambda g, i: (0, 0)),
        pl.BlockSpec((1, TP), lambda g, i: (0, 0)),
        pl.BlockSpec((TP, EMBED), lambda g, i: (0, 0)),
        pl.BlockSpec((EMBED, EMBED), lambda g, i: (0, 0)),
        pl.BlockSpec((1, EMBED), lambda g, i: (0, 0)),
        pl.BlockSpec((EMBED, 1), lambda g, i: (0, 0)),
        pl.BlockSpec((1, 1), lambda g, i: (0, 0)),
        pl.BlockSpec((RB, 1), lambda g, i: (i, 0)),
        pl.BlockSpec((1, 1), lambda g, i: (0, 0)),
    ],
    out_specs=pl.BlockSpec((B, 1), lambda g, i: (0, 0)),
    out_shape=jax.ShapeDtypeStruct((B, 1), jnp.float32),
)


def kernel(x, edge_index, attention, Wz, bz, Wr, br, Wh, bh,
           lzW, lzb, lrW, lrb, lhW, lhb, l1W, l1b, l2W, l2b, l3W, l3b):
    row = edge_index[0].astype(jnp.int32)
    col = edge_index[1].astype(jnp.int32)

    Wzp = Wz @ lzW[:EMBED]
    bzp = bz @ lzW[:EMBED] + lzb
    Whp = Wh @ lhW[:EMBED]
    bhp = bh @ lhW[:EMBED] + lhb
    probs = jax.nn.softmax(attention)
    eyeP = jnp.eye(P, dtype=jnp.float32)
    WbigZ = (Wzp[:, None, None, :] * eyeP[None, :, :, None]).reshape(FP, TP)
    WbigH = (Whp[:, None, None, :] * eyeP[None, :, :, None]).reshape(FP, TP)
    bz_rep = jnp.tile(bzp, P).reshape(1, TP)
    bh_rep = jnp.tile(bhp, P).reshape(1, TP)
    Gp = (probs[:, None, None] * jnp.eye(EMBED, dtype=jnp.float32)[None]).reshape(TP, EMBED)

    colp = col.reshape(NW, E // NW)
    colp = jnp.concatenate(
        [colp, jnp.full((NW, DEG_PAD - E // NW), N, jnp.int32)], axis=1)
    col_tiles = colp.reshape(NW * DEG_CH, 128)

    per_tile = E // NS
    rowt = jnp.concatenate(
        [row.reshape(NS, per_tile),
         jnp.zeros((NS, AGG_PAD - per_tile), jnp.int32)], axis=1)
    colt = jnp.concatenate(
        [col.reshape(NS, per_tile),
         jnp.full((NS, AGG_PAD - per_tile), N, jnp.int32)], axis=1)
    goff = (jnp.arange(NGRP, dtype=jnp.int32) * N)[:, None, None]
    rid_tiles = (rowt[None, :, :] + goff).reshape(NGRP * NS * AGG_PAD)
    cid_tiles = jnp.broadcast_to(
        colt[None, :, :], (NGRP, NS, AGG_PAD)).reshape(NGRP * NS * AGG_PAD)

    ones128 = jnp.ones((128, 1), jnp.float32)
    zeros128 = jnp.zeros((128, 1), jnp.float32)
    zeros192 = jnp.zeros((128, FPG), jnp.bfloat16)

    deg = _deg_call()(col_tiles, ones128, zeros128)
    deg3 = deg.reshape(NC, NDEG, 1)

    x2 = x.reshape(B * N, FP)
    xs, dinv = _prep_call(deg3, x2)
    xs4 = xs.reshape(NGRP, GPACK, N, FP).swapaxes(1, 2).reshape(NGRP * N, FPG)

    acc = _agg_call()(xs4, rid_tiles, cid_tiles, zeros192)
    acc4 = acc.reshape(NGRP, ACC_ROWS, GPACK, FP)
    xs4d = xs4.reshape(NGRP, N, GPACK, FP)

    out = _dense_call(acc4, xs4d, dinv, WbigZ, WbigH, bz_rep, bh_rep,
                      Gp, l1W, l1b.reshape(1, EMBED), l2W, l2b.reshape(1, 1),
                      l3W, l3b.reshape(1, 1))
    return out.reshape(-1)

# --- scband reference (transcript-rebuilt; emitter-appended) ---
"""Pipeline reference for scband-temporal-gnnbatch-42167988913020 (READ-ONLY COPY).

The authoritative reference and input builder live on the scoring server;
editing this copy changes nothing except your own understanding.
"""

import jax, jax.numpy as jnp
import numpy as np

N_NODES = 10000
N_EDGES = 160000
PERIODS = 12
EMBED = 32
FEAT = 4
BATCH = 8


def _gcn(X, W, b, row, col, n):
    # GCNConv with add_self_loops=True, improved=False, edge_weight=None (all ones)
    Xw = X @ W  # [B, n, out]
    loop = jnp.arange(n)
    r = jnp.concatenate([row, loop])
    c = jnp.concatenate([col, loop])
    deg = jnp.zeros((n,), Xw.dtype).at[c].add(1.0)
    dinv = jnp.where(deg > 0, 1.0 / jnp.sqrt(deg), 0.0)
    norm = dinv[r] * dinv[c]
    msg = Xw[:, r, :] * norm[None, :, None]
    out = jnp.zeros_like(Xw).at[:, c, :].add(msg)
    return out + b


def _tgcn_cell(X, H, row, col, n, Wz, bz, Wr, br, Wh, bh, lzW, lzb, lrW, lrb, lhW, lhb):
    Z = jax.nn.sigmoid(jnp.concatenate([_gcn(X, Wz, bz, row, col, n), H], axis=2) @ lzW + lzb)
    R = jax.nn.sigmoid(jnp.concatenate([_gcn(X, Wr, br, row, col, n), H], axis=2) @ lrW + lrb)
    Ht = jnp.tanh(jnp.concatenate([_gcn(X, Wh, bh, row, col, n), H * R], axis=2) @ lhW + lhb)
    return Z * H + (1.0 - Z) * Ht


def setup_inputs(seed: int = 0):
    key = jax.random.key(seed)
    ks = jax.random.split(key, 16)
    d = {}
    d['x'] = jax.random.normal(ks[0], (BATCH, N_NODES, FEAT, PERIODS), jnp.float32)
    d['edge_index'] = jax.random.randint(ks[1], (2, N_EDGES), 0, N_NODES)
    d['attention'] = jax.random.uniform(ks[2], (PERIODS,), jnp.float32)

    def lin(k, fi, fo):
        k1, k2 = jax.random.split(k)
        s = 1.0 / np.sqrt(fi)
        return (jax.random.uniform(k1, (fi, fo), jnp.float32, -s, s),
                jax.random.uniform(k2, (fo,), jnp.float32, -s, s))

    d['Wz'], d['bz'] = lin(ks[3], FEAT, EMBED)
    d['Wr'], d['br'] = lin(ks[4], FEAT, EMBED)
    d['Wh'], d['bh'] = lin(ks[5], FEAT, EMBED)
    d['lzW'], d['lzb'] = lin(ks[6], 2 * EMBED, EMBED)
    d['lrW'], d['lrb'] = lin(ks[7], 2 * EMBED, EMBED)
    d['lhW'], d['lhb'] = lin(ks[8], 2 * EMBED, EMBED)
    d['l1W'], d['l1b'] = lin(ks[9], EMBED, 32)
    d['l2W'], d['l2b'] = lin(ks[10], 32, 1)
    d['l3W'], d['l3b'] = lin(ks[11], N_NODES, 1)
    return d


def reference(x, edge_index, attention, Wz, bz, Wr, br, Wh, bh, lzW, lzb, lrW, lrb, lhW, lhb, l1W, l1b, l2W, l2b, l3W, l3b):
    B, n = x.shape[0], x.shape[1]
    row, col = edge_index[0], edge_index[1]
    # A3TGCN2: softmax attention over periods; hidden state H is NOT threaded
    # across periods (it stays None -> zeros each call), matching the original.
    probs = jax.nn.softmax(attention)
    H0 = jnp.zeros((B, n, EMBED), x.dtype)
    H_accum = jnp.zeros((B, n, EMBED), x.dtype)
    for t in range(PERIODS):
        H_accum = H_accum + probs[t] * _tgcn_cell(x[:, :, :, t], H0, row, col, n, Wz, bz, Wr, br, Wh, bh, lzW, lzb, lrW, lrb, lhW, lhb)
    h = jax.nn.relu(H_accum)
    # dropout(p=0.2) -> identity (eval mode)
    h = jax.nn.relu(h @ l1W + l1b)
    h = h @ l2W + l2b
    h = h.reshape(-1, n)
    h = jax.nn.sigmoid(h @ l3W + l3b)
    return h.reshape(-1)

if __name__ == "__main__":
    import jax
    _d = setup_inputs()
    print(jax.jit(kernel)(*tuple(_d.values())))

</pallas_src>

<mosaic_0001>
#map = affine_map<(d0, d1) -> (0, 0)>
module attributes {stable_mosaic.version = 14 : i64} {
  func.func @_deg_body(%arg0: i32, %arg1: i32, %arg2: memref<1280x128xi32, #tpu.memory_space<hbm>>, %arg3: memref<128x1xf32, #tpu.memory_space<hbm>>, %arg4: memref<128x1xf32, #tpu.memory_space<hbm>>, %arg5: memref<20480x1xf32, #tpu.memory_space<hbm>>, %arg6: memref<40x128xi32, #tpu.memory_space<vmem>>, %arg7: memref<128x1xf32, #tpu.memory_space<vmem>>, %arg8: memref<128x1xf32, #tpu.memory_space<vmem>>, %arg9: memref<10240x1xf32, #tpu.memory_space<vmem_shared>>, %arg10: memref<!tpu.dma_semaphore, #tpu.memory_space<semaphore_mem>>) attributes {dimension_semantics = [#tpu.dimension_semantics<core_parallel>, #tpu.dimension_semantics<subcore_parallel>], iteration_bounds = array<i64: 2, 16>, scalar_prefetch = 0 : i64, scratch_operands = 5 : i64, tpu.core_type = #tpu.core_type<sc_vector_subcore>, window_params = [{transform_indices = #map}, {transform_indices = #map}, {transform_indices = #map}, {transform_indices = #map}]} {
    %mul3A = arith.constant 16 : i32
    %mul3A_0 = arith.muli %arg0, %mul3A : i32
    %add3A = arith.addi %mul3A_0, %arg1 : i32
    %mul3A_1 = arith.constant 40 : i32
    %mul3A_2 = arith.muli %add3A, %mul3A_1 : i32
    "tpu.region"() ({
      %run_scoped3A_70 = tpu.sem_alloc : memref<!tpu.dma_semaphore, #tpu.memory_space<semaphore_mem>>
      %dma_start3A = arith.constant 0 : i32
      %dma_start3A_71 = tpu.memref_slice %arg2[%mul3A_2, %dma_start3A] : memref<1280x128xi32, #tpu.memory_space<hbm>> -> memref<40x128xi32, #tpu.memory_space<hbm>>
      %dma_start3A_72 = arith.constant 0 : i32
      %dma_start3A_73 = tpu.memref_slice %arg2[%mul3A_2, %dma_start3A_72] : memref<1280x128xi32, #tpu.memory_space<hbm>> -> memref<40x128xi32, #tpu.memory_space<hbm>>
      tpu.enqueue_dma source(%dma_start3A_73 : memref<40x128xi32, #tpu.memory_space<hbm>>) target(%arg6 : memref<40x128xi32, #tpu.memory_space<vmem>>) target_semaphore(%run_scoped3A_70 : memref<!tpu.dma_semaphore, #tpu.memory_space<semaphore_mem>>)
      %dma_wait3A = arith.constant 0 : i32
      %dma_wait3A_74 = tpu.memref_slice %arg2[%mul3A_2, %dma_wait3A] : memref<1280x128xi32, #tpu.memory_space<hbm>> -> memref<40x128xi32, #tpu.memory_space<hbm>>
      %dma_wait3A_75 = arith.constant 0 : i32
      %dma_wait3A_76 = tpu.memref_slice %arg2[%mul3A_2, %dma_wait3A_75] : memref<1280x128xi32, #tpu.memory_space<hbm>> -> memref<40x128xi32, #tpu.memory_space<hbm>>
      tpu.wait_dma2 semaphore(%run_scoped3A_70 : memref<!tpu.dma_semaphore, #tpu.memory_space<semaphore_mem>>) src(%dma_wait3A_76 : memref<40x128xi32, #tpu.memory_space<hbm>>) dst(%arg6 : memref<40x128xi32, #tpu.memory_space<vmem>>)
      tpu.yield
    }) : () -> ()
    "tpu.region"() ({
      %run_scoped3A_70 = tpu.sem_alloc : memref<!tpu.dma_semaphore, #tpu.memory_space<semaphore_mem>>
      tpu.enqueue_dma source(%arg3 : memref<128x1xf32, #tpu.memory_space<hbm>>) target(%arg7 : memref<128x1xf32, #tpu.memory_space<vmem>>) target_semaphore(%run_scoped3A_70 : memref<!tpu.dma_semaphore, #tpu.memory_space<semaphore_mem>>)
      tpu.wait_dma2 semaphore(%run_scoped3A_70 : memref<!tpu.dma_semaphore, #tpu.memory_space<semaphore_mem>>) src(%arg3 : memref<128x1xf32, #tpu.memory_space<hbm>>) dst(%arg7 : memref<128x1xf32, #tpu.memory_space<vmem>>)
      tpu.yield
    }) : () -> ()
    "tpu.region"() ({
      %run_scoped3A_70 = tpu.sem_alloc : memref<!tpu.dma_semaphore, #tpu.memory_space<semaphore_mem>>
      tpu.enqueue_dma source(%arg4 : memref<128x1xf32, #tpu.memory_space<hbm>>) target(%arg8 : memref<128x1xf32, #tpu.memory_space<vmem>>) target_semaphore(%run_scoped3A_70 : memref<!tpu.dma_semaphore, #tpu.memory_space<semaphore_mem>>)
      tpu.wait_dma2 semaphore(%run_scoped3A_70 : memref<!tpu.dma_semaphore, #tpu.memory_space<semaphore_mem>>) src(%arg4 : memref<128x1xf32, #tpu.memory_space<hbm>>) dst(%arg8 : memref<128x1xf32, #tpu.memory_space<vmem>>)
      tpu.yield
    }) : () -> ()
    %mul3A_3 = arith.constant 640 : i32
    %mul3A_4 = arith.muli %arg1, %mul3A_3 : i32
    %add3A_5 = arith.constant 0 : i32
    %add3A_6 = arith.addi %mul3A_4, %add3A_5 : i32
    "tpu.region"() ({
      %run_scoped3A_70 = tpu.sem_alloc : memref<!tpu.dma_semaphore, #tpu.memory_space<semaphore_mem>>
      %dma_start3A = arith.constant 0 : i32
      %dma_start3A_71 = tpu.memref_slice %arg9[%add3A_6, %dma_start3A] : memref<10240x1xf32, #tpu.memory_space<vmem_shared>> -> memref<128x1xf32, #tpu.memory_space<vmem_shared>>
      %dma_start3A_72 = arith.constant 0 : i32
      %dma_start3A_73 = tpu.memref_slice %arg9[%add3A_6, %dma_start3A_72] : memref<10240x1xf32, #tpu.memory_space<vmem_shared>> -> memref<128x1xf32, #tpu.memory_space<vmem_shared>>
      tpu.enqueue_dma source(%arg8 : memref<128x1xf32, #tpu.memory_space<vmem>>) target(%dma_start3A_73 : memref<128x1xf32, #tpu.memory_space<vmem_shared>>) target_semaphore(%run_scoped3A_70 : memref<!tpu.dma_semaphore, #tpu.memory_space<semaphore_mem>>)
      %dma_wait3A = arith.constant 0 : i32
      %dma_wait3A_74 = tpu.memref_slice %arg9[%add3A_6, %dma_wait3A] : memref<10240x1xf32, #tpu.memory_space<vmem_shared>> -> memref<128x1xf32, #tpu.memory_space<vmem_shared>>
      %dma_wait3A_75 = arith.constant 0 : i32
      %dma_wait3A_76 = tpu.memref_slice %arg9[%add3A_6, %dma_wait3A_75] : memref<10240x1xf32, #tpu.memory_space<vmem_shared>> -> memref<128x1xf32, #tpu.memory_space<vmem_shared>>
      tpu.wait_dma2 semaphore(%run_scoped3A_70 : memref<!tpu.dma_semaphore, #tpu.memory_space<semaphore_mem>>) src(%arg8 : memref<128x1xf32, #tpu.memory_space<vmem>>) dst(%dma_wait3A_76 : memref<128x1xf32, #tpu.memory_space<vmem_shared>>)
      tpu.yield
    }) : () -> ()
    %mul3A_7 = arith.constant 640 : i32
    %mul3A_8 = arith.muli %arg1, %mul3A_7 : i32
    %add3A_9 = arith.constant 128 : i32
    %add3A_10 = arith.addi %mul3A_8, %add3A_9 : i32
    "tpu.region"() ({
      %run_scoped3A_70 = tpu.sem_alloc : memref<!tpu.dma_semaphore, #tpu.memory_space<semaphore_mem>>
      %dma_start3A = arith.constant 0 : i32
      %dma_start3A_71 = tpu.memref_slice %arg9[%add3A_10, %dma_start3A] : memref<10240x1xf32, #tpu.memory_space<vmem_shared>> -> memref<128x1xf32, #tpu.memory_space<vmem_shared>>
      %dma_start3A_72 = arith.constant 0 : i32
      %dma_start3A_73 = tpu.memref_slice %arg9[%add3A_10, %dma_start3A_72] : memref<10240x1xf32, #tpu.memory_space<vmem_shared>> -> memref<128x1xf32, #tpu.memory_space<vmem_shared>>
      tpu.enqueue_dma source(%arg8 : memref<128x1xf32, #tpu.memory_space<vmem>>) target(%dma_start3A_73 : memref<128x1xf32, #tpu.memory_space<vmem_shared>>) target_semaphore(%run_scoped3A_70 : memref<!tpu.dma_semaphore, #tpu.memory_space<semaphore_mem>>)
      %dma_wait3A = arith.constant 0 : i32
      %dma_wait3A_74 = tpu.memref_slice %arg9[%add3A_10, %dma_wait3A] : memref<10240x1xf32, #tpu.memory_space<vmem_shared>> -> memref<128x1xf32, #tpu.memory_space<vmem_shared>>
      %dma_wait3A_75 = arith.constant 0 : i32
      %dma_wait3A_76 = tpu.memref_slice %arg9[%add3A_10, %dma_wait3A_75] : memref<10240x1xf32, #tpu.memory_space<vmem_shared>> -> memref<128x1xf32, #tpu.memory_space<vmem_shared>>
      tpu.wait_dma2 semaphore(%run_scoped3A_70 : memref<!tpu.dma_semaphore, #tpu.memory_space<semaphore_mem>>) src(%arg8 : memref<128x1xf32, #tpu.memory_space<vmem>>) dst(%dma_wait3A_76 : memref<128x1xf32, #tpu.memory_space<vmem_shared>>)
      tpu.yield
    }) : () -> ()
    %mul3A_11 = arith.constant 640 : i32
    %mul3A_12 = arith.muli %arg1, %mul3A_11 : i32
    %add3A_13 = arith.constant 256 : i32
    %add3A_14 = arith.addi %mul3A_12, %add3A_13 : i32
    "tpu.region"() ({
      %run_scoped3A_70 = tpu.sem_alloc : memref<!tpu.dma_semaphore, #tpu.memory_space<semaphore_mem>>
      %dma_start3A = arith.constant 0 : i32
      %dma_start3A_71 = tpu.memref_slice %arg9[%add3A_14, %dma_start3A] : memref<10240x1xf32, #tpu.memory_space<vmem_shared>> -> memref<128x1xf32, #tpu.memory_space<vmem_shared>>
      %dma_start3A_72 = arith.constant 0 : i32
      %dma_start3A_73 = tpu.memref_slice %arg9[%add3A_14, %dma_start3A_72] : memref<10240x1xf32, #tpu.memory_space<vmem_shared>> -> memref<128x1xf32, #tpu.memory_space<vmem_shared>>
      tpu.enqueue_dma source(%arg8 : memref<128x1xf32, #tpu.memory_space<vmem>>) target(%dma_start3A_73 : memref<128x1xf32, #tpu.memory_space<vmem_shared>>) target_semaphore(%run_scoped3A_70 : memref<!tpu.dma_semaphore, #tpu.memory_space<semaphore_mem>>)
      %dma_wait3A = arith.constant 0 : i32
      %dma_wait3A_74 = tpu.memref_slice %arg9[%add3A_14, %dma_wait3A] : memref<10240x1xf32, #tpu.memory_space<vmem_shared>> -> memref<128x1xf32, #tpu.memory_space<vmem_shared>>
      %dma_wait3A_75 = arith.constant 0 : i32
      %dma_wait3A_76 = tpu.memref_slice %arg9[%add3A_14, %dma_wait3A_75] : memref<10240x1xf32, #tpu.memory_space<vmem_shared>> -> memref<128x1xf32, #tpu.memory_space<vmem_shared>>
      tpu.wait_dma2 semaphore(%run_scoped3A_70 : memref<!tpu.dma_semaphore, #tpu.memory_space<semaphore_mem>>) src(%arg8 : memref<128x1xf32, #tpu.memory_space<vmem>>) dst(%dma_wait3A_76 : memref<128x1xf32, #tpu.memory_space<vmem_shared>>)
      tpu.yield
    }) : () -> ()
    %mul3A_15 = arith.constant 640 : i32
    %mul3A_16 = arith.muli %arg1, %mul3A_15 : i32
    %add3A_17 = arith.constant 384 : i32
    %add3A_18 = arith.addi %mul3A_16, %add3A_17 : i32
    "tpu.region"() ({
      %run_scoped3A_70 = tpu.sem_alloc : memref<!tpu.dma_semaphore, #tpu.memory_space<semaphore_mem>>
      %dma_start3A = arith.constant 0 : i32
      %dma_start3A_71 = tpu.memref_slice %arg9[%add3A_18, %dma_start3A] : memref<10240x1xf32, #tpu.memory_space<vmem_shared>> -> memref<128x1xf32, #tpu.memory_space<vmem_shared>>
      %dma_start3A_72 = arith.constant 0 : i32
      %dma_start3A_73 = tpu.memref_slice %arg9[%add3A_18, %dma_start3A_72] : memref<10240x1xf32, #tpu.memory_space<vmem_shared>> -> memref<128x1xf32, #tpu.memory_space<vmem_shared>>
      tpu.enqueue_dma source(%arg8 : memref<128x1xf32, #tpu.memory_space<vmem>>) target(%dma_start3A_73 : memref<128x1xf32, #tpu.memory_space<vmem_shared>>) target_semaphore(%run_scoped3A_70 : memref<!tpu.dma_semaphore, #tpu.memory_space<semaphore_mem>>)
      %dma_wait3A = arith.constant 0 : i32
      %dma_wait3A_74 = tpu.memref_slice %arg9[%add3A_18, %dma_wait3A] : memref<10240x1xf32, #tpu.memory_space<vmem_shared>> -> memref<128x1xf32, #tpu.memory_space<vmem_shared>>
      %dma_wait3A_75 = arith.constant 0 : i32
      %dma_wait3A_76 = tpu.memref_slice %arg9[%add3A_18, %dma_wait3A_75] : memref<10240x1xf32, #tpu.memory_space<vmem_shared>> -> memref<128x1xf32, #tpu.memory_space<vmem_shared>>
      tpu.wait_dma2 semaphore(%run_scoped3A_70 : memref<!tpu.dma_semaphore, #tpu.memory_space<semaphore_mem>>) src(%arg8 : memref<128x1xf32, #tpu.memory_space<vmem>>) dst(%dma_wait3A_76 : memref<128x1xf32, #tpu.memory_space<vmem_shared>>)
      tpu.yield
    }) : () -> ()
    %mul3A_19 = arith.constant 640 : i32
    %mul3A_20 = arith.muli %arg1, %mul3A_19 : i32
    %add3A_21 = arith.constant 512 : i32
    %add3A_22 = arith.addi %mul3A_20, %add3A_21 : i32
    "tpu.region"() ({
      %run_scoped3A_70 = tpu.sem_alloc : memref<!tpu.dma_semaphore, #tpu.memory_space<semaphore_mem>>
      %dma_start3A = arith.constant 0 : i32
      %dma_start3A_71 = tpu.memref_slice %arg9[%add3A_22, %dma_start3A] : memref<10240x1xf32, #tpu.memory_space<vmem_shared>> -> memref<128x1xf32, #tpu.memory_space<vmem_shared>>
      %dma_start3A_72 = arith.constant 0 : i32
      %dma_start3A_73 = tpu.memref_slice %arg9[%add3A_22, %dma_start3A_72] : memref<10240x1xf32, #tpu.memory_space<vmem_shared>> -> memref<128x1xf32, #tpu.memory_space<vmem_shared>>
      tpu.enqueue_dma source(%arg8 : memref<128x1xf32, #tpu.memory_space<vmem>>) target(%dma_start3A_73 : memref<128x1xf32, #tpu.memory_space<vmem_shared>>) target_semaphore(%run_scoped3A_70 : memref<!tpu.dma_semaphore, #tpu.memory_space<semaphore_mem>>)
      %dma_wait3A = arith.constant 0 : i32
      %dma_wait3A_74 = tpu.memref_slice %arg9[%add3A_22, %dma_wait3A] : memref<10240x1xf32, #tpu.memory_space<vmem_shared>> -> memref<128x1xf32, #tpu.memory_space<vmem_shared>>
      %dma_wait3A_75 = arith.constant 0 : i32
      %dma_wait3A_76 = tpu.memref_slice %arg9[%add3A_22, %dma_wait3A_75] : memref<10240x1xf32, #tpu.memory_space<vmem_shared>> -> memref<128x1xf32, #tpu.memory_space<vmem_shared>>
      tpu.wait_dma2 semaphore(%run_scoped3A_70 : memref<!tpu.dma_semaphore, #tpu.memory_space<semaphore_mem>>) src(%arg8 : memref<128x1xf32, #tpu.memory_space<vmem>>) dst(%dma_wait3A_76 : memref<128x1xf32, #tpu.memory_space<vmem_shared>>)
      tpu.yield
    }) : () -> ()
    %barrier3A = arith.constant 0 : index
    tpu.barrier barrier_id(%barrier3A)
    %run_scoped3A = arith.constant 0 : i32
    "tpu.region"() ({
      %run_scoped3A_70 = tpu.sem_alloc : memref<!tpu.dma_semaphore, #tpu.memory_space<semaphore_mem>>
      %dma_start3A = arith.constant 0 : i32
      %dma_start3A_71 = tpu.memref_slice %arg6[%run_scoped3A, %dma_start3A] : memref<40x128xi32, #tpu.memory_space<vmem>> -> memref<1x128xi32, #tpu.memory_space<vmem>>
      %dma_start3A_72 = tpu.memref_squeeze %dma_start3A_71 : memref<1x128xi32, #tpu.memory_space<vmem>> -> memref<128xi32, #tpu.memory_space<vmem>>
      %dma_start3A_73 = arith.constant 0 : i32
      %dma_start3A_74 = arith.constant 0 : i32
      %dma_start3A_75 = tpu.memref_slice %arg9[%dma_start3A_73, %dma_start3A_74] : memref<10240x1xf32, #tpu.memory_space<vmem_shared>> -> memref<10240x1xf32, #tpu.memory_space<vmem_shared>>
      tpu.enqueue_indirect_dma source(%arg7 : memref<128x1xf32, #tpu.memory_space<vmem>>) target(%dma_start3A_75 : memref<10240x1xf32, #tpu.memory_space<vmem_shared>>) offsets(%dma_start3A_72 : memref<128xi32, #tpu.memory_space<vmem>>) semaphore(%run_scoped3A_70 : memref<!tpu.dma_semaphore, #tpu.memory_space<semaphore_mem>>) {add = true}
      %dma_wait3A = arith.constant 0 : i32
      %dma_wait3A_76 = tpu.memref_slice %arg6[%run_scoped3A, %dma_wait3A] : memref<40x128xi32, #tpu.memory_space<vmem>> -> memref<1x128xi32, #tpu.memory_space<vmem>>
      %dma_wait3A_77 = tpu.memref_squeeze %dma_wait3A_76 : memref<1x128xi32, #tpu.memory_space<vmem>> -> memref<128xi32, #tpu.memory_space<vmem>>
      %dma_wait3A_78 = arith.constant 0 : i32
      %dma_wait3A_79 = arith.constant 0 : i32
      %dma_wait3A_80 = tpu.memref_slice %arg9[%dma_wait3A_78, %dma_wait3A_79] : memref<10240x1xf32, #tpu.memory_space<vmem_shared>> -> memref<10240x1xf32, #tpu.memory_space<vmem_shared>>
      tpu.wait_indirect_dma semaphore(%run_scoped3A_70 : memref<!tpu.dma_semaphore, #tpu.memory_space<semaphore_mem>>) src(%arg7 : memref<128x1xf32, #tpu.memory_space<vmem>>) dst(%dma_wait3A_80 : memref<10240x1xf32, #tpu.memory_space<vmem_shared>>)
      tpu.yield
    }) : () -> ()
    %run_scoped3A_23 = arith.constant 1 : i32
    "tpu.region"() ({
      %run_scoped3A_70 = tpu.sem_alloc : memref<!tpu.dma_semaphore, #tpu.memory_space<semaphore_mem>>
      %dma_start3A = arith.constant 0 : i32
      %dma_start3A_71 = tpu.memref_slice %arg6[%run_scoped3A_23, %dma_start3A] : memref<40x128xi32, #tpu.memory_space<vmem>> -> memref<1x128xi32, #tpu.memory_space<vmem>>
      %dma_start3A_72 = tpu.memref_squeeze %dma_start3A_71 : memref<1x128xi32, #tpu.memory_space<vmem>> -> memref<128xi32, #tpu.memory_space<vmem>>
      %dma_start3A_73 = arith.constant 0 : i32
      %dma_start3A_74 = arith.constant 0 : i32
      %dma_start3A_75 = tpu.memref_slice %arg9[%dma_start3A_73, %dma_start3A_74] : memref<10240x1xf32, #tpu.memory_space<vmem_shared>> -> memref<10240x1xf32, #tpu.memory_space<vmem_shared>>
      tpu.enqueue_indirect_dma source(%arg7 : memref<128x1xf32, #tpu.memory_space<vmem>>) target(%dma_start3A_75 : memref<10240x1xf32, #tpu.memory_space<vmem_shared>>) offsets(%dma_start3A_72 : memref<128xi32, #tpu.memory_space<vmem>>) semaphore(%run_scoped3A_70 : memref<!tpu.dma_semaphore, #tpu.memory_space<semaphore_mem>>) {add = true}
      %dma_wait3A = arith.constant 0 : i32
      %dma_wait3A_76 = tpu.memref_slice %arg6[%run_scoped3A_23, %dma_wait3A] : memref<40x128xi32, #tpu.memory_space<vmem>> -> memref<1x128xi32, #tpu.memory_space<vmem>>
      %dma_wait3A_77 = tpu.memref_squeeze %dma_wait3A_76 : memref<1x128xi32, #tpu.memory_space<vmem>> -> memref<128xi32, #tpu.memory_space<vmem>>
      %dma_wait3A_78 = arith.constant 0 : i32
      %dma_wait3A_79 = arith.constant 0 : i32
      %dma_wait3A_80 = tpu.memref_slice %arg9[%dma_wait3A_78, %dma_wait3A_79] : memref<10240x1xf32, #tpu.memory_space<vmem_shared>> -> memref<10240x1xf32, #tpu.memory_space<vmem_shared>>
      tpu.wait_indirect_dma semaphore(%run_scoped3A_70 : memref<!tpu.dma_semaphore, #tpu.memory_space<semaphore_mem>>) src(%arg7 : memref<128x1xf32, #tpu.memory_space<vmem>>) dst(%dma_wait3A_80 : memref<10240x1xf32, #tpu.memory_space<vmem_shared>>)
      tpu.yield
    }) : () -> ()
    %run_scoped3A_24 = arith.constant 2 : i32
    "tpu.region"() ({
      %run_scoped3A_70 = tpu.sem_alloc : memref<!tpu.dma_semaphore, #tpu.memory_space<semaphore_mem>>
      %dma_start3A = arith.constant 0 : i32
      %dma_start3A_71 = tpu.memref_slice %arg6[%run_scoped3A_24, %dma_start3A] : memref<40x128xi32, #tpu.memory_space<vmem>> -> memref<1x128xi32, #tpu.memory_space<vmem>>
      %dma_start3A_72 = tpu.memref_squeeze %dma_start3A_71 : memref<1x128xi32, #tpu.memory_space<vmem>> -> memref<128xi32, #tpu.memory_space<vmem>>
      %dma_start3A_73 = arith.constant 0 : i32
      %dma_start3A_74 = arith.constant 0 : i32
      %dma_start3A_75 = tpu.memref_slice %arg9[%dma_start3A_73, %dma_start3A_74] : memref<10240x1xf32, #tpu.memory_space<vmem_shared>> -> memref<10240x1xf32, #tpu.memory_space<vmem_shared>>
      tpu.enqueue_indirect_dma source(%arg7 : memref<128x1xf32, #tpu.memory_space<vmem>>) target(%dma_start3A_75 : memref<10240x1xf32, #tpu.memory_space<vmem_shared>>) offsets(%dma_start3A_72 : memref<128xi32, #tpu.memory_space<vmem>>) semaphore(%run_scoped3A_70 : memref<!tpu.dma_semaphore, #tpu.memory_space<semaphore_mem>>) {add = true}
      %dma_wait3A = arith.constant 0 : i32
      %dma_wait3A_76 = tpu.memref_slice %arg6[%run_scoped3A_24, %dma_wait3A] : memref<40x128xi32, #tpu.memory_space<vmem>> -> memref<1x128xi32, #tpu.memory_space<vmem>>
      %dma_wait3A_77 = tpu.memref_squeeze %dma_wait3A_76 : memref<1x128xi32, #tpu.memory_space<vmem>> -> memref<128xi32, #tpu.memory_space<vmem>>
      %dma_wait3A_78 = arith.constant 0 : i32
      %dma_wait3A_79 = arith.constant 0 : i32
      %dma_wait3A_80 = tpu.memref_slice %arg9[%dma_wait3A_78, %dma_wait3A_79] : memref<10240x1xf32, #tpu.memory_space<vmem_shared>> -> memref<10240x1xf32, #tpu.memory_space<vmem_shared>>
      tpu.wait_indirect_dma semaphore(%run_scoped3A_70 : memref<!tpu.dma_semaphore, #tpu.memory_space<semaphore_mem>>) src(%arg7 : memref<128x1xf32, #tpu.memory_space<vmem>>) dst(%dma_wait3A_80 : memref<10240x1xf32, #tpu.memory_space<vmem_shared>>)
      tpu.yield
    }) : () -> ()
    %run_scoped3A_25 = arith.constant 3 : i32
    "tpu.region"() ({
      %run_scoped3A_70 = tpu.sem_alloc : memref<!tpu.dma_semaphore, #tpu.memory_space<semaphore_mem>>
      %dma_start3A = arith.constant 0 : i32
      %dma_start3A_71 = tpu.memref_slice %arg6[%run_scoped3A_25, %dma_start3A] : memref<40x128xi32, #tpu.memory_space<vmem>> -> memref<1x128xi32, #tpu.memory_space<vmem>>
      %dma_start3A_72 = tpu.memref_squeeze %dma_start3A_71 : memref<1x128xi32, #tpu.memory_space<vmem>> -> memref<128xi32, #tpu.memory_space<vmem>>
      %dma_start3A_73 = arith.constant 0 : i32
      %dma_start3A_74 = arith.constant 0 : i32
      %dma_start3A_75 = tpu.memref_slice %arg9[%dma_start3A_73, %dma_start3A_74] : memref<10240x1xf32, #tpu.memory_space<vmem_shared>> -> memref<10240x1xf32, #tpu.memory_space<vmem_shared>>
      tpu.enqueue_indirect_dma source(%arg7 : memref<128x1xf32, #tpu.memory_space<vmem>>) target(%dma_start3A_75 : memref<10240x1xf32, #tpu.memory_space<vmem_shared>>) offsets(%dma_start3A_72 : memref<128xi32, #tpu.memory_space<vmem>>) semaphore(%run_scoped3A_70 : memref<!tpu.dma_semaphore, #tpu.memory_space<semaphore_mem>>) {add = true}
      %dma_wait3A = arith.constant 0 : i32
      %dma_wait3A_76 = tpu.memref_slice %arg6[%run_scoped3A_25, %dma_wait3A] : memref<40x128xi32, #tpu.memory_space<vmem>> -> memref<1x128xi32, #tpu.memory_space<vmem>>
      %dma_wait3A_77 = tpu.memref_squeeze %dma_wait3A_76 : memref<1x128xi32, #tpu.memory_space<vmem>> -> memref<128xi32, #tpu.memory_space<vmem>>
      %dma_wait3A_78 = arith.constant 0 : i32
      %dma_wait3A_79 = arith.constant 0 : i32
      %dma_wait3A_80 = tpu.memref_slice %arg9[%dma_wait3A_78, %dma_wait3A_79] : memref<10240x1xf32, #tpu.memory_space<vmem_shared>> -> memref<10240x1xf32, #tpu.memory_space<vmem_shared>>
      tpu.wait_indirect_dma semaphore(%run_scoped3A_70 : memref<!tpu.dma_semaphore, #tpu.memory_space<semaphore_mem>>) src(%arg7 : memref<128x1xf32, #tpu.memory_space<vmem>>) dst(%dma_wait3A_80 : memref<10240x1xf32, #tpu.memory_space<vmem_shared>>)
      tpu.yield
    }) : () -> ()
    %run_scoped3A_26 = arith.constant 4 : i32
    "tpu.region"() ({
      %run_scoped3A_70 = tpu.sem_alloc : memref<!tpu.dma_semaphore, #tpu.memory_space<semaphore_mem>>
      %dma_start3A = arith.constant 0 : i32
      %dma_start3A_71 = tpu.memref_slice %arg6[%run_scoped3A_26, %dma_start3A] : memref<40x128xi32, #tpu.memory_space<vmem>> -> memref<1x128xi32, #tpu.memory_space<vmem>>
      %dma_start3A_72 = tpu.memref_squeeze %dma_start3A_71 : memref<1x128xi32, #tpu.memory_space<vmem>> -> memref<128xi32, #tpu.memory_space<vmem>>
      %dma_start3A_73 = arith.constant 0 : i32
      %dma_start3A_74 = arith.constant 0 : i32
      %dma_start3A_75 = tpu.memref_slice %arg9[%dma_start3A_73, %dma_start3A_74] : memref<10240x1xf32, #tpu.memory_space<vmem_shared>> -> memref<10240x1xf32, #tpu.memory_space<vmem_shared>>
      tpu.enqueue_indirect_dma source(%arg7 : memref<128x1xf32, #tpu.memory_space<vmem>>) target(%dma_start3A_75 : memref<10240x1xf32, #tpu.memory_space<vmem_shared>>) offsets(%dma_start3A_72 : memref<128xi32, #tpu.memory_space<vmem>>) semaphore(%run_scoped3A_70 : memref<!tpu.dma_semaphore, #tpu.memory_space<semaphore_mem>>) {add = true}
      %dma_wait3A = arith.constant 0 : i32
      %dma_wait3A_76 = tpu.memref_slice %arg6[%run_scoped3A_26, %dma_wait3A] : memref<40x128xi32, #tpu.memory_space<vmem>> -> memref<1x128xi32, #tpu.memory_space<vmem>>
      %dma_wait3A_77 = tpu.memref_squeeze %dma_wait3A_76 : memref<1x128xi32, #tpu.memory_space<vmem>> -> memref<128xi32, #tpu.memory_space<vmem>>
      %dma_wait3A_78 = arith.constant 0 : i32
      %dma_wait3A_79 = arith.constant 0 : i32
      %dma_wait3A_80 = tpu.memref_slice %arg9[%dma_wait3A_78, %dma_wait3A_79] : memref<10240x1xf32, #tpu.memory_space<vmem_shared>> -> memref<10240x1xf32, #tpu.memory_space<vmem_shared>>
      tpu.wait_indirect_dma semaphore(%run_scoped3A_70 : memref<!tpu.dma_semaphore, #tpu.memory_space<semaphore_mem>>) src(%arg7 : memref<128x1xf32, #tpu.memory_space<vmem>>) dst(%dma_wait3A_80 : memref<10240x1xf32, #tpu.memory_space<vmem_shared>>)
      tpu.yield
    }) : () -> ()
    %run_scoped3A_27 = arith.constant 5 : i32
    "tpu.region"() ({
      %run_scoped3A_70 = tpu.sem_alloc : memref<!tpu.dma_semaphore, #tpu.memory_space<semaphore_mem>>
      %dma_start3A = arith.constant 0 : i32
      %dma_start3A_71 = tpu.memref_slice %arg6[%run_scoped3A_27, %dma_start3A] : memref<40x128xi32, #tpu.memory_space<vmem>> -> memref<1x128xi32, #tpu.memory_space<vmem>>
      %dma_start3A_72 = tpu.memref_squeeze %dma_start3A_71 : memref<1x128xi32, #tpu.memory_space<vmem>> -> memref<128xi32, #tpu.memory_space<vmem>>
      %dma_start3A_73 = arith.constant 0 : i32
      %dma_start3A_74 = arith.constant 0 : i32
      %dma_start3A_75 = tpu.memref_slice %arg9[%dma_start3A_73, %dma_start3A_74] : memref<10240x1xf32, #tpu.memory_space<vmem_shared>> -> memref<10240x1xf32, #tpu.memory_space<vmem_shared>>
      tpu.enqueue_indirect_dma source(%arg7 : memref<128x1xf32, #tpu.memory_space<vmem>>) target(%dma_start3A_75 : memref<10240x1xf32, #tpu.memory_space<vmem_shared>>) offsets(%dma_start3A_72 : memref<128xi32, #tpu.memory_space<vmem>>) semaphore(%run_scoped3A_70 : memref<!tpu.dma_semaphore, #tpu.memory_space<semaphore_mem>>) {add = true}
      %dma_wait3A = arith.constant 0 : i32
      %dma_wait3A_76 = tpu.memref_slice %arg6[%run_scoped3A_27, %dma_wait3A] : memref<40x128xi32, #tpu.memory_space<vmem>> -> memref<1x128xi32, #tpu.memory_space<vmem>>
      %dma_wait3A_77 = tpu.memref_squeeze %dma_wait3A_76 : memref<1x128xi32, #tpu.memory_space<vmem>> -> memref<128xi32, #tpu.memory_space<vmem>>
      %dma_wait3A_78 = arith.constant 0 : i32
      %dma_wait3A_79 = arith.constant 0 : i32
      %dma_wait3A_80 = tpu.memref_slice %arg9[%dma_wait3A_78, %dma_wait3A_79] : memref<10240x1xf32, #tpu.memory_space<vmem_shared>> -> memref<10240x1xf32, #tpu.memory_space<vmem_shared>>
      tpu.wait_indirect_dma semaphore(%run_scoped3A_70 : memref<!tpu.dma_semaphore, #tpu.memory_space<semaphore_mem>>) src(%arg7 : memref<128x1xf32, #tpu.memory_space<vmem>>) dst(%dma_wait3A_80 : memref<10240x1xf32, #tpu.memory_space<vmem_shared>>)
      tpu.yield
    }) : () -> ()
    %run_scoped3A_28 = arith.constant 6 : i32
    "tpu.region"() ({
      %run_scoped3A_70 = tpu.sem_alloc : memref<!tpu.dma_semaphore, #tpu.memory_space<semaphore_mem>>
      %dma_start3A = arith.constant 0 : i32
      %dma_start3A_71 = tpu.memref_slice %arg6[%run_scoped3A_28, %dma_start3A] : memref<40x128xi32, #tpu.memory_space<vmem>> -> memref<1x128xi32, #tpu.memory_space<vmem>>
      %dma_start3A_72 = tpu.memref_squeeze %dma_start3A_71 : memref<1x128xi32, #tpu.memory_space<vmem>> -> memref<128xi32, #tpu.memory_space<vmem>>
      %dma_start3A_73 = arith.constant 0 : i32
      %dma_start3A_74 = arith.constant 0 : i32
      %dma_start3A_75 = tpu.memref_slice %arg9[%dma_start3A_73, %dma_start3A_74] : memref<10240x1xf32, #tpu.memory_space<vmem_shared>> -> memref<10240x1xf32, #tpu.memory_space<vmem_shared>>
      tpu.enqueue_indirect_dma source(%arg7 : memref<128x1xf32, #tpu.memory_space<vmem>>) target(%dma_start3A_75 : memref<10240x1xf32, #tpu.memory_space<vmem_shared>>) offsets(%dma_start3A_72 : memref<128xi32, #tpu.memory_space<vmem>>) semaphore(%run_scoped3A_70 : memref<!tpu.dma_semaphore, #tpu.memory_space<semaphore_mem>>) {add = true}
      %dma_wait3A = arith.constant 0 : i32
      %dma_wait3A_76 = tpu.memref_slice %arg6[%run_scoped3A_28, %dma_wait3A] : memref<40x128xi32, #tpu.memory_space<vmem>> -> memref<1x128xi32, #tpu.memory_space<vmem>>
      %dma_wait3A_77 = tpu.memref_squeeze %dma_wait3A_76 : memref<1x128xi32, #tpu.memory_space<vmem>> -> memref<128xi32, #tpu.memory_space<vmem>>
      %dma_wait3A_78 = arith.constant 0 : i32
      %dma_wait3A_79 = arith.constant 0 : i32
      %dma_wait3A_80 = tpu.memref_slice %arg9[%dma_wait3A_78, %dma_wait3A_79] : memref<10240x1xf32, #tpu.memory_space<vmem_shared>> -> memref<10240x1xf32, #tpu.memory_space<vmem_shared>>
      tpu.wait_indirect_dma semaphore(%run_scoped3A_70 : memref<!tpu.dma_semaphore, #tpu.memory_space<semaphore_mem>>) src(%arg7 : memref<128x1xf32, #tpu.memory_space<vmem>>) dst(%dma_wait3A_80 : memref<10240x1xf32, #tpu.memory_space<vmem_shared>>)
      tpu.yield
    }) : () -> ()
    %run_scoped3A_29 = arith.constant 7 : i32
    "tpu.region"() ({
      %run_scoped3A_70 = tpu.sem_alloc : memref<!tpu.dma_semaphore, #tpu.memory_space<semaphore_mem>>
      %dma_start3A = arith.constant 0 : i32
      %dma_start3A_71 = tpu.memref_slice %arg6[%run_scoped3A_29, %dma_start3A] : memref<40x128xi32, #tpu.memory_space<vmem>> -> memref<1x128xi32, #tpu.memory_space<vmem>>
      %dma_start3A_72 = tpu.memref_squeeze %dma_start3A_71 : memref<1x128xi32, #tpu.memory_space<vmem>> -> memref<128xi32, #tpu.memory_space<vmem>>
      %dma_start3A_73 = arith.constant 0 : i32
      %dma_start3A_74 = arith.constant 0 : i32
      %dma_start3A_75 = tpu.memref_slice %arg9[%dma_start3A_73, %dma_start3A_74] : memref<10240x1xf32, #tpu.memory_space<vmem_shared>> -> memref<10240x1xf32, #tpu.memory_space<vmem_shared>>
      tpu.enqueue_indirect_dma source(%arg7 : memref<128x1xf32, #tpu.memory_space<vmem>>) target(%dma_start3A_75 : memref<10240x1xf32, #tpu.memory_space<vmem_shared>>) offsets(%dma_start3A_72 : memref<128xi32, #tpu.memory_space<vmem>>) semaphore(%run_scoped3A_70 : memref<!tpu.dma_semaphore, #tpu.memory_space<semaphore_mem>>) {add = true}
      %dma_wait3A = arith.constant 0 : i32
      %dma_wait3A_76 = tpu.memref_slice %arg6[%run_scoped3A_29, %dma_wait3A] : memref<40x128xi32, #tpu.memory_space<vmem>> -> memref<1x128xi32, #tpu.memory_space<vmem>>
      %dma_wait3A_77 = tpu.memref_squeeze %dma_wait3A_76 : memref<1x128xi32, #tpu.memory_space<vmem>> -> memref<128xi32, #tpu.memory_space<vmem>>
      %dma_wait3A_78 = arith.constant 0 : i32
      %dma_wait3A_79 = arith.constant 0 : i32
      %dma_wait3A_80 = tpu.memref_slice %arg9[%dma_wait3A_78, %dma_wait3A_79] : memref<10240x1xf32, #tpu.memory_space<vmem_shared>> -> memref<10240x1xf32, #tpu.memory_space<vmem_shared>>
      tpu.wait_indirect_dma semaphore(%run_scoped3A_70 : memref<!tpu.dma_semaphore, #tpu.memory_space<semaphore_mem>>) src(%arg7 : memref<128x1xf32, #tpu.memory_space<vmem>>) dst(%dma_wait3A_80 : memref<10240x1xf32, #tpu.memory_space<vmem_shared>>)
      tpu.yield
    }) : () -> ()
    %run_scoped3A_30 = arith.constant 8 : i32
    "tpu.region"() ({
      %run_scoped3A_70 = tpu.sem_alloc : memref<!tpu.dma_semaphore, #tpu.memory_space<semaphore_mem>>
      %dma_start3A = arith.constant 0 : i32
      %dma_start3A_71 = tpu.memref_slice %arg6[%run_scoped3A_30, %dma_start3A] : memref<40x128xi32, #tpu.memory_space<vmem>> -> memref<1x128xi32, #tpu.memory_space<vmem>>
      %dma_start3A_72 = tpu.memref_squeeze %dma_start3A_71 : memref<1x128xi32, #tpu.memory_space<vmem>> -> memref<128xi32, #tpu.memory_space<vmem>>
      %dma_start3A_73 = arith.constant 0 : i32
      %dma_start3A_74 = arith.constant 0 : i32
      %dma_start3A_75 = tpu.memref_slice %arg9[%dma_start3A_73, %dma_start3A_74] : memref<10240x1xf32, #tpu.memory_space<vmem_shared>> -> memref<10240x1xf32, #tpu.memory_space<vmem_shared>>
      tpu.enqueue_indirect_dma source(%arg7 : memref<128x1xf32, #tpu.memory_space<vmem>>) target(%dma_start3A_75 : memref<10240x1xf32, #tpu.memory_space<vmem_shared>>) offsets(%dma_start3A_72 : memref<128xi32, #tpu.memory_space<vmem>>) semaphore(%run_scoped3A_70 : memref<!tpu.dma_semaphore, #tpu.memory_space<semaphore_mem>>) {add = true}
      %dma_wait3A = arith.constant 0 : i32
      %dma_wait3A_76 = tpu.memref_slice %arg6[%run_scoped3A_30, %dma_wait3A] : memref<40x128xi32, #tpu.memory_space<vmem>> -> memref<1x128xi32, #tpu.memory_space<vmem>>
      %dma_wait3A_77 = tpu.memref_squeeze %dma_wait3A_76 : memref<1x128xi32, #tpu.memory_space<vmem>> -> memref<128xi32, #tpu.memory_space<vmem>>
      %dma_wait3A_78 = arith.constant 0 : i32
      %dma_wait3A_79 = arith.constant 0 : i32
      %dma_wait3A_80 = tpu.memref_slice %arg9[%dma_wait3A_78, %dma_wait3A_79] : memref<10240x1xf32, #tpu.memory_space<vmem_shared>> -> memref<10240x1xf32, #tpu.memory_space<vmem_shared>>
      tpu.wait_indirect_dma semaphore(%run_scoped3A_70 : memref<!tpu.dma_semaphore, #tpu.memory_space<semaphore_mem>>) src(%arg7 : memref<128x1xf32, #tpu.memory_space<vmem>>) dst(%dma_wait3A_80 : memref<10240x1xf32, #tpu.memory_space<vmem_shared>>)
      tpu.yield
    }) : () -> ()
    %run_scoped3A_31 = arith.constant 9 : i32
    "tpu.region"() ({
      %run_scoped3A_70 = tpu.sem_alloc : memref<!tpu.dma_semaphore, #tpu.memory_space<semaphore_mem>>
      %dma_start3A = arith.constant 0 : i32
      %dma_start3A_71 = tpu.memref_slice %arg6[%run_scoped3A_31, %dma_start3A] : memref<40x128xi32, #tpu.memory_space<vmem>> -> memref<1x128xi32, #tpu.memory_space<vmem>>
      %dma_start3A_72 = tpu.memref_squeeze %dma_start3A_71 : memref<1x128xi32, #tpu.memory_space<vmem>> -> memref<128xi32, #tpu.memory_space<vmem>>
      %dma_start3A_73 = arith.constant 0 : i32
      %dma_start3A_74 = arith.constant 0 : i32
      %dma_start3A_75 = tpu.memref_slice %arg9[%dma_start3A_73, %dma_start3A_74] : memref<10240x1xf32, #tpu.memory_space<vmem_shared>> -> memref<10240x1xf32, #tpu.memory_space<vmem_shared>>
      tpu.enqueue_indirect_dma source(%arg7 : memref<128x1xf32, #tpu.memory_space<vmem>>) target(%dma_start3A_75 : memref<10240x1xf32, #tpu.memory_space<vmem_shared>>) offsets(%dma_start3A_72 : memref<128xi32, #tpu.memory_space<vmem>>) semaphore(%run_scoped3A_70 : memref<!tpu.dma_semaphore, #tpu.memory_space<semaphore_mem>>) {add = true}
      %dma_wait3A = arith.constant 0 : i32
      %dma_wait3A_76 = tpu.memref_slice %arg6[%run_scoped3A_31, %dma_wait3A] : memref<40x128xi32, #tpu.memory_space<vmem>> -> memref<1x128xi32, #tpu.memory_space<vmem>>
      %dma_wait3A_77 = tpu.memref_squeeze %dma_wait3A_76 : memref<1x128xi32, #tpu.memory_space<vmem>> -> memref<128xi32, #tpu.memory_space<vmem>>
      %dma_wait3A_78 = arith.constant 0 : i32
      %dma_wait3A_79 = arith.constant 0 : i32
      %dma_wait3A_80 = tpu.memref_slice %arg9[%dma_wait3A_78, %dma_wait3A_79] : memref<10240x1xf32, #tpu.memory_space<vmem_shared>> -> memref<10240x1xf32, #tpu.memory_space<vmem_shared>>
      tpu.wait_indirect_dma semaphore(%run_scoped3A_70 : memref<!tpu.dma_semaphore, #tpu.memory_space<semaphore_mem>>) src(%arg7 : memref<128x1xf32, #tpu.memory_space<vmem>>) dst(%dma_wait3A_80 : memref<10240x1xf32, #tpu.memory_space<vmem_shared>>)
      tpu.yield
    }) : () -> ()
    %run_scoped3A_32 = arith.constant 10 : i32
    "tpu.region"() ({
      %run_scoped3A_70 = tpu.sem_alloc : memref<!tpu.dma_semaphore, #tpu.memory_space<semaphore_mem>>
      %dma_start3A = arith.constant 0 : i32
      %dma_start3A_71 = tpu.memref_slice %arg6[%run_scoped3A_32, %dma_start3A] : memref<40x128xi32, #tpu.memory_space<vmem>> -> memref<1x128xi32, #tpu.memory_space<vmem>>
      %dma_start3A_72 = tpu.memref_squeeze %dma_start3A_71 : memref<1x128xi32, #tpu.memory_space<vmem>> -> memref<128xi32, #tpu.memory_space<vmem>>
      %dma_start3A_73 = arith.constant 0 : i32
      %dma_start3A_74 = arith.constant 0 : i32
      %dma_start3A_75 = tpu.memref_slice %arg9[%dma_start3A_73, %dma_start3A_74] : memref<10240x1xf32, #tpu.memory_space<vmem_shared>> -> memref<10240x1xf32, #tpu.memory_space<vmem_shared>>
      tpu.enqueue_indirect_dma source(%arg7 : memref<128x1xf32, #tpu.memory_space<vmem>>) target(%dma_start3A_75 : memref<10240x1xf32, #tpu.memory_space<vmem_shared>>) offsets(%dma_start3A_72 : memref<128xi32, #tpu.memory_space<vmem>>) semaphore(%run_scoped3A_70 : memref<!tpu.dma_semaphore, #tpu.memory_space<semaphore_mem>>) {add = true}
      %dma_wait3A = arith.constant 0 : i32
      %dma_wait3A_76 = tpu.memref_slice %arg6[%run_scoped3A_32, %dma_wait3A] : memref<40x128xi32, #tpu.memory_space<vmem>> -> memref<1x128xi32, #tpu.memory_space<vmem>>
      %dma_wait3A_77 = tpu.memref_squeeze %dma_wait3A_76 : memref<1x128xi32, #tpu.memory_space<vmem>> -> memref<128xi32, #tpu.memory_space<vmem>>
      %dma_wait3A_78 = arith.constant 0 : i32
      %dma_wait3A_79 = arith.constant 0 : i32
      %dma_wait3A_80 = tpu.memref_slice %arg9[%dma_wait3A_78, %dma_wait3A_79] : memref<10240x1xf32, #tpu.memory_space<vmem_shared>> -> memref<10240x1xf32, #tpu.memory_space<vmem_shared>>
      tpu.wait_indirect_dma semaphore(%run_scoped3A_70 : memref<!tpu.dma_semaphore, #tpu.memory_space<semaphore_mem>>) src(%arg7 : memref<128x1xf32, #tpu.memory_space<vmem>>) dst(%dma_wait3A_80 : memref<10240x1xf32, #tpu.memory_space<vmem_shared>>)
      tpu.yield
    }) : () -> ()
    %run_scoped3A_33 = arith.constant 11 : i32
    "tpu.region"() ({
      %run_scoped3A_70 = tpu.sem_alloc : memref<!tpu.dma_semaphore, #tpu.memory_space<semaphore_mem>>
      %dma_start3A = arith.constant 0 : i32
      %dma_start3A_71 = tpu.memref_slice %arg6[%run_scoped3A_33, %dma_start3A] : memref<40x128xi32, #tpu.memory_space<vmem>> -> memref<1x128xi32, #tpu.memory_space<vmem>>
      %dma_start3A_72 = tpu.memref_squeeze %dma_start3A_71 : memref<1x128xi32, #tpu.memory_space<vmem>> -> memref<128xi32, #tpu.memory_space<vmem>>
      %dma_start3A_73 = arith.constant 0 : i32
      %dma_start3A_74 = arith.constant 0 : i32
      %dma_start3A_75 = tpu.memref_slice %arg9[%dma_start3A_73, %dma_start3A_74] : memref<10240x1xf32, #tpu.memory_space<vmem_shared>> -> memref<10240x1xf32, #tpu.memory_space<vmem_shared>>
      tpu.enqueue_indirect_dma source(%arg7 : memref<128x1xf32, #tpu.memory_space<vmem>>) target(%dma_start3A_75 : memref<10240x1xf32, #tpu.memory_space<vmem_shared>>) offsets(%dma_start3A_72 : memref<128xi32, #tpu.memory_space<vmem>>) semaphore(%run_scoped3A_70 : memref<!tpu.dma_semaphore, #tpu.memory_space<semaphore_mem>>) {add = true}
      %dma_wait3A = arith.constant 0 : i32
      %dma_wait3A_76 = tpu.memref_slice %arg6[%run_scoped3A_33, %dma_wait3A] : memref<40x128xi32, #tpu.memory_space<vmem>> -> memref<1x128xi32, #tpu.memory_space<vmem>>
      %dma_wait3A_77 = tpu.memref_squeeze %dma_wait3A_76 : memref<1x128xi32, #tpu.memory_space<vmem>> -> memref<128xi32, #tpu.memory_space<vmem>>
      %dma_wait3A_78 = arith.constant 0 : i32
      %dma_wait3A_79 = arith.constant 0 : i32
      %dma_wait3A_80 = tpu.memref_slice %arg9[%dma_wait3A_78, %dma_wait3A_79] : memref<10240x1xf32, #tpu.memory_space<vmem_shared>> -> memref<10240x1xf32, #tpu.memory_space<vmem_shared>>
      tpu.wait_indirect_dma semaphore(%run_scoped3A_70 : memref<!tpu.dma_semaphore, #tpu.memory_space<semaphore_mem>>) src(%arg7 : memref<128x1xf32, #tpu.memory_space<vmem>>) dst(%dma_wait3A_80 : memref<10240x1xf32, #tpu.memory_space<vmem_shared>>)
      tpu.yield
    }) : () -> ()
    %run_scoped3A_34 = arith.constant 12 : i32
    "tpu.region"() ({
      %run_scoped3A_70 = tpu.sem_alloc : memref<!tpu.dma_semaphore, #tpu.memory_space<semaphore_mem>>
      %dma_start3A = arith.constant 0 : i32
      %dma_start3A_71 = tpu.memref_slice %arg6[%run_scoped3A_34, %dma_start3A] : memref<40x128xi32, #tpu.memory_space<vmem>> -> memref<1x128xi32, #tpu.memory_space<vmem>>
      %dma_start3A_72 = tpu.memref_squeeze %dma_start3A_71 : memref<1x128xi32, #tpu.memory_space<vmem>> -> memref<128xi32, #tpu.memory_space<vmem>>
      %dma_start3A_73 = arith.constant 0 : i32
      %dma_start3A_74 = arith.constant 0 : i32
      %dma_start3A_75 = tpu.memref_slice %arg9[%dma_start3A_73, %dma_start3A_74] : memref<10240x1xf32, #tpu.memory_space<vmem_shared>> -> memref<10240x1xf32, #tpu.memory_space<vmem_shared>>
      tpu.enqueue_indirect_dma source(%arg7 : memref<128x1xf32, #tpu.memory_space<vmem>>) target(%dma_start3A_75 : memref<10240x1xf32, #tpu.memory_space<vmem_shared>>) offsets(%dma_start3A_72 : memref<128xi32, #tpu.memory_space<vmem>>) semaphore(%run_scoped3A_70 : memref<!tpu.dma_semaphore, #tpu.memory_space<semaphore_mem>>) {add = true}
      %dma_wait3A = arith.constant 0 : i32
      %dma_wait3A_76 = tpu.memref_slice %arg6[%run_scoped3A_34, %dma_wait3A] : memref<40x128xi32, #tpu.memory_space<vmem>> -> memref<1x128xi32, #tpu.memory_space<vmem>>
      %dma_wait3A_77 = tpu.memref_squeeze %dma_wait3A_76 : memref<1x128xi32, #tpu.memory_space<vmem>> -> memref<128xi32, #tpu.memory_space<vmem>>
      %dma_wait3A_78 = arith.constant 0 : i32
      %dma_wait3A_79 = arith.constant 0 : i32
      %dma_wait3A_80 = tpu.memref_slice %arg9[%dma_wait3A_78, %dma_wait3A_79] : memref<10240x1xf32, #tpu.memory_space<vmem_shared>> -> memref<10240x1xf32, #tpu.memory_space<vmem_shared>>
      tpu.wait_indirect_dma semaphore(%run_scoped3A_70 : memref<!tpu.dma_semaphore, #tpu.memory_space<semaphore_mem>>) src(%arg7 : memref<128x1xf32, #tpu.memory_space<vmem>>) dst(%dma_wait3A_80 : memref<10240x1xf32, #tpu.memory_space<vmem_shared>>)
      tpu.yield
    }) : () -> ()
    %run_scoped3A_35 = arith.constant 13 : i32
    "tpu.region"() ({
      %run_scoped3A_70 = tpu.sem_alloc : memref<!tpu.dma_semaphore, #tpu.memory_space<semaphore_mem>>
      %dma_start3A = arith.constant 0 : i32
      %dma_start3A_71 = tpu.memref_slice %arg6[%run_scoped3A_35, %dma_start3A] : memref<40x128xi32, #tpu.memory_space<vmem>> -> memref<1x128xi32, #tpu.memory_space<vmem>>
      %dma_start3A_72 = tpu.memref_squeeze %dma_start3A_71 : memref<1x128xi32, #tpu.memory_space<vmem>> -> memref<128xi32, #tpu.memory_space<vmem>>
      %dma_start3A_73 = arith.constant 0 : i32
      %dma_start3A_74 = arith.constant 0 : i32
      %dma_start3A_75 = tpu.memref_slice %arg9[%dma_start3A_73, %dma_start3A_74] : memref<10240x1xf32, #tpu.memory_space<vmem_shared>> -> memref<10240x1xf32, #tpu.memory_space<vmem_shared>>
      tpu.enqueue_indirect_dma source(%arg7 : memref<128x1xf32, #tpu.memory_space<vmem>>) target(%dma_start3A_75 : memref<10240x1xf32, #tpu.memory_space<vmem_shared>>) offsets(%dma_start3A_72 : memref<128xi32, #tpu.memory_space<vmem>>) semaphore(%run_scoped3A_70 : memref<!tpu.dma_semaphore, #tpu.memory_space<semaphore_mem>>) {add = true}
      %dma_wait3A = arith.constant 0 : i32
      %dma_wait3A_76 = tpu.memref_slice %arg6[%run_scoped3A_35, %dma_wait3A] : memref<40x128xi32, #tpu.memory_space<vmem>> -> memref<1x128xi32, #tpu.memory_space<vmem>>
      %dma_wait3A_77 = tpu.memref_squeeze %dma_wait3A_76 : memref<1x128xi32, #tpu.memory_space<vmem>> -> memref<128xi32, #tpu.memory_space<vmem>>
      %dma_wait3A_78 = arith.constant 0 : i32
      %dma_wait3A_79 = arith.constant 0 : i32
      %dma_wait3A_80 = tpu.memref_slice %arg9[%dma_wait3A_78, %dma_wait3A_79] : memref<10240x1xf32, #tpu.memory_space<vmem_shared>> -> memref<10240x1xf32, #tpu.memory_space<vmem_shared>>
      tpu.wait_indirect_dma semaphore(%run_scoped3A_70 : memref<!tpu.dma_semaphore, #tpu.memory_space<semaphore_mem>>) src(%arg7 : memref<128x1xf32, #tpu.memory_space<vmem>>) dst(%dma_wait3A_80 : memref<10240x1xf32, #tpu.memory_space<vmem_shared>>)
      tpu.yield
    }) : () -> ()
    %run_scoped3A_36 = arith.constant 14 : i32
    "tpu.region"() ({
      %run_scoped3A_70 = tpu.sem_alloc : memref<!tpu.dma_semaphore, #tpu.memory_space<semaphore_mem>>
      %dma_start3A = arith.constant 0 : i32
      %dma_start3A_71 = tpu.memref_slice %arg6[%run_scoped3A_36, %dma_start3A] : memref<40x128xi32, #tpu.memory_space<vmem>> -> memref<1x128xi32, #tpu.memory_space<vmem>>
      %dma_start3A_72 = tpu.memref_squeeze %dma_start3A_71 : memref<1x128xi32, #tpu.memory_space<vmem>> -> memref<128xi32, #tpu.memory_space<vmem>>
      %dma_start3A_73 = arith.constant 0 : i32
      %dma_start3A_74 = arith.constant 0 : i32
      %dma_start3A_75 = tpu.memref_slice %arg9[%dma_start3A_73, %dma_start3A_74] : memref<10240x1xf32, #tpu.memory_space<vmem_shared>> -> memref<10240x1xf32, #tpu.memory_space<vmem_shared>>
      tpu.enqueue_indirect_dma source(%arg7 : memref<128x1xf32, #tpu.memory_space<vmem>>) target(%dma_start3A_75 : memref<10240x1xf32, #tpu.memory_space<vmem_shared>>) offsets(%dma_start3A_72 : memref<128xi32, #tpu.memory_space<vmem>>) semaphore(%run_scoped3A_70 : memref<!tpu.dma_semaphore, #tpu.memory_space<semaphore_mem>>) {add = true}
      %dma_wait3A = arith.constant 0 : i32
      %dma_wait3A_76 = tpu.memref_slice %arg6[%run_scoped3A_36, %dma_wait3A] : memref<40x128xi32, #tpu.memory_space<vmem>> -> memref<1x128xi32, #tpu.memory_space<vmem>>
      %dma_wait3A_77 = tpu.memref_squeeze %dma_wait3A_76 : memref<1x128xi32, #tpu.memory_space<vmem>> -> memref<128xi32, #tpu.memory_space<vmem>>
      %dma_wait3A_78 = arith.constant 0 : i32
      %dma_wait3A_79 = arith.constant 0 : i32
      %dma_wait3A_80 = tpu.memref_slice %arg9[%dma_wait3A_78, %dma_wait3A_79] : memref<10240x1xf32, #tpu.memory_space<vmem_shared>> -> memref<10240x1xf32, #tpu.memory_space<vmem_shared>>
      tpu.wait_indirect_dma semaphore(%run_scoped3A_70 : memref<!tpu.dma_semaphore, #tpu.memory_space<semaphore_mem>>) src(%arg7 : memref<128x1xf32, #tpu.memory_space<vmem>>) dst(%dma_wait3A_80 : memref<10240x1xf32, #tpu.memory_space<vmem_shared>>)
      tpu.yield
    }) : () -> ()
    %run_scoped3A_37 = arith.constant 15 : i32
    "tpu.region"() ({
      %run_scoped3A_70 = tpu.sem_alloc : memref<!tpu.dma_semaphore, #tpu.memory_space<semaphore_mem>>
      %dma_start3A = arith.constant 0 : i32
      %dma_start3A_71 = tpu.memref_slice %arg6[%run_scoped3A_37, %dma_start3A] : memref<40x128xi32, #tpu.memory_space<vmem>> -> memref<1x128xi32, #tpu.memory_space<vmem>>
      %dma_start3A_72 = tpu.memref_squeeze %dma_start3A_71 : memref<1x128xi32, #tpu.memory_space<vmem>> -> memref<128xi32, #tpu.memory_space<vmem>>
      %dma_start3A_73 = arith.constant 0 : i32
      %dma_start3A_74 = arith.constant 0 : i32
      %dma_start3A_75 = tpu.memref_slice %arg9[%dma_start3A_73, %dma_start3A_74] : memref<10240x1xf32, #tpu.memory_space<vmem_shared>> -> memref<10240x1xf32, #tpu.memory_space<vmem_shared>>
      tpu.enqueue_indirect_dma source(%arg7 : memref<128x1xf32, #tpu.memory_space<vmem>>) target(%dma_start3A_75 : memref<10240x1xf32, #tpu.memory_space<vmem_shared>>) offsets(%dma_start3A_72 : memref<128xi32, #tpu.memory_space<vmem>>) semaphore(%run_scoped3A_70 : memref<!tpu.dma_semaphore, #tpu.memory_space<semaphore_mem>>) {add = true}
      %dma_wait3A = arith.constant 0 : i32
      %dma_wait3A_76 = tpu.memref_slice %arg6[%run_scoped3A_37, %dma_wait3A] : memref<40x128xi32, #tpu.memory_space<vmem>> -> memref<1x128xi32, #tpu.memory_space<vmem>>
      %dma_wait3A_77 = tpu.memref_squeeze %dma_wait3A_76 : memref<1x128xi32, #tpu.memory_space<vmem>> -> memref<128xi32, #tpu.memory_space<vmem>>
      %dma_wait3A_78 = arith.constant 0 : i32
      %dma_wait3A_79 = arith.constant 0 : i32
      %dma_wait3A_80 = tpu.memref_slice %arg9[%dma_wait3A_78, %dma_wait3A_79] : memref<10240x1xf32, #tpu.memory_space<vmem_shared>> -> memref<10240x1xf32, #tpu.memory_space<vmem_shared>>
      tpu.wait_indirect_dma semaphore(%run_scoped3A_70 : memref<!tpu.dma_semaphore, #tpu.memory_space<semaphore_mem>>) src(%arg7 : memref<128x1xf32, #tpu.memory_space<vmem>>) dst(%dma_wait3A_80 : memref<10240x1xf32, #tpu.memory_space<vmem_shared>>)
      tpu.yield
    }) : () -> ()
    %run_scoped3A_38 = arith.constant 16 : i32
    "tpu.region"() ({
      %run_scoped3A_70 = tpu.sem_alloc : memref<!tpu.dma_semaphore, #tpu.memory_space<semaphore_mem>>
      %dma_start3A = arith.constant 0 : i32
      %dma_start3A_71 = tpu.memref_slice %arg6[%run_scoped3A_38, %dma_start3A] : memref<40x128xi32, #tpu.memory_space<vmem>> -> memref<1x128xi32, #tpu.memory_space<vmem>>
      %dma_start3A_72 = tpu.memref_squeeze %dma_start3A_71 : memref<1x128xi32, #tpu.memory_space<vmem>> -> memref<128xi32, #tpu.memory_space<vmem>>
      %dma_start3A_73 = arith.constant 0 : i32
      %dma_start3A_74 = arith.constant 0 : i32
      %dma_start3A_75 = tpu.memref_slice %arg9[%dma_start3A_73, %dma_start3A_74] : memref<10240x1xf32, #tpu.memory_space<vmem_shared>> -> memref<10240x1xf32, #tpu.memory_space<vmem_shared>>
      tpu.enqueue_indirect_dma source(%arg7 : memref<128x1xf32, #tpu.memory_space<vmem>>) target(%dma_start3A_75 : memref<10240x1xf32, #tpu.memory_space<vmem_shared>>) offsets(%dma_start3A_72 : memref<128xi32, #tpu.memory_space<vmem>>) semaphore(%run_scoped3A_70 : memref<!tpu.dma_semaphore, #tpu.memory_space<semaphore_mem>>) {add = true}
      %dma_wait3A = arith.constant 0 : i32
      %dma_wait3A_76 = tpu.memref_slice %arg6[%run_scoped3A_38, %dma_wait3A] : memref<40x128xi32, #tpu.memory_space<vmem>> -> memref<1x128xi32, #tpu.memory_space<vmem>>
      %dma_wait3A_77 = tpu.memref_squeeze %dma_wait3A_76 : memref<1x128xi32, #tpu.memory_space<vmem>> -> memref<128xi32, #tpu.memory_space<vmem>>
      %dma_wait3A_78 = arith.constant 0 : i32
      %dma_wait3A_79 = arith.constant 0 : i32
      %dma_wait3A_80 = tpu.memref_slice %arg9[%dma_wait3A_78, %dma_wait3A_79] : memref<10240x1xf32, #tpu.memory_space<vmem_shared>> -> memref<10240x1xf32, #tpu.memory_space<vmem_shared>>
      tpu.wait_indirect_dma semaphore(%run_scoped3A_70 : memref<!tpu.dma_semaphore, #tpu.memory_space<semaphore_mem>>) src(%arg7 : memref<128x1xf32, #tpu.memory_space<vmem>>) dst(%dma_wait3A_80 : memref<10240x1xf32, #tpu.memory_space<vmem_shared>>)
      tpu.yield
    }) : () -> ()
    %run_scoped3A_39 = arith.constant 17 : i32
    "tpu.region"() ({
      %run_scoped3A_70 = tpu.sem_alloc : memref<!tpu.dma_semaphore, #tpu.memory_space<semaphore_mem>>
      %dma_start3A = arith.constant 0 : i32
      %dma_start3A_71 = tpu.memref_slice %arg6[%run_scoped3A_39, %dma_start3A] : memref<40x128xi32, #tpu.memory_space<vmem>> -> memref<1x128xi32, #tpu.memory_space<vmem>>
      %dma_start3A_72 = tpu.memref_squeeze %dma_start3A_71 : memref<1x128xi32, #tpu.memory_space<vmem>> -> memref<128xi32, #tpu.memory_space<vmem>>
      %dma_start3A_73 = arith.constant 0 : i32
      %dma_start3A_74 = arith.constant 0 : i32
      %dma_start3A_75 = tpu.memref_slice %arg9[%dma_start3A_73, %dma_start3A_74] : memref<10240x1xf32, #tpu.memory_space<vmem_shared>> -> memref<10240x1xf32, #tpu.memory_space<vmem_shared>>
      tpu.enqueue_indirect_dma source(%arg7 : memref<128x1xf32, #tpu.memory_space<vmem>>) target(%dma_start3A_75 : memref<10240x1xf32, #tpu.memory_space<vmem_shared>>) offsets(%dma_start3A_72 : memref<128xi32, #tpu.memory_space<vmem>>) semaphore(%run_scoped3A_70 : memref<!tpu.dma_semaphore, #tpu.memory_space<semaphore_mem>>) {add = true}
      %dma_wait3A = arith.constant 0 : i32
      %dma_wait3A_76 = tpu.memref_slice %arg6[%run_scoped3A_39, %dma_wait3A] : memref<40x128xi32, #tpu.memory_space<vmem>> -> memref<1x128xi32, #tpu.memory_space<vmem>>
      %dma_wait3A_77 = tpu.memref_squeeze %dma_wait3A_76 : memref<1x128xi32, #tpu.memory_space<vmem>> -> memref<128xi32, #tpu.memory_space<vmem>>
      %dma_wait3A_78 = arith.constant 0 : i32
      %dma_wait3A_79 = arith.constant 0 : i32
      %dma_wait3A_80 = tpu.memref_slice %arg9[%dma_wait3A_78, %dma_wait3A_79] : memref<10240x1xf32, #tpu.memory_space<vmem_shared>> -> memref<10240x1xf32, #tpu.memory_space<vmem_shared>>
      tpu.wait_indirect_dma semaphore(%run_scoped3A_70 : memref<!tpu.dma_semaphore, #tpu.memory_space<semaphore_mem>>) src(%arg7 : memref<128x1xf32, #tpu.memory_space<vmem>>) dst(%dma_wait3A_80 : memref<10240x1xf32, #tpu.memory_space<vmem_shared>>)
      tpu.yield
    }) : () -> ()
    %run_scoped3A_40 = arith.constant 18 : i32
    "tpu.region"() ({
      %run_scoped3A_70 = tpu.sem_alloc : memref<!tpu.dma_semaphore, #tpu.memory_space<semaphore_mem>>
      %dma_start3A = arith.constant 0 : i32
      %dma_start3A_71 = tpu.memref_slice %arg6[%run_scoped3A_40, %dma_start3A] : memref<40x128xi32, #tpu.memory_space<vmem>> -> memref<1x128xi32, #tpu.memory_space<vmem>>
      %dma_start3A_72 = tpu.memref_squeeze %dma_start3A_71 : memref<1x128xi32, #tpu.memory_space<vmem>> -> memref<128xi32, #tpu.memory_space<vmem>>
      %dma_start3A_73 = arith.constant 0 : i32
      %dma_start3A_74 = arith.constant 0 : i32
      %dma_start3A_75 = tpu.memref_slice %arg9[%dma_start3A_73, %dma_start3A_74] : memref<10240x1xf32, #tpu.memory_space<vmem_shared>> -> memref<10240x1xf32, #tpu.memory_space<vmem_shared>>
      tpu.enqueue_indirect_dma source(%arg7 : memref<128x1xf32, #tpu.memory_space<vmem>>) target(%dma_start3A_75 : memref<10240x1xf32, #tpu.memory_space<vmem_shared>>) offsets(%dma_start3A_72 : memref<128xi32, #tpu.memory_space<vmem>>) semaphore(%run_scoped3A_70 : memref<!tpu.dma_semaphore, #tpu.memory_space<semaphore_mem>>) {add = true}
      %dma_wait3A = arith.constant 0 : i32
      %dma_wait3A_76 = tpu.memref_slice %arg6[%run_scoped3A_40, %dma_wait3A] : memref<40x128xi32, #tpu.memory_space<vmem>> -> memref<1x128xi32, #tpu.memory_space<vmem>>
      %dma_wait3A_77 = tpu.memref_squeeze %dma_wait3A_76 : memref<1x128xi32, #tpu.memory_space<vmem>> -> memref<128xi32, #tpu.memory_space<vmem>>
      %dma_wait3A_78 = arith.constant 0 : i32
      %dma_wait3A_79 = arith.constant 0 : i32
      %dma_wait3A_80 = tpu.memref_slice %arg9[%dma_wait3A_78, %dma_wait3A_79] : memref<10240x1xf32, #tpu.memory_space<vmem_shared>> -> memref<10240x1xf32, #tpu.memory_space<vmem_shared>>
      tpu.wait_indirect_dma semaphore(%run_scoped3A_70 : memref<!tpu.dma_semaphore, #tpu.memory_space<semaphore_mem>>) src(%arg7 : memref<128x1xf32, #tpu.memory_space<vmem>>) dst(%dma_wait3A_80 : memref<10240x1xf32, #tpu.memory_space<vmem_shared>>)
      tpu.yield
    }) : () -> ()
    %run_scoped3A_41 = arith.constant 19 : i32
    "tpu.region"() ({
      %run_scoped3A_70 = tpu.sem_alloc : memref<!tpu.dma_semaphore, #tpu.memory_space<semaphore_mem>>
      %dma_start3A = arith.constant 0 : i32
      %dma_start3A_71 = tpu.memref_slice %arg6[%run_scoped3A_41, %dma_start3A] : memref<40x128xi32, #tpu.memory_space<vmem>> -> memref<1x128xi32, #tpu.memory_space<vmem>>
      %dma_start3A_72 = tpu.memref_squeeze %dma_start3A_71 : memref<1x128xi32, #tpu.memory_space<vmem>> -> memref<128xi32, #tpu.memory_space<vmem>>
      %dma_start3A_73 = arith.constant 0 : i32
      %dma_start3A_74 = arith.constant 0 : i32
      %dma_start3A_75 = tpu.memref_slice %arg9[%dma_start3A_73, %dma_start3A_74] : memref<10240x1xf32, #tpu.memory_space<vmem_shared>> -> memref<10240x1xf32, #tpu.memory_space<vmem_shared>>
      tpu.enqueue_indirect_dma source(%arg7 : memref<128x1xf32, #tpu.memory_space<vmem>>) target(%dma_start3A_75 : memref<10240x1xf32, #tpu.memory_space<vmem_shared>>) offsets(%dma_start3A_72 : memref<128xi32, #tpu.memory_space<vmem>>) semaphore(%run_scoped3A_70 : memref<!tpu.dma_semaphore, #tpu.memory_space<semaphore_mem>>) {add = true}
      %dma_wait3A = arith.constant 0 : i32
      %dma_wait3A_76 = tpu.memref_slice %arg6[%run_scoped3A_41, %dma_wait3A] : memref<40x128xi32, #tpu.memory_space<vmem>> -> memref<1x128xi32, #tpu.memory_space<vmem>>
      %dma_wait3A_77 = tpu.memref_squeeze %dma_wait3A_76 : memref<1x128xi32, #tpu.memory_space<vmem>> -> memref<128xi32, #tpu.memory_space<vmem>>
      %dma_wait3A_78 = arith.constant 0 : i32
      %dma_wait3A_79 = arith.constant 0 : i32
      %dma_wait3A_80 = tpu.memref_slice %arg9[%dma_wait3A_78, %dma_wait3A_79] : memref<10240x1xf32, #tpu.memory_space<vmem_shared>> -> memref<10240x1xf32, #tpu.memory_space<vmem_shared>>
      tpu.wait_indirect_dma semaphore(%run_scoped3A_70 : memref<!tpu.dma_semaphore, #tpu.memory_space<semaphore_mem>>) src(%arg7 : memref<128x1xf32, #tpu.memory_space<vmem>>) dst(%dma_wait3A_80 : memref<10240x1xf32, #tpu.memory_space<vmem_shared>>)
      tpu.yield
    }) : () -> ()
    %run_scoped3A_42 = arith.constant 20 : i32
    "tpu.region"() ({
      %run_scoped3A_70 = tpu.sem_alloc : memref<!tpu.dma_semaphore, #tpu.memory_space<semaphore_mem>>
      %dma_start3A = arith.constant 0 : i32
      %dma_start3A_71 = tpu.memref_slice %arg6[%run_scoped3A_42, %dma_start3A] : memref<40x128xi32, #tpu.memory_space<vmem>> -> memref<1x128xi32, #tpu.memory_space<vmem>>
      %dma_start3A_72 = tpu.memref_squeeze %dma_start3A_71 : memref<1x128xi32, #tpu.memory_space<vmem>> -> memref<128xi32, #tpu.memory_space<vmem>>
      %dma_start3A_73 = arith.constant 0 : i32
      %dma_start3A_74 = arith.constant 0 : i32
      %dma_start3A_75 = tpu.memref_slice %arg9[%dma_start3A_73, %dma_start3A_74] : memref<10240x1xf32, #tpu.memory_space<vmem_shared>> -> memref<10240x1xf32, #tpu.memory_space<vmem_shared>>
      tpu.enqueue_indirect_dma source(%arg7 : memref<128x1xf32, #tpu.memory_space<vmem>>) target(%dma_start3A_75 : memref<10240x1xf32, #tpu.memory_space<vmem_shared>>) offsets(%dma_start3A_72 : memref<128xi32, #tpu.memory_space<vmem>>) semaphore(%run_scoped3A_70 : memref<!tpu.dma_semaphore, #tpu.memory_space<semaphore_mem>>) {add = true}
      %dma_wait3A = arith.constant 0 : i32
      %dma_wait3A_76 = tpu.memref_slice %arg6[%run_scoped3A_42, %dma_wait3A] : memref<40x128xi32, #tpu.memory_space<vmem>> -> memref<1x128xi32, #tpu.memory_space<vmem>>
      %dma_wait3A_77 = tpu.memref_squeeze %dma_wait3A_76 : memref<1x128xi32, #tpu.memory_space<vmem>> -> memref<128xi32, #tpu.memory_space<vmem>>
      %dma_wait3A_78 = arith.constant 0 : i32
      %dma_wait3A_79 = arith.constant 0 : i32
      %dma_wait3A_80 = tpu.memref_slice %arg9[%dma_wait3A_78, %dma_wait3A_79] : memref<10240x1xf32, #tpu.memory_space<vmem_shared>> -> memref<10240x1xf32, #tpu.memory_space<vmem_shared>>
      tpu.wait_indirect_dma semaphore(%run_scoped3A_70 : memref<!tpu.dma_semaphore, #tpu.memory_space<semaphore_mem>>) src(%arg7 : memref<128x1xf32, #tpu.memory_space<vmem>>) dst(%dma_wait3A_80 : memref<10240x1xf32, #tpu.memory_space<vmem_shared>>)
      tpu.yield
    }) : () -> ()
    %run_scoped3A_43 = arith.constant 21 : i32
    "tpu.region"() ({
      %run_scoped3A_70 = tpu.sem_alloc : memref<!tpu.dma_semaphore, #tpu.memory_space<semaphore_mem>>
      %dma_start3A = arith.constant 0 : i32
      %dma_start3A_71 = tpu.memref_slice %arg6[%run_scoped3A_43, %dma_start3A] : memref<40x128xi32, #tpu.memory_space<vmem>> -> memref<1x128xi32, #tpu.memory_space<vmem>>
      %dma_start3A_72 = tpu.memref_squeeze %dma_start3A_71 : memref<1x128xi32, #tpu.memory_space<vmem>> -> memref<128xi32, #tpu.memory_space<vmem>>
      %dma_start3A_73 = arith.constant 0 : i32
      %dma_start3A_74 = arith.constant 0 : i32
      %dma_start3A_75 = tpu.memref_slice %arg9[%dma_start3A_73, %dma_start3A_74] : memref<10240x1xf32, #tpu.memory_space<vmem_shared>> -> memref<10240x1xf32, #tpu.memory_space<vmem_shared>>
      tpu.enqueue_indirect_dma source(%arg7 : memref<128x1xf32, #tpu.memory_space<vmem>>) target(%dma_start3A_75 : memref<10240x1xf32, #tpu.memory_space<vmem_shared>>) offsets(%dma_start3A_72 : memref<128xi32, #tpu.memory_space<vmem>>) semaphore(%run_scoped3A_70 : memref<!tpu.dma_semaphore, #tpu.memory_space<semaphore_mem>>) {add = true}
      %dma_wait3A = arith.constant 0 : i32
      %dma_wait3A_76 = tpu.memref_slice %arg6[%run_scoped3A_43, %dma_wait3A] : memref<40x128xi32, #tpu.memory_space<vmem>> -> memref<1x128xi32, #tpu.memory_space<vmem>>
      %dma_wait3A_77 = tpu.memref_squeeze %dma_wait3A_76 : memref<1x128xi32, #tpu.memory_space<vmem>> -> memref<128xi32, #tpu.memory_space<vmem>>
      %dma_wait3A_78 = arith.constant 0 : i32
      %dma_wait3A_79 = arith.constant 0 : i32
      %dma_wait3A_80 = tpu.memref_slice %arg9[%dma_wait3A_78, %dma_wait3A_79] : memref<10240x1xf32, #tpu.memory_space<vmem_shared>> -> memref<10240x1xf32, #tpu.memory_space<vmem_shared>>
      tpu.wait_indirect_dma semaphore(%run_scoped3A_70 : memref<!tpu.dma_semaphore, #tpu.memory_space<semaphore_mem>>) src(%arg7 : memref<128x1xf32, #tpu.memory_space<vmem>>) dst(%dma_wait3A_80 : memref<10240x1xf32, #tpu.memory_space<vmem_shared>>)
      tpu.yield
    }) : () -> ()
    %run_scoped3A_44 = arith.constant 22 : i32
    "tpu.region"() ({
      %run_scoped3A_70 = tpu.sem_alloc : memref<!tpu.dma_semaphore, #tpu.memory_space<semaphore_mem>>
      %dma_start3A = arith.constant 0 : i32
      %dma_start3A_71 = tpu.memref_slice %arg6[%run_scoped3A_44, %dma_start3A] : memref<40x128xi32, #tpu.memory_space<vmem>> -> memref<1x128xi32, #tpu.memory_space<vmem>>
      %dma_start3A_72 = tpu.memref_squeeze %dma_start3A_71 : memref<1x128xi32, #tpu.memory_space<vmem>> -> memref<128xi32, #tpu.memory_space<vmem>>
      %dma_start3A_73 = arith.constant 0 : i32
      %dma_start3A_74 = arith.constant 0 : i32
      %dma_start3A_75 = tpu.memref_slice %arg9[%dma_start3A_73, %dma_start3A_74] : memref<10240x1xf32, #tpu.memory_space<vmem_shared>> -> memref<10240x1xf32, #tpu.memory_space<vmem_shared>>
      tpu.enqueue_indirect_dma source(%arg7 : memref<128x1xf32, #tpu.memory_space<vmem>>) target(%dma_start3A_75 : memref<10240x1xf32, #tpu.memory_space<vmem_shared>>) offsets(%dma_start3A_72 : memref<128xi32, #tpu.memory_space<vmem>>) semaphore(%run_scoped3A_70 : memref<!tpu.dma_semaphore, #tpu.memory_space<semaphore_mem>>) {add = true}
      %dma_wait3A = arith.constant 0 : i32
      %dma_wait3A_76 = tpu.memref_slice %arg6[%run_scoped3A_44, %dma_wait3A] : memref<40x128xi32, #tpu.memory_space<vmem>> -> memref<1x128xi32, #tpu.memory_space<vmem>>
      %dma_wait3A_77 = tpu.memref_squeeze %dma_wait3A_76 : memref<1x128xi32, #tpu.memory_space<vmem>> -> memref<128xi32, #tpu.memory_space<vmem>>
      %dma_wait3A_78 = arith.constant 0 : i32
      %dma_wait3A_79 = arith.constant 0 : i32
      %dma_wait3A_80 = tpu.memref_slice %arg9[%dma_wait3A_78, %dma_wait3A_79] : memref<10240x1xf32, #tpu.memory_space<vmem_shared>> -> memref<10240x1xf32, #tpu.memory_space<vmem_shared>>
      tpu.wait_indirect_dma semaphore(%run_scoped3A_70 : memref<!tpu.dma_semaphore, #tpu.memory_space<semaphore_mem>>) src(%arg7 : memref<128x1xf32, #tpu.memory_space<vmem>>) dst(%dma_wait3A_80 : memref<10240x1xf32, #tpu.memory_space<vmem_shared>>)
      tpu.yield
    }) : () -> ()
    %run_scoped3A_45 = arith.constant 23 : i32
    "tpu.region"() ({
      %run_scoped3A_70 = tpu.sem_alloc : memref<!tpu.dma_semaphore, #tpu.memory_space<semaphore_mem>>
      %dma_start3A = arith.constant 0 : i32
      %dma_start3A_71 = tpu.memref_slice %arg6[%run_scoped3A_45, %dma_start3A] : memref<40x128xi32, #tpu.memory_space<vmem>> -> memref<1x128xi32, #tpu.memory_space<vmem>>
      %dma_start3A_72 = tpu.memref_squeeze %dma_start3A_71 : memref<1x128xi32, #tpu.memory_space<vmem>> -> memref<128xi32, #tpu.memory_space<vmem>>
      %dma_start3A_73 = arith.constant 0 : i32
      %dma_start3A_74 = arith.constant 0 : i32
      %dma_start3A_75 = tpu.memref_slice %arg9[%dma_start3A_73, %dma_start3A_74] : memref<10240x1xf32, #tpu.memory_space<vmem_shared>> -> memref<10240x1xf32, #tpu.memory_space<vmem_shared>>
      tpu.enqueue_indirect_dma source(%arg7 : memref<128x1xf32, #tpu.memory_space<vmem>>) target(%dma_start3A_75 : memref<10240x1xf32, #tpu.memory_space<vmem_shared>>) offsets(%dma_start3A_72 : memref<128xi32, #tpu.memory_space<vmem>>) semaphore(%run_scoped3A_70 : memref<!tpu.dma_semaphore, #tpu.memory_space<semaphore_mem>>) {add = true}
      %dma_wait3A = arith.constant 0 : i32
      %dma_wait3A_76 = tpu.memref_slice %arg6[%run_scoped3A_45, %dma_wait3A] : memref<40x128xi32, #tpu.memory_space<vmem>> -> memref<1x128xi32, #tpu.memory_space<vmem>>
      %dma_wait3A_77 = tpu.memref_squeeze %dma_wait3A_76 : memref<1x128xi32, #tpu.memory_space<vmem>> -> memref<128xi32, #tpu.memory_space<vmem>>
      %dma_wait3A_78 = arith.constant 0 : i32
      %dma_wait3A_79 = arith.constant 0 : i32
      %dma_wait3A_80 = tpu.memref_slice %arg9[%dma_wait3A_78, %dma_wait3A_79] : memref<10240x1xf32, #tpu.memory_space<vmem_shared>> -> memref<10240x1xf32, #tpu.memory_space<vmem_shared>>
      tpu.wait_indirect_dma semaphore(%run_scoped3A_70 : memref<!tpu.dma_semaphore, #tpu.memory_space<semaphore_mem>>) src(%arg7 : memref<128x1xf32, #tpu.memory_space<vmem>>) dst(%dma_wait3A_80 : memref<10240x1xf32, #tpu.memory_space<vmem_shared>>)
      tpu.yield
    }) : () -> ()
    %run_scoped3A_46 = arith.constant 24 : i32
    "tpu.region"() ({
      %run_scoped3A_70 = tpu.sem_alloc : memref<!tpu.dma_semaphore, #tpu.memory_space<semaphore_mem>>
      %dma_start3A = arith.constant 0 : i32
      %dma_start3A_71 = tpu.memref_slice %arg6[%run_scoped3A_46, %dma_start3A] : memref<40x128xi32, #tpu.memory_space<vmem>> -> memref<1x128xi32, #tpu.memory_space<vmem>>
      %dma_start3A_72 = tpu.memref_squeeze %dma_start3A_71 : memref<1x128xi32, #tpu.memory_space<vmem>> -> memref<128xi32, #tpu.memory_space<vmem>>
      %dma_start3A_73 = arith.constant 0 : i32
      %dma_start3A_74 = arith.constant 0 : i32
      %dma_start3A_75 = tpu.memref_slice %arg9[%dma_start3A_73, %dma_start3A_74] : memref<10240x1xf32, #tpu.memory_space<vmem_shared>> -> memref<10240x1xf32, #tpu.memory_space<vmem_shared>>
      tpu.enqueue_indirect_dma source(%arg7 : memref<128x1xf32, #tpu.memory_space<vmem>>) target(%dma_start3A_75 : memref<10240x1xf32, #tpu.memory_space<vmem_shared>>) offsets(%dma_start3A_72 : memref<128xi32, #tpu.memory_space<vmem>>) semaphore(%run_scoped3A_70 : memref<!tpu.dma_semaphore, #tpu.memory_space<semaphore_mem>>) {add = true}
      %dma_wait3A = arith.constant 0 : i32
      %dma_wait3A_76 = tpu.memref_slice %arg6[%run_scoped3A_46, %dma_wait3A] : memref<40x128xi32, #tpu.memory_space<vmem>> -> memref<1x128xi32, #tpu.memory_space<vmem>>
      %dma_wait3A_77 = tpu.memref_squeeze %dma_wait3A_76 : memref<1x128xi32, #tpu.memory_space<vmem>> -> memref<128xi32, #tpu.memory_space<vmem>>
      %dma_wait3A_78 = arith.constant 0 : i32
      %dma_wait3A_79 = arith.constant 0 : i32
      %dma_wait3A_80 = tpu.memref_slice %arg9[%dma_wait3A_78, %dma_wait3A_79] : memref<10240x1xf32, #tpu.memory_space<vmem_shared>> -> memref<10240x1xf32, #tpu.memory_space<vmem_shared>>
      tpu.wait_indirect_dma semaphore(%run_scoped3A_70 : memref<!tpu.dma_semaphore, #tpu.memory_space<semaphore_mem>>) src(%arg7 : memref<128x1xf32, #tpu.memory_space<vmem>>) dst(%dma_wait3A_80 : memref<10240x1xf32, #tpu.memory_space<vmem_shared>>)
      tpu.yield
    }) : () -> ()
    %run_scoped3A_47 = arith.constant 25 : i32
    "tpu.region"() ({
      %run_scoped3A_70 = tpu.sem_alloc : memref<!tpu.dma_semaphore, #tpu.memory_space<semaphore_mem>>
      %dma_start3A = arith.constant 0 : i32
      %dma_start3A_71 = tpu.memref_slice %arg6[%run_scoped3A_47, %dma_start3A] : memref<40x128xi32, #tpu.memory_space<vmem>> -> memref<1x128xi32, #tpu.memory_space<vmem>>
      %dma_start3A_72 = tpu.memref_squeeze %dma_start3A_71 : memref<1x128xi32, #tpu.memory_space<vmem>> -> memref<128xi32, #tpu.memory_space<vmem>>
      %dma_start3A_73 = arith.constant 0 : i32
      %dma_start3A_74 = arith.constant 0 : i32
      %dma_start3A_75 = tpu.memref_slice %arg9[%dma_start3A_73, %dma_start3A_74] : memref<10240x1xf32, #tpu.memory_space<vmem_shared>> -> memref<10240x1xf32, #tpu.memory_space<vmem_shared>>
      tpu.enqueue_indirect_dma source(%arg7 : memref<128x1xf32, #tpu.memory_space<vmem>>) target(%dma_start3A_75 : memref<10240x1xf32, #tpu.memory_space<vmem_shared>>) offsets(%dma_start3A_72 : memref<128xi32, #tpu.memory_space<vmem>>) semaphore(%run_scoped3A_70 : memref<!tpu.dma_semaphore, #tpu.memory_space<semaphore_mem>>) {add = true}
      %dma_wait3A = arith.constant 0 : i32
      %dma_wait3A_76 = tpu.memref_slice %arg6[%run_scoped3A_47, %dma_wait3A] : memref<40x128xi32, #tpu.memory_space<vmem>> -> memref<1x128xi32, #tpu.memory_space<vmem>>
      %dma_wait3A_77 = tpu.memref_squeeze %dma_wait3A_76 : memref<1x128xi32, #tpu.memory_space<vmem>> -> memref<128xi32, #tpu.memory_space<vmem>>
      %dma_wait3A_78 = arith.constant 0 : i32
      %dma_wait3A_79 = arith.constant 0 : i32
      %dma_wait3A_80 = tpu.memref_slice %arg9[%dma_wait3A_78, %dma_wait3A_79] : memref<10240x1xf32, #tpu.memory_space<vmem_shared>> -> memref<10240x1xf32, #tpu.memory_space<vmem_shared>>
      tpu.wait_indirect_dma semaphore(%run_scoped3A_70 : memref<!tpu.dma_semaphore, #tpu.memory_space<semaphore_mem>>) src(%arg7 : memref<128x1xf32, #tpu.memory_space<vmem>>) dst(%dma_wait3A_80 : memref<10240x1xf32, #tpu.memory_space<vmem_shared>>)
      tpu.yield
    }) : () -> ()
    %run_scoped3A_48 = arith.constant 26 : i32
    "tpu.region"() ({
      %run_scoped3A_70 = tpu.sem_alloc : memref<!tpu.dma_semaphore, #tpu.memory_space<semaphore_mem>>
      %dma_start3A = arith.constant 0 : i32
      %dma_start3A_71 = tpu.memref_slice %arg6[%run_scoped3A_48, %dma_start3A] : memref<40x128xi32, #tpu.memory_space<vmem>> -> memref<1x128xi32, #tpu.memory_space<vmem>>
      %dma_start3A_72 = tpu.memref_squeeze %dma_start3A_71 : memref<1x128xi32, #tpu.memory_space<vmem>> -> memref<128xi32, #tpu.memory_space<vmem>>
      %dma_start3A_73 = arith.constant 0 : i32
      %dma_start3A_74 = arith.constant 0 : i32
      %dma_start3A_75 = tpu.memref_slice %arg9[%dma_start3A_73, %dma_start3A_74] : memref<10240x1xf32, #tpu.memory_space<vmem_shared>> -> memref<10240x1xf32, #tpu.memory_space<vmem_shared>>
      tpu.enqueue_indirect_dma source(%arg7 : memref<128x1xf32, #tpu.memory_space<vmem>>) target(%dma_start3A_75 : memref<10240x1xf32, #tpu.memory_space<vmem_shared>>) offsets(%dma_start3A_72 : memref<128xi32, #tpu.memory_space<vmem>>) semaphore(%run_scoped3A_70 : memref<!tpu.dma_semaphore, #tpu.memory_space<semaphore_mem>>) {add = true}
      %dma_wait3A = arith.constant 0 : i32
      %dma_wait3A_76 = tpu.memref_slice %arg6[%run_scoped3A_48, %dma_wait3A] : memref<40x128xi32, #tpu.memory_space<vmem>> -> memref<1x128xi32, #tpu.memory_space<vmem>>
      %dma_wait3A_77 = tpu.memref_squeeze %dma_wait3A_76 : memref<1x128xi32, #tpu.memory_space<vmem>> -> memref<128xi32, #tpu.memory_space<vmem>>
      %dma_wait3A_78 = arith.constant 0 : i32
      %dma_wait3A_79 = arith.constant 0 : i32
      %dma_wait3A_80 = tpu.memref_slice %arg9[%dma_wait3A_78, %dma_wait3A_79] : memref<10240x1xf32, #tpu.memory_space<vmem_shared>> -> memref<10240x1xf32, #tpu.memory_space<vmem_shared>>
      tpu.wait_indirect_dma semaphore(%run_scoped3A_70 : memref<!tpu.dma_semaphore, #tpu.memory_space<semaphore_mem>>) src(%arg7 : memref<128x1xf32, #tpu.memory_space<vmem>>) dst(%dma_wait3A_80 : memref<10240x1xf32, #tpu.memory_space<vmem_shared>>)
      tpu.yield
    }) : () -> ()
    %run_scoped3A_49 = arith.constant 27 : i32
    "tpu.region"() ({
      %run_scoped3A_70 = tpu.sem_alloc : memref<!tpu.dma_semaphore, #tpu.memory_space<semaphore_mem>>
      %dma_start3A = arith.constant 0 : i32
      %dma_start3A_71 = tpu.memref_slice %arg6[%run_scoped3A_49, %dma_start3A] : memref<40x128xi32, #tpu.memory_space<vmem>> -> memref<1x128xi32, #tpu.memory_space<vmem>>
      %dma_start3A_72 = tpu.memref_squeeze %dma_start3A_71 : memref<1x128xi32, #tpu.memory_space<vmem>> -> memref<128xi32, #tpu.memory_space<vmem>>
      %dma_start3A_73 = arith.constant 0 : i32
      %dma_start3A_74 = arith.constant 0 : i32
      %dma_start3A_75 = tpu.memref_slice %arg9[%dma_start3A_73, %dma_start3A_74] : memref<10240x1xf32, #tpu.memory_space<vmem_shared>> -> memref<10240x1xf32, #tpu.memory_space<vmem_shared>>
      tpu.enqueue_indirect_dma source(%arg7 : memref<128x1xf32, #tpu.memory_space<vmem>>) target(%dma_start3A_75 : memref<10240x1xf32, #tpu.memory_space<vmem_shared>>) offsets(%dma_start3A_72 : memref<128xi32, #tpu.memory_space<vmem>>) semaphore(%run_scoped3A_70 : memref<!tpu.dma_semaphore, #tpu.memory_space<semaphore_mem>>) {add = true}
      %dma_wait3A = arith.constant 0 : i32
      %dma_wait3A_76 = tpu.memref_slice %arg6[%run_scoped3A_49, %dma_wait3A] : memref<40x128xi32, #tpu.memory_space<vmem>> -> memref<1x128xi32, #tpu.memory_space<vmem>>
      %dma_wait3A_77 = tpu.memref_squeeze %dma_wait3A_76 : memref<1x128xi32, #tpu.memory_space<vmem>> -> memref<128xi32, #tpu.memory_space<vmem>>
      %dma_wait3A_78 = arith.constant 0 : i32
      %dma_wait3A_79 = arith.constant 0 : i32
      %dma_wait3A_80 = tpu.memref_slice %arg9[%dma_wait3A_78, %dma_wait3A_79] : memref<10240x1xf32, #tpu.memory_space<vmem_shared>> -> memref<10240x1xf32, #tpu.memory_space<vmem_shared>>
      tpu.wait_indirect_dma semaphore(%run_scoped3A_70 : memref<!tpu.dma_semaphore, #tpu.memory_space<semaphore_mem>>) src(%arg7 : memref<128x1xf32, #tpu.memory_space<vmem>>) dst(%dma_wait3A_80 : memref<10240x1xf32, #tpu.memory_space<vmem_shared>>)
      tpu.yield
    }) : () -> ()
    %run_scoped3A_50 = arith.constant 28 : i32
    "tpu.region"() ({
      %run_scoped3A_70 = tpu.sem_alloc : memref<!tpu.dma_semaphore, #tpu.memory_space<semaphore_mem>>
      %dma_start3A = arith.constant 0 : i32
      %dma_start3A_71 = tpu.memref_slice %arg6[%run_scoped3A_50, %dma_start3A] : memref<40x128xi32, #tpu.memory_space<vmem>> -> memref<1x128xi32, #tpu.memory_space<vmem>>
      %dma_start3A_72 = tpu.memref_squeeze %dma_start3A_71 : memref<1x128xi32, #tpu.memory_space<vmem>> -> memref<128xi32, #tpu.memory_space<vmem>>
      %dma_start3A_73 = arith.constant 0 : i32
      %dma_start3A_74 = arith.constant 0 : i32
      %dma_start3A_75 = tpu.memref_slice %arg9[%dma_start3A_73, %dma_start3A_74] : memref<10240x1xf32, #tpu.memory_space<vmem_shared>> -> memref<10240x1xf32, #tpu.memory_space<vmem_shared>>
      tpu.enqueue_indirect_dma source(%arg7 : memref<128x1xf32, #tpu.memory_space<vmem>>) target(%dma_start3A_75 : memref<10240x1xf32, #tpu.memory_space<vmem_shared>>) offsets(%dma_start3A_72 : memref<128xi32, #tpu.memory_space<vmem>>) semaphore(%run_scoped3A_70 : memref<!tpu.dma_semaphore, #tpu.memory_space<semaphore_mem>>) {add = true}
      %dma_wait3A = arith.constant 0 : i32
      %dma_wait3A_76 = tpu.memref_slice %arg6[%run_scoped3A_50, %dma_wait3A] : memref<40x128xi32, #tpu.memory_space<vmem>> -> memref<1x128xi32, #tpu.memory_space<vmem>>
      %dma_wait3A_77 = tpu.memref_squeeze %dma_wait3A_76 : memref<1x128xi32, #tpu.memory_space<vmem>> -> memref<128xi32, #tpu.memory_space<vmem>>
      %dma_wait3A_78 = arith.constant 0 : i32
      %dma_wait3A_79 = arith.constant 0 : i32
      %dma_wait3A_80 = tpu.memref_slice %arg9[%dma_wait3A_78, %dma_wait3A_79] : memref<10240x1xf32, #tpu.memory_space<vmem_shared>> -> memref<10240x1xf32, #tpu.memory_space<vmem_shared>>
      tpu.wait_indirect_dma semaphore(%run_scoped3A_70 : memref<!tpu.dma_semaphore, #tpu.memory_space<semaphore_mem>>) src(%arg7 : memref<128x1xf32, #tpu.memory_space<vmem>>) dst(%dma_wait3A_80 : memref<10240x1xf32, #tpu.memory_space<vmem_shared>>)
      tpu.yield
    }) : () -> ()
    %run_scoped3A_51 = arith.constant 29 : i32
    "tpu.region"() ({
      %run_scoped3A_70 = tpu.sem_alloc : memref<!tpu.dma_semaphore, #tpu.memory_space<semaphore_mem>>
      %dma_start3A = arith.constant 0 : i32
      %dma_start3A_71 = tpu.memref_slice %arg6[%run_scoped3A_51, %dma_start3A] : memref<40x128xi32, #tpu.memory_space<vmem>> -> memref<1x128xi32, #tpu.memory_space<vmem>>
      %dma_start3A_72 = tpu.memref_squeeze %dma_start3A_71 : memref<1x128xi32, #tpu.memory_space<vmem>> -> memref<128xi32, #tpu.memory_space<vmem>>
      %dma_start3A_73 = arith.constant 0 : i32
      %dma_start3A_74 = arith.constant 0 : i32
      %dma_start3A_75 = tpu.memref_slice %arg9[%dma_start3A_73, %dma_start3A_74] : memref<10240x1xf32, #tpu.memory_space<vmem_shared>> -> memref<10240x1xf32, #tpu.memory_space<vmem_shared>>
      tpu.enqueue_indirect_dma source(%arg7 : memref<128x1xf32, #tpu.memory_space<vmem>>) target(%dma_start3A_75 : memref<10240x1xf32, #tpu.memory_space<vmem_shared>>) offsets(%dma_start3A_72 : memref<128xi32, #tpu.memory_space<vmem>>) semaphore(%run_scoped3A_70 : memref<!tpu.dma_semaphore, #tpu.memory_space<semaphore_mem>>) {add = true}
      %dma_wait3A = arith.constant 0 : i32
      %dma_wait3A_76 = tpu.memref_slice %arg6[%run_scoped3A_51, %dma_wait3A] : memref<40x128xi32, #tpu.memory_space<vmem>> -> memref<1x128xi32, #tpu.memory_space<vmem>>
      %dma_wait3A_77 = tpu.memref_squeeze %dma_wait3A_76 : memref<1x128xi32, #tpu.memory_space<vmem>> -> memref<128xi32, #tpu.memory_space<vmem>>
      %dma_wait3A_78 = arith.constant 0 : i32
      %dma_wait3A_79 = arith.constant 0 : i32
      %dma_wait3A_80 = tpu.memref_slice %arg9[%dma_wait3A_78, %dma_wait3A_79] : memref<10240x1xf32, #tpu.memory_space<vmem_shared>> -> memref<10240x1xf32, #tpu.memory_space<vmem_shared>>
      tpu.wait_indirect_dma semaphore(%run_scoped3A_70 : memref<!tpu.dma_semaphore, #tpu.memory_space<semaphore_mem>>) src(%arg7 : memref<128x1xf32, #tpu.memory_space<vmem>>) dst(%dma_wait3A_80 : memref<10240x1xf32, #tpu.memory_space<vmem_shared>>)
      tpu.yield
    }) : () -> ()
    %run_scoped3A_52 = arith.constant 30 : i32
    "tpu.region"() ({
      %run_scoped3A_70 = tpu.sem_alloc : memref<!tpu.dma_semaphore, #tpu.memory_space<semaphore_mem>>
      %dma_start3A = arith.constant 0 : i32
      %dma_start3A_71 = tpu.memref_slice %arg6[%run_scoped3A_52, %dma_start3A] : memref<40x128xi32, #tpu.memory_space<vmem>> -> memref<1x128xi32, #tpu.memory_space<vmem>>
      %dma_start3A_72 = tpu.memref_squeeze %dma_start3A_71 : memref<1x128xi32, #tpu.memory_space<vmem>> -> memref<128xi32, #tpu.memory_space<vmem>>
      %dma_start3A_73 = arith.constant 0 : i32
      %dma_start3A_74 = arith.constant 0 : i32
      %dma_start3A_75 = tpu.memref_slice %arg9[%dma_start3A_73, %dma_start3A_74] : memref<10240x1xf32, #tpu.memory_space<vmem_shared>> -> memref<10240x1xf32, #tpu.memory_space<vmem_shared>>
      tpu.enqueue_indirect_dma source(%arg7 : memref<128x1xf32, #tpu.memory_space<vmem>>) target(%dma_start3A_75 : memref<10240x1xf32, #tpu.memory_space<vmem_shared>>) offsets(%dma_start3A_72 : memref<128xi32, #tpu.memory_space<vmem>>) semaphore(%run_scoped3A_70 : memref<!tpu.dma_semaphore, #tpu.memory_space<semaphore_mem>>) {add = true}
      %dma_wait3A = arith.constant 0 : i32
      %dma_wait3A_76 = tpu.memref_slice %arg6[%run_scoped3A_52, %dma_wait3A] : memref<40x128xi32, #tpu.memory_space<vmem>> -> memref<1x128xi32, #tpu.memory_space<vmem>>
      %dma_wait3A_77 = tpu.memref_squeeze %dma_wait3A_76 : memref<1x128xi32, #tpu.memory_space<vmem>> -> memref<128xi32, #tpu.memory_space<vmem>>
      %dma_wait3A_78 = arith.constant 0 : i32
      %dma_wait3A_79 = arith.constant 0 : i32
      %dma_wait3A_80 = tpu.memref_slice %arg9[%dma_wait3A_78, %dma_wait3A_79] : memref<10240x1xf32, #tpu.memory_space<vmem_shared>> -> memref<10240x1xf32, #tpu.memory_space<vmem_shared>>
      tpu.wait_indirect_dma semaphore(%run_scoped3A_70 : memref<!tpu.dma_semaphore, #tpu.memory_space<semaphore_mem>>) src(%arg7 : memref<128x1xf32, #tpu.memory_space<vmem>>) dst(%dma_wait3A_80 : memref<10240x1xf32, #tpu.memory_space<vmem_shared>>)
      tpu.yield
    }) : () -> ()
    %run_scoped3A_53 = arith.constant 31 : i32
    "tpu.region"() ({
      %run_scoped3A_70 = tpu.sem_alloc : memref<!tpu.dma_semaphore, #tpu.memory_space<semaphore_mem>>
      %dma_start3A = arith.constant 0 : i32
      %dma_start3A_71 = tpu.memref_slice %arg6[%run_scoped3A_53, %dma_start3A] : memref<40x128xi32, #tpu.memory_space<vmem>> -> memref<1x128xi32, #tpu.memory_space<vmem>>
      %dma_start3A_72 = tpu.memref_squeeze %dma_start3A_71 : memref<1x128xi32, #tpu.memory_space<vmem>> -> memref<128xi32, #tpu.memory_space<vmem>>
      %dma_start3A_73 = arith.constant 0 : i32
      %dma_start3A_74 = arith.constant 0 : i32
      %dma_start3A_75 = tpu.memref_slice %arg9[%dma_start3A_73, %dma_start3A_74] : memref<10240x1xf32, #tpu.memory_space<vmem_shared>> -> memref<10240x1xf32, #tpu.memory_space<vmem_shared>>
      tpu.enqueue_indirect_dma source(%arg7 : memref<128x1xf32, #tpu.memory_space<vmem>>) target(%dma_start3A_75 : memref<10240x1xf32, #tpu.memory_space<vmem_shared>>) offsets(%dma_start3A_72 : memref<128xi32, #tpu.memory_space<vmem>>) semaphore(%run_scoped3A_70 : memref<!tpu.dma_semaphore, #tpu.memory_space<semaphore_mem>>) {add = true}
      %dma_wait3A = arith.constant 0 : i32
      %dma_wait3A_76 = tpu.memref_slice %arg6[%run_scoped3A_53, %dma_wait3A] : memref<40x128xi32, #tpu.memory_space<vmem>> -> memref<1x128xi32, #tpu.memory_space<vmem>>
      %dma_wait3A_77 = tpu.memref_squeeze %dma_wait3A_76 : memref<1x128xi32, #tpu.memory_space<vmem>> -> memref<128xi32, #tpu.memory_space<vmem>>
      %dma_wait3A_78 = arith.constant 0 : i32
      %dma_wait3A_79 = arith.constant 0 : i32
      %dma_wait3A_80 = tpu.memref_slice %arg9[%dma_wait3A_78, %dma_wait3A_79] : memref<10240x1xf32, #tpu.memory_space<vmem_shared>> -> memref<10240x1xf32, #tpu.memory_space<vmem_shared>>
      tpu.wait_indirect_dma semaphore(%run_scoped3A_70 : memref<!tpu.dma_semaphore, #tpu.memory_space<semaphore_mem>>) src(%arg7 : memref<128x1xf32, #tpu.memory_space<vmem>>) dst(%dma_wait3A_80 : memref<10240x1xf32, #tpu.memory_space<vmem_shared>>)
      tpu.yield
    }) : () -> ()
    %run_scoped3A_54 = arith.constant 32 : i32
    "tpu.region"() ({
      %run_scoped3A_70 = tpu.sem_alloc : memref<!tpu.dma_semaphore, #tpu.memory_space<semaphore_mem>>
      %dma_start3A = arith.constant 0 : i32
      %dma_start3A_71 = tpu.memref_slice %arg6[%run_scoped3A_54, %dma_start3A] : memref<40x128xi32, #tpu.memory_space<vmem>> -> memref<1x128xi32, #tpu.memory_space<vmem>>
      %dma_start3A_72 = tpu.memref_squeeze %dma_start3A_71 : memref<1x128xi32, #tpu.memory_space<vmem>> -> memref<128xi32, #tpu.memory_space<vmem>>
      %dma_start3A_73 = arith.constant 0 : i32
      %dma_start3A_74 = arith.constant 0 : i32
      %dma_start3A_75 = tpu.memref_slice %arg9[%dma_start3A_73, %dma_start3A_74] : memref<10240x1xf32, #tpu.memory_space<vmem_shared>> -> memref<10240x1xf32, #tpu.memory_space<vmem_shared>>
      tpu.enqueue_indirect_dma source(%arg7 : memref<128x1xf32, #tpu.memory_space<vmem>>) target(%dma_start3A_75 : memref<10240x1xf32, #tpu.memory_space<vmem_shared>>) offsets(%dma_start3A_72 : memref<128xi32, #tpu.memory_space<vmem>>) semaphore(%run_scoped3A_70 : memref<!tpu.dma_semaphore, #tpu.memory_space<semaphore_mem>>) {add = true}
      %dma_wait3A = arith.constant 0 : i32
      %dma_wait3A_76 = tpu.memref_slice %arg6[%run_scoped3A_54, %dma_wait3A] : memref<40x128xi32, #tpu.memory_space<vmem>> -> memref<1x128xi32, #tpu.memory_space<vmem>>
      %dma_wait3A_77 = tpu.memref_squeeze %dma_wait3A_76 : memref<1x128xi32, #tpu.memory_space<vmem>> -> memref<128xi32, #tpu.memory_space<vmem>>
      %dma_wait3A_78 = arith.constant 0 : i32
      %dma_wait3A_79 = arith.constant 0 : i32
      %dma_wait3A_80 = tpu.memref_slice %arg9[%dma_wait3A_78, %dma_wait3A_79] : memref<10240x1xf32, #tpu.memory_space<vmem_shared>> -> memref<10240x1xf32, #tpu.memory_space<vmem_shared>>
      tpu.wait_indirect_dma semaphore(%run_scoped3A_70 : memref<!tpu.dma_semaphore, #tpu.memory_space<semaphore_mem>>) src(%arg7 : memref<128x1xf32, #tpu.memory_space<vmem>>) dst(%dma_wait3A_80 : memref<10240x1xf32, #tpu.memory_space<vmem_shared>>)
      tpu.yield
    }) : () -> ()
    %run_scoped3A_55 = arith.constant 33 : i32
    "tpu.region"() ({
      %run_scoped3A_70 = tpu.sem_alloc : memref<!tpu.dma_semaphore, #tpu.memory_space<semaphore_mem>>
      %dma_start3A = arith.constant 0 : i32
      %dma_start3A_71 = tpu.memref_slice %arg6[%run_scoped3A_55, %dma_start3A] : memref<40x128xi32, #tpu.memory_space<vmem>> -> memref<1x128xi32, #tpu.memory_space<vmem>>
      %dma_start3A_72 = tpu.memref_squeeze %dma_start3A_71 : memref<1x128xi32, #tpu.memory_space<vmem>> -> memref<128xi32, #tpu.memory_space<vmem>>
      %dma_start3A_73 = arith.constant 0 : i32
      %dma_start3A_74 = arith.constant 0 : i32
      %dma_start3A_75 = tpu.memref_slice %arg9[%dma_start3A_73, %dma_start3A_74] : memref<10240x1xf32, #tpu.memory_space<vmem_shared>> -> memref<10240x1xf32, #tpu.memory_space<vmem_shared>>
      tpu.enqueue_indirect_dma source(%arg7 : memref<128x1xf32, #tpu.memory_space<vmem>>) target(%dma_start3A_75 : memref<10240x1xf32, #tpu.memory_space<vmem_shared>>) offsets(%dma_start3A_72 : memref<128xi32, #tpu.memory_space<vmem>>) semaphore(%run_scoped3A_70 : memref<!tpu.dma_semaphore, #tpu.memory_space<semaphore_mem>>) {add = true}
      %dma_wait3A = arith.constant 0 : i32
      %dma_wait3A_76 = tpu.memref_slice %arg6[%run_scoped3A_55, %dma_wait3A] : memref<40x128xi32, #tpu.memory_space<vmem>> -> memref<1x128xi32, #tpu.memory_space<vmem>>
      %dma_wait3A_77 = tpu.memref_squeeze %dma_wait3A_76 : memref<1x128xi32, #tpu.memory_space<vmem>> -> memref<128xi32, #tpu.memory_space<vmem>>
      %dma_wait3A_78 = arith.constant 0 : i32
      %dma_wait3A_79 = arith.constant 0 : i32
      %dma_wait3A_80 = tpu.memref_slice %arg9[%dma_wait3A_78, %dma_wait3A_79] : memref<10240x1xf32, #tpu.memory_space<vmem_shared>> -> memref<10240x1xf32, #tpu.memory_space<vmem_shared>>
      tpu.wait_indirect_dma semaphore(%run_scoped3A_70 : memref<!tpu.dma_semaphore, #tpu.memory_space<semaphore_mem>>) src(%arg7 : memref<128x1xf32, #tpu.memory_space<vmem>>) dst(%dma_wait3A_80 : memref<10240x1xf32, #tpu.memory_space<vmem_shared>>)
      tpu.yield
    }) : () -> ()
    %run_scoped3A_56 = arith.constant 34 : i32
    "tpu.region"() ({
      %run_scoped3A_70 = tpu.sem_alloc : memref<!tpu.dma_semaphore, #tpu.memory_space<semaphore_mem>>
      %dma_start3A = arith.constant 0 : i32
      %dma_start3A_71 = tpu.memref_slice %arg6[%run_scoped3A_56, %dma_start3A] : memref<40x128xi32, #tpu.memory_space<vmem>> -> memref<1x128xi32, #tpu.memory_space<vmem>>
      %dma_start3A_72 = tpu.memref_squeeze %dma_start3A_71 : memref<1x128xi32, #tpu.memory_space<vmem>> -> memref<128xi32, #tpu.memory_space<vmem>>
      %dma_start3A_73 = arith.constant 0 : i32
      %dma_start3A_74 = arith.constant 0 : i32
      %dma_start3A_75 = tpu.memref_slice %arg9[%dma_start3A_73, %dma_start3A_74] : memref<10240x1xf32, #tpu.memory_space<vmem_shared>> -> memref<10240x1xf32, #tpu.memory_space<vmem_shared>>
      tpu.enqueue_indirect_dma source(%arg7 : memref<128x1xf32, #tpu.memory_space<vmem>>) target(%dma_start3A_75 : memref<10240x1xf32, #tpu.memory_space<vmem_shared>>) offsets(%dma_start3A_72 : memref<128xi32, #tpu.memory_space<vmem>>) semaphore(%run_scoped3A_70 : memref<!tpu.dma_semaphore, #tpu.memory_space<semaphore_mem>>) {add = true}
      %dma_wait3A = arith.constant 0 : i32
      %dma_wait3A_76 = tpu.memref_slice %arg6[%run_scoped3A_56, %dma_wait3A] : memref<40x128xi32, #tpu.memory_space<vmem>> -> memref<1x128xi32, #tpu.memory_space<vmem>>
      %dma_wait3A_77 = tpu.memref_squeeze %dma_wait3A_76 : memref<1x128xi32, #tpu.memory_space<vmem>> -> memref<128xi32, #tpu.memory_space<vmem>>
      %dma_wait3A_78 = arith.constant 0 : i32
      %dma_wait3A_79 = arith.constant 0 : i32
      %dma_wait3A_80 = tpu.memref_slice %arg9[%dma_wait3A_78, %dma_wait3A_79] : memref<10240x1xf32, #tpu.memory_space<vmem_shared>> -> memref<10240x1xf32, #tpu.memory_space<vmem_shared>>
      tpu.wait_indirect_dma semaphore(%run_scoped3A_70 : memref<!tpu.dma_semaphore, #tpu.memory_space<semaphore_mem>>) src(%arg7 : memref<128x1xf32, #tpu.memory_space<vmem>>) dst(%dma_wait3A_80 : memref<10240x1xf32, #tpu.memory_space<vmem_shared>>)
      tpu.yield
    }) : () -> ()
    %run_scoped3A_57 = arith.constant 35 : i32
    "tpu.region"() ({
      %run_scoped3A_70 = tpu.sem_alloc : memref<!tpu.dma_semaphore, #tpu.memory_space<semaphore_mem>>
      %dma_start3A = arith.constant 0 : i32
      %dma_start3A_71 = tpu.memref_slice %arg6[%run_scoped3A_57, %dma_start3A] : memref<40x128xi32, #tpu.memory_space<vmem>> -> memref<1x128xi32, #tpu.memory_space<vmem>>
      %dma_start3A_72 = tpu.memref_squeeze %dma_start3A_71 : memref<1x128xi32, #tpu.memory_space<vmem>> -> memref<128xi32, #tpu.memory_space<vmem>>
      %dma_start3A_73 = arith.constant 0 : i32
      %dma_start3A_74 = arith.constant 0 : i32
      %dma_start3A_75 = tpu.memref_slice %arg9[%dma_start3A_73, %dma_start3A_74] : memref<10240x1xf32, #tpu.memory_space<vmem_shared>> -> memref<10240x1xf32, #tpu.memory_space<vmem_shared>>
      tpu.enqueue_indirect_dma source(%arg7 : memref<128x1xf32, #tpu.memory_space<vmem>>) target(%dma_start3A_75 : memref<10240x1xf32, #tpu.memory_space<vmem_shared>>) offsets(%dma_start3A_72 : memref<128xi32, #tpu.memory_space<vmem>>) semaphore(%run_scoped3A_70 : memref<!tpu.dma_semaphore, #tpu.memory_space<semaphore_mem>>) {add = true}
      %dma_wait3A = arith.constant 0 : i32
      %dma_wait3A_76 = tpu.memref_slice %arg6[%run_scoped3A_57, %dma_wait3A] : memref<40x128xi32, #tpu.memory_space<vmem>> -> memref<1x128xi32, #tpu.memory_space<vmem>>
      %dma_wait3A_77 = tpu.memref_squeeze %dma_wait3A_76 : memref<1x128xi32, #tpu.memory_space<vmem>> -> memref<128xi32, #tpu.memory_space<vmem>>
      %dma_wait3A_78 = arith.constant 0 : i32
      %dma_wait3A_79 = arith.constant 0 : i32
      %dma_wait3A_80 = tpu.memref_slice %arg9[%dma_wait3A_78, %dma_wait3A_79] : memref<10240x1xf32, #tpu.memory_space<vmem_shared>> -> memref<10240x1xf32, #tpu.memory_space<vmem_shared>>
      tpu.wait_indirect_dma semaphore(%run_scoped3A_70 : memref<!tpu.dma_semaphore, #tpu.memory_space<semaphore_mem>>) src(%arg7 : memref<128x1xf32, #tpu.memory_space<vmem>>) dst(%dma_wait3A_80 : memref<10240x1xf32, #tpu.memory_space<vmem_shared>>)
      tpu.yield
    }) : () -> ()
    %run_scoped3A_58 = arith.constant 36 : i32
    "tpu.region"() ({
      %run_scoped3A_70 = tpu.sem_alloc : memref<!tpu.dma_semaphore, #tpu.memory_space<semaphore_mem>>
      %dma_start3A = arith.constant 0 : i32
      %dma_start3A_71 = tpu.memref_slice %arg6[%run_scoped3A_58, %dma_start3A] : memref<40x128xi32, #tpu.memory_space<vmem>> -> memref<1x128xi32, #tpu.memory_space<vmem>>
      %dma_start3A_72 = tpu.memref_squeeze %dma_start3A_71 : memref<1x128xi32, #tpu.memory_space<vmem>> -> memref<128xi32, #tpu.memory_space<vmem>>
      %dma_start3A_73 = arith.constant 0 : i32
      %dma_start3A_74 = arith.constant 0 : i32
      %dma_start3A_75 = tpu.memref_slice %arg9[%dma_start3A_73, %dma_start3A_74] : memref<10240x1xf32, #tpu.memory_space<vmem_shared>> -> memref<10240x1xf32, #tpu.memory_space<vmem_shared>>
      tpu.enqueue_indirect_dma source(%arg7 : memref<128x1xf32, #tpu.memory_space<vmem>>) target(%dma_start3A_75 : memref<10240x1xf32, #tpu.memory_space<vmem_shared>>) offsets(%dma_start3A_72 : memref<128xi32, #tpu.memory_space<vmem>>) semaphore(%run_scoped3A_70 : memref<!tpu.dma_semaphore, #tpu.memory_space<semaphore_mem>>) {add = true}
      %dma_wait3A = arith.constant 0 : i32
      %dma_wait3A_76 = tpu.memref_slice %arg6[%run_scoped3A_58, %dma_wait3A] : memref<40x128xi32, #tpu.memory_space<vmem>> -> memref<1x128xi32, #tpu.memory_space<vmem>>
      %dma_wait3A_77 = tpu.memref_squeeze %dma_wait3A_76 : memref<1x128xi32, #tpu.memory_space<vmem>> -> memref<128xi32, #tpu.memory_space<vmem>>
      %dma_wait3A_78 = arith.constant 0 : i32
      %dma_wait3A_79 = arith.constant 0 : i32
      %dma_wait3A_80 = tpu.memref_slice %arg9[%dma_wait3A_78, %dma_wait3A_79] : memref<10240x1xf32, #tpu.memory_space<vmem_shared>> -> memref<10240x1xf32, #tpu.memory_space<vmem_shared>>
      tpu.wait_indirect_dma semaphore(%run_scoped3A_70 : memref<!tpu.dma_semaphore, #tpu.memory_space<semaphore_mem>>) src(%arg7 : memref<128x1xf32, #tpu.memory_space<vmem>>) dst(%dma_wait3A_80 : memref<10240x1xf32, #tpu.memory_space<vmem_shared>>)
      tpu.yield
    }) : () -> ()
    %run_scoped3A_59 = arith.constant 37 : i32
    "tpu.region"() ({
      %run_scoped3A_70 = tpu.sem_alloc : memref<!tpu.dma_semaphore, #tpu.memory_space<semaphore_mem>>
      %dma_start3A = arith.constant 0 : i32
      %dma_start3A_71 = tpu.memref_slice %arg6[%run_scoped3A_59, %dma_start3A] : memref<40x128xi32, #tpu.memory_space<vmem>> -> memref<1x128xi32, #tpu.memory_space<vmem>>
      %dma_start3A_72 = tpu.memref_squeeze %dma_start3A_71 : memref<1x128xi32, #tpu.memory_space<vmem>> -> memref<128xi32, #tpu.memory_space<vmem>>
      %dma_start3A_73 = arith.constant 0 : i32
      %dma_start3A_74 = arith.constant 0 : i32
      %dma_start3A_75 = tpu.memref_slice %arg9[%dma_start3A_73, %dma_start3A_74] : memref<10240x1xf32, #tpu.memory_space<vmem_shared>> -> memref<10240x1xf32, #tpu.memory_space<vmem_shared>>
      tpu.enqueue_indirect_dma source(%arg7 : memref<128x1xf32, #tpu.memory_space<vmem>>) target(%dma_start3A_75 : memref<10240x1xf32, #tpu.memory_space<vmem_shared>>) offsets(%dma_start3A_72 : memref<128xi32, #tpu.memory_space<vmem>>) semaphore(%run_scoped3A_70 : memref<!tpu.dma_semaphore, #tpu.memory_space<semaphore_mem>>) {add = true}
      %dma_wait3A = arith.constant 0 : i32
      %dma_wait3A_76 = tpu.memref_slice %arg6[%run_scoped3A_59, %dma_wait3A] : memref<40x128xi32, #tpu.memory_space<vmem>> -> memref<1x128xi32, #tpu.memory_space<vmem>>
      %dma_wait3A_77 = tpu.memref_squeeze %dma_wait3A_76 : memref<1x128xi32, #tpu.memory_space<vmem>> -> memref<128xi32, #tpu.memory_space<vmem>>
      %dma_wait3A_78 = arith.constant 0 : i32
      %dma_wait3A_79 = arith.constant 0 : i32
      %dma_wait3A_80 = tpu.memref_slice %arg9[%dma_wait3A_78, %dma_wait3A_79] : memref<10240x1xf32, #tpu.memory_space<vmem_shared>> -> memref<10240x1xf32, #tpu.memory_space<vmem_shared>>
      tpu.wait_indirect_dma semaphore(%run_scoped3A_70 : memref<!tpu.dma_semaphore, #tpu.memory_space<semaphore_mem>>) src(%arg7 : memref<128x1xf32, #tpu.memory_space<vmem>>) dst(%dma_wait3A_80 : memref<10240x1xf32, #tpu.memory_space<vmem_shared>>)
      tpu.yield
    }) : () -> ()
    %run_scoped3A_60 = arith.constant 38 : i32
    "tpu.region"() ({
      %run_scoped3A_70 = tpu.sem_alloc : memref<!tpu.dma_semaphore, #tpu.memory_space<semaphore_mem>>
      %dma_start3A = arith.constant 0 : i32
      %dma_start3A_71 = tpu.memref_slice %arg6[%run_scoped3A_60, %dma_start3A] : memref<40x128xi32, #tpu.memory_space<vmem>> -> memref<1x128xi32, #tpu.memory_space<vmem>>
      %dma_start3A_72 = tpu.memref_squeeze %dma_start3A_71 : memref<1x128xi32, #tpu.memory_space<vmem>> -> memref<128xi32, #tpu.memory_space<vmem>>
      %dma_start3A_73 = arith.constant 0 : i32
      %dma_start3A_74 = arith.constant 0 : i32
      %dma_start3A_75 = tpu.memref_slice %arg9[%dma_start3A_73, %dma_start3A_74] : memref<10240x1xf32, #tpu.memory_space<vmem_shared>> -> memref<10240x1xf32, #tpu.memory_space<vmem_shared>>
      tpu.enqueue_indirect_dma source(%arg7 : memref<128x1xf32, #tpu.memory_space<vmem>>) target(%dma_start3A_75 : memref<10240x1xf32, #tpu.memory_space<vmem_shared>>) offsets(%dma_start3A_72 : memref<128xi32, #tpu.memory_space<vmem>>) semaphore(%run_scoped3A_70 : memref<!tpu.dma_semaphore, #tpu.memory_space<semaphore_mem>>) {add = true}
      %dma_wait3A = arith.constant 0 : i32
      %dma_wait3A_76 = tpu.memref_slice %arg6[%run_scoped3A_60, %dma_wait3A] : memref<40x128xi32, #tpu.memory_space<vmem>> -> memref<1x128xi32, #tpu.memory_space<vmem>>
      %dma_wait3A_77 = tpu.memref_squeeze %dma_wait3A_76 : memref<1x128xi32, #tpu.memory_space<vmem>> -> memref<128xi32, #tpu.memory_space<vmem>>
      %dma_wait3A_78 = arith.constant 0 : i32
      %dma_wait3A_79 = arith.constant 0 : i32
      %dma_wait3A_80 = tpu.memref_slice %arg9[%dma_wait3A_78, %dma_wait3A_79] : memref<10240x1xf32, #tpu.memory_space<vmem_shared>> -> memref<10240x1xf32, #tpu.memory_space<vmem_shared>>
      tpu.wait_indirect_dma semaphore(%run_scoped3A_70 : memref<!tpu.dma_semaphore, #tpu.memory_space<semaphore_mem>>) src(%arg7 : memref<128x1xf32, #tpu.memory_space<vmem>>) dst(%dma_wait3A_80 : memref<10240x1xf32, #tpu.memory_space<vmem_shared>>)
      tpu.yield
    }) : () -> ()
    %run_scoped3A_61 = arith.constant 39 : i32
    "tpu.region"() ({
      %run_scoped3A_70 = tpu.sem_alloc : memref<!tpu.dma_semaphore, #tpu.memory_space<semaphore_mem>>
      %dma_start3A = arith.constant 0 : i32
      %dma_start3A_71 = tpu.memref_slice %arg6[%run_scoped3A_61, %dma_start3A] : memref<40x128xi32, #tpu.memory_space<vmem>> -> memref<1x128xi32, #tpu.memory_space<vmem>>
      %dma_start3A_72 = tpu.memref_squeeze %dma_start3A_71 : memref<1x128xi32, #tpu.memory_space<vmem>> -> memref<128xi32, #tpu.memory_space<vmem>>
      %dma_start3A_73 = arith.constant 0 : i32
      %dma_start3A_74 = arith.constant 0 : i32
      %dma_start3A_75 = tpu.memref_slice %arg9[%dma_start3A_73, %dma_start3A_74] : memref<10240x1xf32, #tpu.memory_space<vmem_shared>> -> memref<10240x1xf32, #tpu.memory_space<vmem_shared>>
      tpu.enqueue_indirect_dma source(%arg7 : memref<128x1xf32, #tpu.memory_space<vmem>>) target(%dma_start3A_75 : memref<10240x1xf32, #tpu.memory_space<vmem_shared>>) offsets(%dma_start3A_72 : memref<128xi32, #tpu.memory_space<vmem>>) semaphore(%run_scoped3A_70 : memref<!tpu.dma_semaphore, #tpu.memory_space<semaphore_mem>>) {add = true}
      %dma_wait3A = arith.constant 0 : i32
      %dma_wait3A_76 = tpu.memref_slice %arg6[%run_scoped3A_61, %dma_wait3A] : memref<40x128xi32, #tpu.memory_space<vmem>> -> memref<1x128xi32, #tpu.memory_space<vmem>>
      %dma_wait3A_77 = tpu.memref_squeeze %dma_wait3A_76 : memref<1x128xi32, #tpu.memory_space<vmem>> -> memref<128xi32, #tpu.memory_space<vmem>>
      %dma_wait3A_78 = arith.constant 0 : i32
      %dma_wait3A_79 = arith.constant 0 : i32
      %dma_wait3A_80 = tpu.memref_slice %arg9[%dma_wait3A_78, %dma_wait3A_79] : memref<10240x1xf32, #tpu.memory_space<vmem_shared>> -> memref<10240x1xf32, #tpu.memory_space<vmem_shared>>
      tpu.wait_indirect_dma semaphore(%run_scoped3A_70 : memref<!tpu.dma_semaphore, #tpu.memory_space<semaphore_mem>>) src(%arg7 : memref<128x1xf32, #tpu.memory_space<vmem>>) dst(%dma_wait3A_80 : memref<10240x1xf32, #tpu.memory_space<vmem_shared>>)
      tpu.yield
    }) : () -> ()
    %barrier3A_62 = arith.constant 0 : index
    tpu.barrier barrier_id(%barrier3A_62)
    %mul3A_63 = arith.constant 640 : i32
    %mul3A_64 = arith.muli %arg1, %mul3A_63 : i32
    %mul3A_65 = arith.constant 10240 : i32
    %mul3A_66 = arith.muli %arg0, %mul3A_65 : i32
    %mul3A_67 = arith.constant 640 : i32
    %mul3A_68 = arith.muli %arg1, %mul3A_67 : i32
    %add3A_69 = arith.addi %mul3A_66, %mul3A_68 : i32
    "tpu.region"() ({
      %run_scoped3A_70 = tpu.sem_alloc : memref<!tpu.dma_semaphore, #tpu.memory_space<semaphore_mem>>
      %dma_start3A = arith.constant 0 : i32
      %dma_start3A_71 = tpu.memref_slice %arg5[%add3A_69, %dma_start3A] : memref<20480x1xf32, #tpu.memory_space<hbm>> -> memref<640x1xf32, #tpu.memory_space<hbm>>
      %dma_start3A_72 = arith.constant 0 : i32
      %dma_start3A_73 = tpu.memref_slice %arg9[%mul3A_64, %dma_start3A_72] : memref<10240x1xf32, #tpu.memory_space<vmem_shared>> -> memref<640x1xf32, #tpu.memory_space<vmem_shared>>
      tpu.enqueue_dma source(%dma_start3A_73 : memref<640x1xf32, #tpu.memory_space<vmem_shared>>) target(%dma_start3A_71 : memref<640x1xf32, #tpu.memory_space<hbm>>) target_semaphore(%run_scoped3A_70 : memref<!tpu.dma_semaphore, #tpu.memory_space<semaphore_mem>>)
      %dma_wait3A = arith.constant 0 : i32
      %dma_wait3A_74 = tpu.memref_slice %arg5[%add3A_69, %dma_wait3A] : memref<20480x1xf32, #tpu.memory_space<hbm>> -> memref<640x1xf32, #tpu.memory_space<hbm>>
      %dma_wait3A_75 = arith.constant 0 : i32
      %dma_wait3A_76 = tpu.memref_slice %arg9[%mul3A_64, %dma_wait3A_75] : memref<10240x1xf32, #tpu.memory_space<vmem_shared>> -> memref<640x1xf32, #tpu.memory_space<vmem_shared>>
      tpu.wait_dma2 semaphore(%run_scoped3A_70 : memref<!tpu.dma_semaphore, #tpu.memory_space<semaphore_mem>>) src(%dma_wait3A_76 : memref<640x1xf32, #tpu.memory_space<vmem_shared>>) dst(%dma_wait3A_74 : memref<640x1xf32, #tpu.memory_space<hbm>>)
      tpu.yield
    }) : () -> ()
    return
  }
}

#map = affine_map<(d0, d1) -> (0, 0)>
#map1 = affine_map<(d0, d1) -> (0)>
module attributes {stable_mosaic.version = 14 : i64} {
  func.func @_agg_body(%arg0: i32, %arg1: i32, %arg2: memref<20000x192xbf16, #tpu.memory_space<hbm>>, %arg3: memref<327680xi32, #tpu.memory_space<hbm>>, %arg4: memref<327680xi32, #tpu.memory_space<hbm>>, %arg5: memref<128x192xbf16, #tpu.memory_space<hbm>>, %arg6: memref<20480x192xbf16, #tpu.memory_space<hbm>>, %arg7: memref<10240xi32, #tpu.memory_space<vmem>>, %arg8: memref<10240xi32, #tpu.memory_space<vmem>>, %arg9: memref<128x192xbf16, #tpu.memory_space<vmem>>, %arg10: memref<128x192xbf16, #tpu.memory_space<vmem>>, %arg11: memref<128x192xbf16, #tpu.memory_space<vmem>>, %arg12: memref<10240x192xbf16, #tpu.memory_space<vmem_shared>>, %arg13: memref<!tpu.dma_semaphore, #tpu.memory_space<semaphore_mem>>, %arg14: memref<!tpu.dma_semaphore, #tpu.memory_space<semaphore_mem>>) attributes {dimension_semantics = [#tpu.dimension_semantics<core_parallel>, #tpu.dimension_semantics<subcore_parallel>], iteration_bounds = array<i64: 2, 16>, scalar_prefetch = 0 : i64, scratch_operands = 8 : i64, tpu.core_type = #tpu.core_type<sc_vector_subcore>, window_params = [{transform_indices = #map}, {transform_indices = #map1}, {transform_indices = #map1}, {transform_indices = #map}, {transform_indices = #map}]} {
    "tpu.region"() ({
      %run_scoped3A = tpu.sem_alloc : memref<!tpu.dma_semaphore, #tpu.memory_space<semaphore_mem>>
      tpu.enqueue_dma source(%arg5 : memref<128x192xbf16, #tpu.memory_space<hbm>>) target(%arg9 : memref<128x192xbf16, #tpu.memory_space<vmem>>) target_semaphore(%run_scoped3A : memref<!tpu.dma_semaphore, #tpu.memory_space<semaphore_mem>>)
      tpu.wait_dma2 semaphore(%run_scoped3A : memref<!tpu.dma_semaphore, #tpu.memory_space<semaphore_mem>>) src(%arg5 : memref<128x192xbf16, #tpu.memory_space<hbm>>) dst(%arg9 : memref<128x192xbf16, #tpu.memory_space<vmem>>)
      tpu.yield
    }) : () -> ()
    %mul3A = arith.constant 16 : i32
    %mul3A_0 = arith.muli %arg0, %mul3A : i32
    %add3A = arith.addi %mul3A_0, %arg1 : i32
    %mul3A_1 = arith.constant 10240 : i32
    %mul3A_2 = arith.muli %add3A, %mul3A_1 : i32
    "tpu.region"() ({
      %run_scoped3A = tpu.sem_alloc : memref<!tpu.dma_semaphore, #tpu.memory_space<semaphore_mem>>
      %dma_start3A_40 = tpu.memref_slice %arg3[%mul3A_2] : memref<327680xi32, #tpu.memory_space<hbm>> -> memref<10240xi32, #tpu.memory_space<hbm>>
      %dma_start3A_41 = tpu.memref_slice %arg3[%mul3A_2] : memref<327680xi32, #tpu.memory_space<hbm>> -> memref<10240xi32, #tpu.memory_space<hbm>>
      tpu.enqueue_dma source(%dma_start3A_41 : memref<10240xi32, #tpu.memory_space<hbm>>) target(%arg7 : memref<10240xi32, #tpu.memory_space<vmem>>) target_semaphore(%run_scoped3A : memref<!tpu.dma_semaphore, #tpu.memory_space<semaphore_mem>>)
      %dma_wait3A = tpu.memref_slice %arg3[%mul3A_2] : memref<327680xi32, #tpu.memory_space<hbm>> -> memref<10240xi32, #tpu.memory_space<hbm>>
      %dma_wait3A_42 = tpu.memref_slice %arg3[%mul3A_2] : memref<327680xi32, #tpu.memory_space<hbm>> -> memref<10240xi32, #tpu.memory_space<hbm>>
      tpu.wait_dma2 semaphore(%run_scoped3A : memref<!tpu.dma_semaphore, #tpu.memory_space<semaphore_mem>>) src(%dma_wait3A_42 : memref<10240xi32, #tpu.memory_space<hbm>>) dst(%arg7 : memref<10240xi32, #tpu.memory_space<vmem>>)
      tpu.yield
    }) : () -> ()
    "tpu.region"() ({
      %run_scoped3A = tpu.sem_alloc : memref<!tpu.dma_semaphore, #tpu.memory_space<semaphore_mem>>
      %dma_start3A_40 = tpu.memref_slice %arg4[%mul3A_2] : memref<327680xi32, #tpu.memory_space<hbm>> -> memref<10240xi32, #tpu.memory_space<hbm>>
      %dma_start3A_41 = tpu.memref_slice %arg4[%mul3A_2] : memref<327680xi32, #tpu.memory_space<hbm>> -> memref<10240xi32, #tpu.memory_space<hbm>>
      tpu.enqueue_dma source(%dma_start3A_41 : memref<10240xi32, #tpu.memory_space<hbm>>) target(%arg8 : memref<10240xi32, #tpu.memory_space<vmem>>) target_semaphore(%run_scoped3A : memref<!tpu.dma_semaphore, #tpu.memory_space<semaphore_mem>>)
      %dma_wait3A = tpu.memref_slice %arg4[%mul3A_2] : memref<327680xi32, #tpu.memory_space<hbm>> -> memref<10240xi32, #tpu.memory_space<hbm>>
      %dma_wait3A_42 = tpu.memref_slice %arg4[%mul3A_2] : memref<327680xi32, #tpu.memory_space<hbm>> -> memref<10240xi32, #tpu.memory_space<hbm>>
      tpu.wait_dma2 semaphore(%run_scoped3A : memref<!tpu.dma_semaphore, #tpu.memory_space<semaphore_mem>>) src(%dma_wait3A_42 : memref<10240xi32, #tpu.memory_space<hbm>>) dst(%arg8 : memref<10240xi32, #tpu.memory_space<vmem>>)
      tpu.yield
    }) : () -> ()
    %mul3A_3 = arith.constant 640 : i32
    %mul3A_4 = arith.muli %arg1, %mul3A_3 : i32
    %add3A_5 = arith.constant 0 : i32
    %add3A_6 = arith.addi %mul3A_4, %add3A_5 : i32
    "tpu.region"() ({
      %run_scoped3A = tpu.sem_alloc : memref<!tpu.dma_semaphore, #tpu.memory_space<semaphore_mem>>
      %dma_start3A_40 = arith.constant 0 : i32
      %dma_start3A_41 = tpu.memref_slice %arg12[%add3A_6, %dma_start3A_40] : memref<10240x192xbf16, #tpu.memory_space<vmem_shared>> -> memref<128x192xbf16, #tpu.memory_space<vmem_shared>>
      %dma_start3A_42 = arith.constant 0 : i32
      %dma_start3A_43 = tpu.memref_slice %arg12[%add3A_6, %dma_start3A_42] : memref<10240x192xbf16, #tpu.memory_space<vmem_shared>> -> memref<128x192xbf16, #tpu.memory_space<vmem_shared>>
      tpu.enqueue_dma source(%arg9 : memref<128x192xbf16, #tpu.memory_space<vmem>>) target(%dma_start3A_43 : memref<128x192xbf16, #tpu.memory_space<vmem_shared>>) target_semaphore(%run_scoped3A : memref<!tpu.dma_semaphore, #tpu.memory_space<semaphore_mem>>)
      %dma_wait3A = arith.constant 0 : i32
      %dma_wait3A_44 = tpu.memref_slice %arg12[%add3A_6, %dma_wait3A] : memref<10240x192xbf16, #tpu.memory_space<vmem_shared>> -> memref<128x192xbf16, #tpu.memory_space<vmem_shared>>
      %dma_wait3A_45 = arith.constant 0 : i32
      %dma_wait3A_46 = tpu.memref_slice %arg12[%add3A_6, %dma_wait3A_45] : memref<10240x192xbf16, #tpu.memory_space<vmem_shared>> -> memref<128x192xbf16, #tpu.memory_space<vmem_shared>>
      tpu.wait_dma2 semaphore(%run_scoped3A : memref<!tpu.dma_semaphore, #tpu.memory_space<semaphore_mem>>) src(%arg9 : memref<128x192xbf16, #tpu.memory_space<vmem>>) dst(%dma_wait3A_46 : memref<128x192xbf16, #tpu.memory_space<vmem_shared>>)
      tpu.yield
    }) : () -> ()
    %mul3A_7 = arith.constant 640 : i32
    %mul3A_8 = arith.muli %arg1, %mul3A_7 : i32
    %add3A_9 = arith.constant 128 : i32
    %add3A_10 = arith.addi %mul3A_8, %add3A_9 : i32
    "tpu.region"() ({
      %run_scoped3A = tpu.sem_alloc : memref<!tpu.dma_semaphore, #tpu.memory_space<semaphore_mem>>
      %dma_start3A_40 = arith.constant 0 : i32
      %dma_start3A_41 = tpu.memref_slice %arg12[%add3A_10, %dma_start3A_40] : memref<10240x192xbf16, #tpu.memory_space<vmem_shared>> -> memref<128x192xbf16, #tpu.memory_space<vmem_shared>>
      %dma_start3A_42 = arith.constant 0 : i32
      %dma_start3A_43 = tpu.memref_slice %arg12[%add3A_10, %dma_start3A_42] : memref<10240x192xbf16, #tpu.memory_space<vmem_shared>> -> memref<128x192xbf16, #tpu.memory_space<vmem_shared>>
      tpu.enqueue_dma source(%arg9 : memref<128x192xbf16, #tpu.memory_space<vmem>>) target(%dma_start3A_43 : memref<128x192xbf16, #tpu.memory_space<vmem_shared>>) target_semaphore(%run_scoped3A : memref<!tpu.dma_semaphore, #tpu.memory_space<semaphore_mem>>)
      %dma_wait3A = arith.constant 0 : i32
      %dma_wait3A_44 = tpu.memref_slice %arg12[%add3A_10, %dma_wait3A] : memref<10240x192xbf16, #tpu.memory_space<vmem_shared>> -> memref<128x192xbf16, #tpu.memory_space<vmem_shared>>
      %dma_wait3A_45 = arith.constant 0 : i32
      %dma_wait3A_46 = tpu.memref_slice %arg12[%add3A_10, %dma_wait3A_45] : memref<10240x192xbf16, #tpu.memory_space<vmem_shared>> -> memref<128x192xbf16, #tpu.memory_space<vmem_shared>>
      tpu.wait_dma2 semaphore(%run_scoped3A : memref<!tpu.dma_semaphore, #tpu.memory_space<semaphore_mem>>) src(%arg9 : memref<128x192xbf16, #tpu.memory_space<vmem>>) dst(%dma_wait3A_46 : memref<128x192xbf16, #tpu.memory_space<vmem_shared>>)
      tpu.yield
    }) : () -> ()
    %mul3A_11 = arith.constant 640 : i32
    %mul3A_12 = arith.muli %arg1, %mul3A_11 : i32
    %add3A_13 = arith.constant 256 : i32
    %add3A_14 = arith.addi %mul3A_12, %add3A_13 : i32
    "tpu.region"() ({
      %run_scoped3A = tpu.sem_alloc : memref<!tpu.dma_semaphore, #tpu.memory_space<semaphore_mem>>
      %dma_start3A_40 = arith.constant 0 : i32
      %dma_start3A_41 = tpu.memref_slice %arg12[%add3A_14, %dma_start3A_40] : memref<10240x192xbf16, #tpu.memory_space<vmem_shared>> -> memref<128x192xbf16, #tpu.memory_space<vmem_shared>>
      %dma_start3A_42 = arith.constant 0 : i32
      %dma_start3A_43 = tpu.memref_slice %arg12[%add3A_14, %dma_start3A_42] : memref<10240x192xbf16, #tpu.memory_space<vmem_shared>> -> memref<128x192xbf16, #tpu.memory_space<vmem_shared>>
      tpu.enqueue_dma source(%arg9 : memref<128x192xbf16, #tpu.memory_space<vmem>>) target(%dma_start3A_43 : memref<128x192xbf16, #tpu.memory_space<vmem_shared>>) target_semaphore(%run_scoped3A : memref<!tpu.dma_semaphore, #tpu.memory_space<semaphore_mem>>)
      %dma_wait3A = arith.constant 0 : i32
      %dma_wait3A_44 = tpu.memref_slice %arg12[%add3A_14, %dma_wait3A] : memref<10240x192xbf16, #tpu.memory_space<vmem_shared>> -> memref<128x192xbf16, #tpu.memory_space<vmem_shared>>
      %dma_wait3A_45 = arith.constant 0 : i32
      %dma_wait3A_46 = tpu.memref_slice %arg12[%add3A_14, %dma_wait3A_45] : memref<10240x192xbf16, #tpu.memory_space<vmem_shared>> -> memref<128x192xbf16, #tpu.memory_space<vmem_shared>>
      tpu.wait_dma2 semaphore(%run_scoped3A : memref<!tpu.dma_semaphore, #tpu.memory_space<semaphore_mem>>) src(%arg9 : memref<128x192xbf16, #tpu.memory_space<vmem>>) dst(%dma_wait3A_46 : memref<128x192xbf16, #tpu.memory_space<vmem_shared>>)
      tpu.yield
    }) : () -> ()
    %mul3A_15 = arith.constant 640 : i32
    %mul3A_16 = arith.muli %arg1, %mul3A_15 : i32
    %add3A_17 = arith.constant 384 : i32
    %add3A_18 = arith.addi %mul3A_16, %add3A_17 : i32
    "tpu.region"() ({
      %run_scoped3A = tpu.sem_alloc : memref<!tpu.dma_semaphore, #tpu.memory_space<semaphore_mem>>
      %dma_start3A_40 = arith.constant 0 : i32
      %dma_start3A_41 = tpu.memref_slice %arg12[%add3A_18, %dma_start3A_40] : memref<10240x192xbf16, #tpu.memory_space<vmem_shared>> -> memref<128x192xbf16, #tpu.memory_space<vmem_shared>>
      %dma_start3A_42 = arith.constant 0 : i32
      %dma_start3A_43 = tpu.memref_slice %arg12[%add3A_18, %dma_start3A_42] : memref<10240x192xbf16, #tpu.memory_space<vmem_shared>> -> memref<128x192xbf16, #tpu.memory_space<vmem_shared>>
      tpu.enqueue_dma source(%arg9 : memref<128x192xbf16, #tpu.memory_space<vmem>>) target(%dma_start3A_43 : memref<128x192xbf16, #tpu.memory_space<vmem_shared>>) target_semaphore(%run_scoped3A : memref<!tpu.dma_semaphore, #tpu.memory_space<semaphore_mem>>)
      %dma_wait3A = arith.constant 0 : i32
      %dma_wait3A_44 = tpu.memref_slice %arg12[%add3A_18, %dma_wait3A] : memref<10240x192xbf16, #tpu.memory_space<vmem_shared>> -> memref<128x192xbf16, #tpu.memory_space<vmem_shared>>
      %dma_wait3A_45 = arith.constant 0 : i32
      %dma_wait3A_46 = tpu.memref_slice %arg12[%add3A_18, %dma_wait3A_45] : memref<10240x192xbf16, #tpu.memory_space<vmem_shared>> -> memref<128x192xbf16, #tpu.memory_space<vmem_shared>>
      tpu.wait_dma2 semaphore(%run_scoped3A : memref<!tpu.dma_semaphore, #tpu.memory_space<semaphore_mem>>) src(%arg9 : memref<128x192xbf16, #tpu.memory_space<vmem>>) dst(%dma_wait3A_46 : memref<128x192xbf16, #tpu.memory_space<vmem_shared>>)
      tpu.yield
    }) : () -> ()
    %mul3A_19 = arith.constant 640 : i32
    %mul3A_20 = arith.muli %arg1, %mul3A_19 : i32
    %add3A_21 = arith.constant 512 : i32
    %add3A_22 = arith.addi %mul3A_20, %add3A_21 : i32
    "tpu.region"() ({
      %run_scoped3A = tpu.sem_alloc : memref<!tpu.dma_semaphore, #tpu.memory_space<semaphore_mem>>
      %dma_start3A_40 = arith.constant 0 : i32
      %dma_start3A_41 = tpu.memref_slice %arg12[%add3A_22, %dma_start3A_40] : memref<10240x192xbf16, #tpu.memory_space<vmem_shared>> -> memref<128x192xbf16, #tpu.memory_space<vmem_shared>>
      %dma_start3A_42 = arith.constant 0 : i32
      %dma_start3A_43 = tpu.memref_slice %arg12[%add3A_22, %dma_start3A_42] : memref<10240x192xbf16, #tpu.memory_space<vmem_shared>> -> memref<128x192xbf16, #tpu.memory_space<vmem_shared>>
      tpu.enqueue_dma source(%arg9 : memref<128x192xbf16, #tpu.memory_space<vmem>>) target(%dma_start3A_43 : memref<128x192xbf16, #tpu.memory_space<vmem_shared>>) target_semaphore(%run_scoped3A : memref<!tpu.dma_semaphore, #tpu.memory_space<semaphore_mem>>)
      %dma_wait3A = arith.constant 0 : i32
      %dma_wait3A_44 = tpu.memref_slice %arg12[%add3A_22, %dma_wait3A] : memref<10240x192xbf16, #tpu.memory_space<vmem_shared>> -> memref<128x192xbf16, #tpu.memory_space<vmem_shared>>
      %dma_wait3A_45 = arith.constant 0 : i32
      %dma_wait3A_46 = tpu.memref_slice %arg12[%add3A_22, %dma_wait3A_45] : memref<10240x192xbf16, #tpu.memory_space<vmem_shared>> -> memref<128x192xbf16, #tpu.memory_space<vmem_shared>>
      tpu.wait_dma2 semaphore(%run_scoped3A : memref<!tpu.dma_semaphore, #tpu.memory_space<semaphore_mem>>) src(%arg9 : memref<128x192xbf16, #tpu.memory_space<vmem>>) dst(%dma_wait3A_46 : memref<128x192xbf16, #tpu.memory_space<vmem_shared>>)
      tpu.yield
    }) : () -> ()
    %barrier3A = arith.constant 0 : index
    tpu.barrier barrier_id(%barrier3A)
    %dma_start3A = arith.constant 0 : i32
    %dma_start3A_23 = tpu.memref_slice %arg7[%dma_start3A] : memref<10240xi32, #tpu.memory_space<vmem>> -> memref<128xi32, #tpu.memory_space<vmem>>
    %dma_start3A_24 = arith.constant 0 : i32
    %dma_start3A_25 = arith.constant 0 : i32
    %dma_start3A_26 = tpu.memref_slice %arg2[%dma_start3A_24, %dma_start3A_25] : memref<20000x192xbf16, #tpu.memory_space<hbm>> -> memref<20000x192xbf16, #tpu.memory_space<hbm>>
    tpu.enqueue_indirect_dma source(%dma_start3A_26 : memref<20000x192xbf16, #tpu.memory_space<hbm>>) target(%arg10 : memref<128x192xbf16, #tpu.memory_space<vmem>>) offsets(%dma_start3A_23 : memref<128xi32, #tpu.memory_space<vmem>>) semaphore(%arg13 : memref<!tpu.dma_semaphore, #tpu.memory_space<semaphore_mem>>)
    %scan3A = arith.constant 0 : i32
    %scan3A_27 = arith.constant 0 : i32
    %scan3A_28 = arith.constant 40 : i32
    %scan3A_29 = arith.addi %scan3A_27, %scan3A_28 : i32
    %scan3A_30 = arith.constant 1 : i32
    scf.for %scan3A_40 = %scan3A_27 to %scan3A_29 step %scan3A_30  : i32 {
      %mul3A_41 = arith.constant 2 : i32
      %mul3A_42 = arith.muli %scan3A_40, %mul3A_41 : i32
      %add3A_43 = arith.constant 1 : i32
      %add3A_44 = arith.addi %mul3A_42, %add3A_43 : i32
      %mul3A_45 = arith.constant 128 : i32
      %mul3A_46 = arith.muli %add3A_44, %mul3A_45 : i32
      %dma_start3A_47 = tpu.memref_slice %arg7[%mul3A_46] : memref<10240xi32, #tpu.memory_space<vmem>> -> memref<128xi32, #tpu.memory_space<vmem>>
      %dma_start3A_48 = arith.constant 0 : i32
      %dma_start3A_49 = arith.constant 0 : i32
      %dma_start3A_50 = tpu.memref_slice %arg2[%dma_start3A_48, %dma_start3A_49] : memref<20000x192xbf16, #tpu.memory_space<hbm>> -> memref<20000x192xbf16, #tpu.memory_space<hbm>>
      tpu.enqueue_indirect_dma source(%dma_start3A_50 : memref<20000x192xbf16, #tpu.memory_space<hbm>>) target(%arg11 : memref<128x192xbf16, #tpu.memory_space<vmem>>) offsets(%dma_start3A_47 : memref<128xi32, #tpu.memory_space<vmem>>) semaphore(%arg14 : memref<!tpu.dma_semaphore, #tpu.memory_space<semaphore_mem>>)
      %mul3A_51 = arith.constant 128 : i32
      %mul3A_52 = arith.muli %mul3A_42, %mul3A_51 : i32
      %dma_wait3A = tpu.memref_slice %arg7[%mul3A_52] : memref<10240xi32, #tpu.memory_space<vmem>> -> memref<128xi32, #tpu.memory_space<vmem>>
      %dma_wait3A_53 = arith.constant 0 : i32
      %dma_wait3A_54 = arith.constant 0 : i32
      %dma_wait3A_55 = tpu.memref_slice %arg2[%dma_wait3A_53, %dma_wait3A_54] : memref<20000x192xbf16, #tpu.memory_space<hbm>> -> memref<20000x192xbf16, #tpu.memory_space<hbm>>
      tpu.wait_indirect_dma semaphore(%arg13 : memref<!tpu.dma_semaphore, #tpu.memory_space<semaphore_mem>>) src(%dma_wait3A_55 : memref<20000x192xbf16, #tpu.memory_space<hbm>>) dst(%arg10 : memref<128x192xbf16, #tpu.memory_space<vmem>>)
      %mul3A_56 = arith.constant 128 : i32
      %mul3A_57 = arith.muli %mul3A_42, %mul3A_56 : i32
      "tpu.region"() ({
        %run_scoped3A = tpu.sem_alloc : memref<!tpu.dma_semaphore, #tpu.memory_space<semaphore_mem>>
        %dma_start3A_72 = tpu.memref_slice %arg8[%mul3A_57] : memref<10240xi32, #tpu.memory_space<vmem>> -> memref<128xi32, #tpu.memory_space<vmem>>
        %dma_start3A_73 = arith.constant 0 : i32
        %dma_start3A_74 = arith.constant 0 : i32
        %dma_start3A_75 = tpu.memref_slice %arg12[%dma_start3A_73, %dma_start3A_74] : memref<10240x192xbf16, #tpu.memory_space<vmem_shared>> -> memref<10240x192xbf16, #tpu.memory_space<vmem_shared>>
        tpu.enqueue_indirect_dma source(%arg10 : memref<128x192xbf16, #tpu.memory_space<vmem>>) target(%dma_start3A_75 : memref<10240x192xbf16, #tpu.memory_space<vmem_shared>>) offsets(%dma_start3A_72 : memref<128xi32, #tpu.memory_space<vmem>>) semaphore(%run_scoped3A : memref<!tpu.dma_semaphore, #tpu.memory_space<semaphore_mem>>) {add = true}
        %dma_wait3A_76 = tpu.memref_slice %arg8[%mul3A_57] : memref<10240xi32, #tpu.memory_space<vmem>> -> memref<128xi32, #tpu.memory_space<vmem>>
        %dma_wait3A_77 = arith.constant 0 : i32
        %dma_wait3A_78 = arith.constant 0 : i32
        %dma_wait3A_79 = tpu.memref_slice %arg12[%dma_wait3A_77, %dma_wait3A_78] : memref<10240x192xbf16, #tpu.memory_space<vmem_shared>> -> memref<10240x192xbf16, #tpu.memory_space<vmem_shared>>
        tpu.wait_indirect_dma semaphore(%run_scoped3A : memref<!tpu.dma_semaphore, #tpu.memory_space<semaphore_mem>>) src(%arg10 : memref<128x192xbf16, #tpu.memory_space<vmem>>) dst(%dma_wait3A_79 : memref<10240x192xbf16, #tpu.memory_space<vmem_shared>>)
        tpu.yield
      }) : () -> ()
      %lt3A = arith.constant 39 : i32
      %lt3A_58 = arith.cmpi slt, %scan3A_40, %lt3A : i32
      %convert_element_type3A = arith.extui %lt3A_58 : i1 to i32
      %cond3A = arith.constant 0 : i32
      %cond3A_59 = arith.cmpi ne, %convert_element_type3A, %cond3A : i32
      scf.if %cond3A_59 {
        %add3A_72 = arith.constant 2 : i32
        %add3A_73 = arith.addi %mul3A_42, %add3A_72 : i32
        %mul3A_74 = arith.constant 128 : i32
        %mul3A_75 = arith.muli %add3A_73, %mul3A_74 : i32
        %dma_start3A_76 = tpu.memref_slice %arg7[%mul3A_75] : memref<10240xi32, #tpu.memory_space<vmem>> -> memref<128xi32, #tpu.memory_space<vmem>>
        %dma_start3A_77 = arith.constant 0 : i32
        %dma_start3A_78 = arith.constant 0 : i32
        %dma_start3A_79 = tpu.memref_slice %arg2[%dma_start3A_77, %dma_start3A_78] : memref<20000x192xbf16, #tpu.memory_space<hbm>> -> memref<20000x192xbf16, #tpu.memory_space<hbm>>
        tpu.enqueue_indirect_dma source(%dma_start3A_79 : memref<20000x192xbf16, #tpu.memory_space<hbm>>) target(%arg10 : memref<128x192xbf16, #tpu.memory_space<vmem>>) offsets(%dma_start3A_76 : memref<128xi32, #tpu.memory_space<vmem>>) semaphore(%arg13 : memref<!tpu.dma_semaphore, #tpu.memory_space<semaphore_mem>>)
      } else {
      }
      %add3A_60 = arith.constant 1 : i32
      %add3A_61 = arith.addi %mul3A_42, %add3A_60 : i32
      %mul3A_62 = arith.constant 128 : i32
      %mul3A_63 = arith.muli %add3A_61, %mul3A_62 : i32
      %dma_wait3A_64 = tpu.memref_slice %arg7[%mul3A_63] : memref<10240xi32, #tpu.memory_space<vmem>> -> memref<128xi32, #tpu.memory_space<vmem>>
      %dma_wait3A_65 = arith.constant 0 : i32
      %dma_wait3A_66 = arith.constant 0 : i32
      %dma_wait3A_67 = tpu.memref_slice %arg2[%dma_wait3A_65, %dma_wait3A_66] : memref<20000x192xbf16, #tpu.memory_space<hbm>> -> memref<20000x192xbf16, #tpu.memory_space<hbm>>
      tpu.wait_indirect_dma semaphore(%arg14 : memref<!tpu.dma_semaphore, #tpu.memory_space<semaphore_mem>>) src(%dma_wait3A_67 : memref<20000x192xbf16, #tpu.memory_space<hbm>>) dst(%arg11 : memref<128x192xbf16, #tpu.memory_space<vmem>>)
      %add3A_68 = arith.constant 1 : i32
      %add3A_69 = arith.addi %mul3A_42, %add3A_68 : i32
      %mul3A_70 = arith.constant 128 : i32
      %mul3A_71 = arith.muli %add3A_69, %mul3A_70 : i32
      "tpu.region"() ({
        %run_scoped3A = tpu.sem_alloc : memref<!tpu.dma_semaphore, #tpu.memory_space<semaphore_mem>>
        %dma_start3A_72 = tpu.memref_slice %arg8[%mul3A_71] : memref<10240xi32, #tpu.memory_space<vmem>> -> memref<128xi32, #tpu.memory_space<vmem>>
        %dma_start3A_73 = arith.constant 0 : i32
        %dma_start3A_74 = arith.constant 0 : i32
        %dma_start3A_75 = tpu.memref_slice %arg12[%dma_start3A_73, %dma_start3A_74] : memref<10240x192xbf16, #tpu.memory_space<vmem_shared>> -> memref<10240x192xbf16, #tpu.memory_space<vmem_shared>>
        tpu.enqueue_indirect_dma source(%arg11 : memref<128x192xbf16, #tpu.memory_space<vmem>>) target(%dma_start3A_75 : memref<10240x192xbf16, #tpu.memory_space<vmem_shared>>) offsets(%dma_start3A_72 : memref<128xi32, #tpu.memory_space<vmem>>) semaphore(%run_scoped3A : memref<!tpu.dma_semaphore, #tpu.memory_space<semaphore_mem>>) {add = true}
        %dma_wait3A_76 = tpu.memref_slice %arg8[%mul3A_71] : memref<10240xi32, #tpu.memory_space<vmem>> -> memref<128xi32, #tpu.memory_space<vmem>>
        %dma_wait3A_77 = arith.constant 0 : i32
        %dma_wait3A_78 = arith.constant 0 : i32
        %dma_wait3A_79 = tpu.memref_slice %arg12[%dma_wait3A_77, %dma_wait3A_78] : memref<10240x192xbf16, #tpu.memory_space<vmem_shared>> -> memref<10240x192xbf16, #tpu.memory_space<vmem_shared>>
        tpu.wait_indirect_dma semaphore(%run_scoped3A : memref<!tpu.dma_semaphore, #tpu.memory_space<semaphore_mem>>) src(%arg11 : memref<128x192xbf16, #tpu.memory_space<vmem>>) dst(%dma_wait3A_79 : memref<10240x192xbf16, #tpu.memory_space<vmem_shared>>)
        tpu.yield
      }) : () -> ()
    }
    %scan3A_31 = arith.constant 40 : i32
    %barrier3A_32 = arith.constant 0 : index
    tpu.barrier barrier_id(%barrier3A_32)
    %mul3A_33 = arith.constant 640 : i32
    %mul3A_34 = arith.muli %arg1, %mul3A_33 : i32
    %mul3A_35 = arith.constant 10240 : i32
    %mul3A_36 = arith.muli %arg0, %mul3A_35 : i32
    %mul3A_37 = arith.constant 640 : i32
    %mul3A_38 = arith.muli %arg1, %mul3A_37 : i32
    %add3A_39 = arith.addi %mul3A_36, %mul3A_38 : i32
    "tpu.region"() ({
      %run_scoped3A = tpu.sem_alloc : memref<!tpu.dma_semaphore, #tpu.memory_space<semaphore_mem>>
      %dma_start3A_40 = arith.constant 0 : i32
      %dma_start3A_41 = tpu.memref_slice %arg6[%add3A_39, %dma_start3A_40] : memref<20480x192xbf16, #tpu.memory_space<hbm>> -> memref<640x192xbf16, #tpu.memory_space<hbm>>
      %dma_start3A_42 = arith.constant 0 : i32
      %dma_start3A_43 = tpu.memref_slice %arg12[%mul3A_34, %dma_start3A_42] : memref<10240x192xbf16, #tpu.memory_space<vmem_shared>> -> memref<640x192xbf16, #tpu.memory_space<vmem_shared>>
      tpu.enqueue_dma source(%dma_start3A_43 : memref<640x192xbf16, #tpu.memory_space<vmem_shared>>) target(%dma_start3A_41 : memref<640x192xbf16, #tpu.memory_space<hbm>>) target_semaphore(%run_scoped3A : memref<!tpu.dma_semaphore, #tpu.memory_space<semaphore_mem>>)
      %dma_wait3A = arith.constant 0 : i32
      %dma_wait3A_44 = tpu.memref_slice %arg6[%add3A_39, %dma_wait3A] : memref<20480x192xbf16, #tpu.memory_space<hbm>> -> memref<640x192xbf16, #tpu.memory_space<hbm>>
      %dma_wait3A_45 = arith.constant 0 : i32
      %dma_wait3A_46 = tpu.memref_slice %arg12[%mul3A_34, %dma_wait3A_45] : memref<10240x192xbf16, #tpu.memory_space<vmem_shared>> -> memref<640x192xbf16, #tpu.memory_space<vmem_shared>>
      tpu.wait_dma2 semaphore(%run_scoped3A : memref<!tpu.dma_semaphore, #tpu.memory_space<semaphore_mem>>) src(%dma_wait3A_46 : memref<640x192xbf16, #tpu.memory_space<vmem_shared>>) dst(%dma_wait3A_44 : memref<640x192xbf16, #tpu.memory_space<hbm>>)
      tpu.yield
    }) : () -> ()
    return
  }
}

module attributes {stable_mosaic.version = 14 : i64} {
  func.func @_prep_body(%arg0: i32, %arg1: i32, %arg2: memref<2x2000x1xf32, #tpu.memory_space<vmem>>, %arg3: memref<2000x48xf32, #tpu.memory_space<vmem>>, %arg4: memref<2000x48xbf16, #tpu.memory_space<vmem>>, %arg5: memref<2000x1xf32, #tpu.memory_space<vmem>>) attributes {dimension_semantics = [#tpu.dimension_semantics<arbitrary>, #tpu.dimension_semantics<arbitrary>], iteration_bounds = array<i64: 8, 5>, scalar_prefetch = 0 : i64, scratch_operands = 0 : i64, tpu.core_type = #tpu.core_type<tc>, window_params = [{transform_indices = @transform_0, window_bounds = array<i64: 2, 2000, 1>}, {transform_indices = @transform_1, window_bounds = array<i64: 2000, 48>}, {transform_indices = @transform_2, window_bounds = array<i64: 2000, 48>}, {transform_indices = @transform_3, window_bounds = array<i64: 2000, 1>}]} {
    %get3A = arith.constant 0 : index
    %get3A_0 = arith.constant 0 : index
    %get3A_1 = arith.constant 0 : index
    %get3A_2 = vector.load %arg2[%get3A, %get3A_0, %get3A_1] : memref<2x2000x1xf32, #tpu.memory_space<vmem>>, vector<1x2000x1xf32>
    %get3A_3 = vector.shape_cast %get3A_2 : vector<1x2000x1xf32> to vector<2000x1xf32>
    %get3A_4 = arith.constant 1 : index
    %get3A_5 = arith.constant 0 : index
    %get3A_6 = arith.constant 0 : index
    %get3A_7 = vector.load %arg2[%get3A_4, %get3A_5, %get3A_6] : memref<2x2000x1xf32, #tpu.memory_space<vmem>>, vector<1x2000x1xf32>
    %get3A_8 = vector.shape_cast %get3A_7 : vector<1x2000x1xf32> to vector<2000x1xf32>
    %add3A = arith.addf %get3A_3, %get3A_8 : vector<2000x1xf32>
    %add3A_9 = arith.constant 1.000000e+00 : f32
    %add3A_10 = vector.broadcast %add3A_9 : f32 to vector<2000x1xf32>
    %add3A_11 = arith.addf %add3A, %add3A_10 : vector<2000x1xf32>
    %rsqrt3A = math.rsqrt %add3A_11 : vector<2000x1xf32>
    %swap3A = arith.constant 0 : index
    %swap3A_12 = arith.constant 0 : index
    %swap3A_13 = vector.load %arg5[%swap3A, %swap3A_12] : memref<2000x1xf32, #tpu.memory_space<vmem>>, vector<2000x1xf32>
    tpu.vector_store %arg5[%swap3A, %swap3A_12], %rsqrt3A {strides = array<i32>} : memref<2000x1xf32, #tpu.memory_space<vmem>>, vector<2000x1xf32>,
    %get3A_14 = arith.constant 0 : index
    %get3A_15 = arith.constant 0 : index
    %get3A_16 = vector.load %arg3[%get3A_14, %get3A_15] : memref<2000x48xf32, #tpu.memory_space<vmem>>, vector<2000x48xf32>
    %mul3A = vector.broadcast %rsqrt3A : vector<2000x1xf32> to vector<2000x48xf32>
    %mul3A_17 = arith.mulf %get3A_16, %mul3A : vector<2000x48xf32>
    %convert_element_type3A = arith.truncf %mul3A_17 : vector<2000x48xf32> to vector<2000x48xbf16>
    %swap3A_18 = arith.constant 0 : index
    %swap3A_19 = arith.constant 0 : index
    %swap3A_20 = vector.load %arg4[%swap3A_18, %swap3A_19] : memref<2000x48xbf16, #tpu.memory_space<vmem>>, vector<2000x48xbf16>
    tpu.vector_store %arg4[%swap3A_18, %swap3A_19], %convert_element_type3A {strides = array<i32>} : memref<2000x48xbf16, #tpu.memory_space<vmem>>, vector<2000x48xbf16>,
    return
  }
  func.func @transform_0(%arg0: i32, %arg1: i32) -> (i32, i32, i32) {
    %c0_i32 = arith.constant 0 : i32
    %c0_i32_0 = arith.constant 0 : i32
    %c0_i32_1 = arith.constant 0 : i32
    return %c0_i32, %arg1, %c0_i32_0 : i32, i32, i32
  }
  func.func @transform_1(%arg0: i32, %arg1: i32) -> (i32, i32) {
    %mul3A = arith.constant 5 : i32
    %mul3A_0 = arith.muli %arg0, %mul3A : i32
    %add3A = arith.addi %mul3A_0, %arg1 : i32
    %c0_i32 = arith.constant 0 : i32
    %c0_i32_1 = arith.constant 0 : i32
    return %add3A, %c0_i32 : i32, i32
  }
  func.func @transform_2(%arg0: i32, %arg1: i32) -> (i32, i32) {
    %mul3A = arith.constant 5 : i32
    %mul3A_0 = arith.muli %arg0, %mul3A : i32
    %add3A = arith.addi %mul3A_0, %arg1 : i32
    %c0_i32 = arith.constant 0 : i32
    %c0_i32_1 = arith.constant 0 : i32
    return %add3A, %c0_i32 : i32, i32
  }
  func.func @transform_3(%arg0: i32, %arg1: i32) -> (i32, i32) {
    %c0_i32 = arith.constant 0 : i32
    %c0_i32_0 = arith.constant 0 : i32
    return %arg1, %c0_i32 : i32, i32
  }
}

module attributes {stable_mosaic.version = 14 : i64} {
  func.func @_dense_body(%arg0: i32, %arg1: i32, %arg2: memref<1x2000x4x48xbf16, #tpu.memory_space<vmem>>, %arg3: memref<1x2000x4x48xbf16, #tpu.memory_space<vmem>>, %arg4: memref<2000x1xf32, #tpu.memory_space<vmem>>, %arg5: memref<48x384xf32, #tpu.memory_space<vmem>>, %arg6: memref<48x384xf32, #tpu.memory_space<vmem>>, %arg7: memref<1x384xf32, #tpu.memory_space<vmem>>, %arg8: memref<1x384xf32, #tpu.memory_space<vmem>>, %arg9: memref<384x32xf32, #tpu.memory_space<vmem>>, %arg10: memref<32x32xf32, #tpu.memory_space<vmem>>, %arg11: memref<1x32xf32, #tpu.memory_space<vmem>>, %arg12: memref<32x1xf32, #tpu.memory_space<vmem>>, %arg13: memref<1x1xf32, #tpu.memory_space<vmem>>, %arg14: memref<2000x1xf32, #tpu.memory_space<vmem>>, %arg15: memref<1x1xf32, #tpu.memory_space<vmem>>, %arg16: memref<8x1xf32, #tpu.memory_space<vmem>>) attributes {dimension_semantics = [#tpu.dimension_semantics<arbitrary>, #tpu.dimension_semantics<arbitrary>], iteration_bounds = array<i64: 2, 5>, scalar_prefetch = 0 : i64, scratch_operands = 0 : i64, tpu.core_type = #tpu.core_type<tc>, window_params = [{transform_indices = @transform_0, window_bounds = array<i64: 1, 2000, 4, 48>}, {transform_indices = @transform_1, window_bounds = array<i64: 1, 2000, 4, 48>}, {transform_indices = @transform_2, window_bounds = array<i64: 2000, 1>}, {pipeline_mode = #tpu.pipeline_mode<synchronous>, transform_indices = @transform_3, window_bounds = array<i64: 48, 384>}, {pipeline_mode = #tpu.pipeline_mode<synchronous>, transform_indices = @transform_4, window_bounds = array<i64: 48, 384>}, {pipeline_mode = #tpu.pipeline_mode<synchronous>, transform_indices = @transform_5, window_bounds = array<i64: 1, 384>}, {pipeline_mode = #tpu.pipeline_mode<synchronous>, transform_indices = @transform_6, window_bounds = array<i64: 1, 384>}, {pipeline_mode = #tpu.pipeline_mode<synchronous>, transform_indices = @transform_7, window_bounds = array<i64: 384, 32>}, {pipeline_mode = #tpu.pipeline_mode<synchronous>, transform_indices = @transform_8, window_bounds = array<i64: 32, 32>}, {pipeline_mode = #tpu.pipeline_mode<synchronous>, transform_indices = @transform_9, window_bounds = array<i64: 1, 32>}, {pipeline_mode = #tpu.pipeline_mode<synchronous>, transform_indices = @transform_10, window_bounds = array<i64: 32, 1>}, {pipeline_mode = #tpu.pipeline_mode<synchronous>, transform_indices = @transform_11, window_bounds = array<i64: 1, 1>}, {transform_indices = @transform_12, window_bounds = array<i64: 2000, 1>}, {pipeline_mode = #tpu.pipeline_mode<synchronous>, transform_indices = @transform_13, window_bounds = array<i64: 1, 1>}, {pipeline_mode = #tpu.pipeline_mode<synchronous>, transform_indices = @transform_14, window_bounds = array<i64: 8, 1>}]} {
    %get3A = arith.constant 0 : index
    %get3A_0 = arith.constant 0 : index
    %get3A_1 = vector.load %arg4[%get3A, %get3A_0] : memref<2000x1xf32, #tpu.memory_space<vmem>>, vector<2000x1xf32>
    %eq3A = arith.constant 0 : i32
    %eq3A_2 = arith.cmpi eq, %arg0, %eq3A : i32
    %eq3A_3 = arith.constant 0 : i32
    %eq3A_4 = arith.cmpi eq, %arg1, %eq3A_3 : i32
    %and3A = arith.andi %eq3A_2, %eq3A_4 : i1
    %convert_element_type3A = arith.extui %and3A : i1 to i32
    %cond3A = arith.constant 0 : i32
    %cond3A_5 = arith.cmpi ne, %convert_element_type3A, %cond3A : i32
    scf.if %cond3A_5 {
      %broadcast_in_dim3A = arith.constant 0.000000e+00 : f32
      %broadcast_in_dim3A_428 = vector.broadcast %broadcast_in_dim3A : f32 to vector<8x1xf32>
      %swap3A = arith.constant 0 : index
      %swap3A_429 = arith.constant 0 : index
      %swap3A_430 = vector.load %arg16[%swap3A, %swap3A_429] : memref<8x1xf32, #tpu.memory_space<vmem>>, vector<8x1xf32>
      tpu.vector_store %arg16[%swap3A, %swap3A_429], %broadcast_in_dim3A_428 {strides = array<i32>} : memref<8x1xf32, #tpu.memory_space<vmem>>, vector<8x1xf32>,
    } else {
    }
    %get3A_6 = arith.constant 0 : index
    %get3A_7 = arith.constant 0 : index
    %get3A_8 = arith.constant 0 : index
    %get3A_9 = arith.constant 0 : index
    %get3A_10 = vector.load %arg2[%get3A_6, %get3A_7, %get3A_8, %get3A_9] : memref<1x2000x4x48xbf16, #tpu.memory_space<vmem>>, vector<1x2000x1x48xbf16>
    %get3A_11 = vector.shape_cast %get3A_10 : vector<1x2000x1x48xbf16> to vector<2000x48xbf16>
    %convert_element_type3A_12 = arith.extf %get3A_11 : vector<2000x48xbf16> to vector<2000x48xf32>
    %get3A_13 = arith.constant 0 : index
    %get3A_14 = arith.constant 0 : index
    %get3A_15 = arith.constant 0 : index
    %get3A_16 = arith.constant 0 : index
    %get3A_17 = vector.load %arg3[%get3A_13, %get3A_14, %get3A_15, %get3A_16] : memref<1x2000x4x48xbf16, #tpu.memory_space<vmem>>, vector<1x2000x1x48xbf16>
    %get3A_18 = vector.shape_cast %get3A_17 : vector<1x2000x1x48xbf16> to vector<2000x48xbf16>
    %convert_element_type3A_19 = arith.extf %get3A_18 : vector<2000x48xbf16> to vector<2000x48xf32>
    %add3A = arith.addf %convert_element_type3A_12, %convert_element_type3A_19 : vector<2000x48xf32>
    %mul3A = vector.broadcast %get3A_1 : vector<2000x1xf32> to vector<2000x48xf32>
    %mul3A_20 = arith.mulf %mul3A, %add3A : vector<2000x48xf32>
    %get3A_21 = arith.constant 0 : index
    %get3A_22 = arith.constant 0 : index
    %get3A_23 = vector.load %arg5[%get3A_21, %get3A_22] : memref<48x384xf32, #tpu.memory_space<vmem>>, vector<48x384xf32>
    %dot_general3A = arith.constant dense<0.000000e+00> : vector<2000x384xf32>
    %dot_general3A_24 = tpu.matmul %mul3A_20, %get3A_23, %dot_general3A {dimension_numbers = #tpu.dot_dimension_numbers<[1], [0], [0], [1], [0, 0, 1, 1], [], []>, transpose_lhs_hint = false} : vector<2000x48xf32>, vector<48x384xf32>, vector<2000x384xf32> -> vector<2000x384xf32>
    %get3A_25 = arith.constant 0 : index
    %get3A_26 = arith.constant 0 : index
    %get3A_27 = vector.load %arg7[%get3A_25, %get3A_26] : memref<1x384xf32, #tpu.memory_space<vmem>>, vector<1x384xf32>
    %add3A_28 = vector.broadcast %get3A_27 : vector<1x384xf32> to vector<2000x384xf32>
    %add3A_29 = arith.addf %dot_general3A_24, %add3A_28 : vector<2000x384xf32>
    %get3A_30 = arith.constant 0 : index
    %get3A_31 = arith.constant 0 : index
    %get3A_32 = vector.load %arg6[%get3A_30, %get3A_31] : memref<48x384xf32, #tpu.memory_space<vmem>>, vector<48x384xf32>
    %dot_general3A_33 = arith.constant dense<0.000000e+00> : vector<2000x384xf32>
    %dot_general3A_34 = tpu.matmul %mul3A_20, %get3A_32, %dot_general3A_33 {dimension_numbers = #tpu.dot_dimension_numbers<[1], [0], [0], [1], [0, 0, 1, 1], [], []>, transpose_lhs_hint = false} : vector<2000x48xf32>, vector<48x384xf32>, vector<2000x384xf32> -> vector<2000x384xf32>
    %get3A_35 = arith.constant 0 : index
    %get3A_36 = arith.constant 0 : index
    %get3A_37 = vector.load %arg8[%get3A_35, %get3A_36] : memref<1x384xf32, #tpu.memory_space<vmem>>, vector<1x384xf32>
    %add3A_38 = vector.broadcast %get3A_37 : vector<1x384xf32> to vector<2000x384xf32>
    %add3A_39 = arith.addf %dot_general3A_34, %add3A_38 : vector<2000x384xf32>
    %logistic3A = arith.negf %add3A_29 : vector<2000x384xf32>
    %logistic3A_40 = math.exp %logistic3A : vector<2000x384xf32>
    %logistic3A_41 = arith.constant 1.000000e+00 : f32
    %logistic3A_42 = vector.broadcast %logistic3A_41 : f32 to vector<2000x384xf32>
    %logistic3A_43 = arith.addf %logistic3A_42, %logistic3A_40 : vector<2000x384xf32>
    %logistic3A_44 = arith.divf %logistic3A_42, %logistic3A_43 : vector<2000x384xf32>
    %sub3A = arith.constant 1.000000e+00 : f32
    %sub3A_45 = vector.broadcast %sub3A : f32 to vector<2000x384xf32>
    %sub3A_46 = arith.subf %sub3A_45, %logistic3A_44 : vector<2000x384xf32>
    %tanh3A = math.tanh %add3A_39 : vector<2000x384xf32>
    %mul3A_47 = arith.mulf %sub3A_46, %tanh3A : vector<2000x384xf32>
    %get3A_48 = arith.constant 0 : index
    %get3A_49 = arith.constant 0 : index
    %get3A_50 = vector.load %arg9[%get3A_48, %get3A_49] : memref<384x32xf32, #tpu.memory_space<vmem>>, vector<384x32xf32>
    %dot_general3A_51 = arith.constant dense<0.000000e+00> : vector<2000x32xf32>
    %dot_general3A_52 = tpu.matmul %mul3A_47, %get3A_50, %dot_general3A_51 {dimension_numbers = #tpu.dot_dimension_numbers<[1], [0], [0], [1], [0, 0, 1, 1], [], []>, transpose_lhs_hint = false} : vector<2000x384xf32>, vector<384x32xf32>, vector<2000x32xf32> -> vector<2000x32xf32>
    %max3A = arith.constant 0.000000e+00 : f32
    %max3A_53 = vector.broadcast %max3A : f32 to vector<2000x32xf32>
    %max3A_54 = arith.maximumf %dot_general3A_52, %max3A_53 : vector<2000x32xf32>
    %get3A_55 = arith.constant 0 : index
    %get3A_56 = arith.constant 0 : index
    %get3A_57 = vector.load %arg10[%get3A_55, %get3A_56] : memref<32x32xf32, #tpu.memory_space<vmem>>, vector<32x32xf32>
    %dot_general3A_58 = arith.constant dense<0.000000e+00> : vector<2000x32xf32>
    %dot_general3A_59 = tpu.matmul %max3A_54, %get3A_57, %dot_general3A_58 {dimension_numbers = #tpu.dot_dimension_numbers<[1], [0], [0], [1], [0, 0, 1, 1], [], []>, transpose_lhs_hint = false} : vector<2000x32xf32>, vector<32x32xf32>, vector<2000x32xf32> -> vector<2000x32xf32>
    %get3A_60 = arith.constant 0 : index
    %get3A_61 = arith.constant 0 : index
    %get3A_62 = vector.load %arg11[%get3A_60, %get3A_61] : memref<1x32xf32, #tpu.memory_space<vmem>>, vector<1x32xf32>
    %add3A_63 = vector.broadcast %get3A_62 : vector<1x32xf32> to vector<2000x32xf32>
    %add3A_64 = arith.addf %dot_general3A_59, %add3A_63 : vector<2000x32xf32>
    %max3A_65 = arith.constant 0.000000e+00 : f32
    %max3A_66 = vector.broadcast %max3A_65 : f32 to vector<2000x32xf32>
    %max3A_67 = arith.maximumf %add3A_64, %max3A_66 : vector<2000x32xf32>
    %get3A_68 = arith.constant 0 : index
    %get3A_69 = arith.constant 0 : index
    %get3A_70 = vector.load %arg12[%get3A_68, %get3A_69] : memref<32x1xf32, #tpu.memory_space<vmem>>, vector<32x1xf32>
    %dot_general3A_71 = arith.constant dense<0.000000e+00> : vector<2000x1xf32>
    %dot_general3A_72 = tpu.matmul %max3A_67, %get3A_70, %dot_general3A_71 {dimension_numbers = #tpu.dot_dimension_numbers<[1], [0], [0], [1], [0, 0, 1, 1], [], []>, transpose_lhs_hint = false} : vector<2000x32xf32>, vector<32x1xf32>, vector<2000x1xf32> -> vector<2000x1xf32>
    %get3A_73 = arith.constant 0 : index
    %get3A_74 = arith.constant 0 : index
    %get3A_75 = vector.load %arg13[%get3A_73, %get3A_74] : memref<1x1xf32, #tpu.memory_space<vmem>>, vector<1x1xf32>
    %get3A_76 = vector.extract %get3A_75[0, 0] : f32 from vector<1x1xf32>
    %add3A_77 = vector.broadcast %get3A_76 : f32 to vector<2000x1xf32>
    %add3A_78 = arith.addf %dot_general3A_72, %add3A_77 : vector<2000x1xf32>
    %get3A_79 = arith.constant 0 : index
    %get3A_80 = arith.constant 0 : index
    %get3A_81 = vector.load %arg14[%get3A_79, %get3A_80] : memref<2000x1xf32, #tpu.memory_space<vmem>>, vector<2000x1xf32>
    %mul3A_82 = arith.mulf %add3A_78, %get3A_81 : vector<2000x1xf32>
    %reduce_sum3A = vector.shape_cast %mul3A_82 : vector<2000x1xf32> to vector<1x2000x1xf32>
    %reduce_sum3A_83 = arith.constant dense<0.000000e+00> : vector<1xf32>
    %reduce_sum3A_84 = vector.multi_reduction <add>, %reduce_sum3A, %reduce_sum3A_83 [1, 2] : vector<1x2000x1xf32> to vector<1xf32>
    %reduce_sum3A_85 = vector.shape_cast %reduce_sum3A_84 : vector<1xf32> to vector<1x1x1xf32>
    %reduce_sum3A_86 = vector.extract %reduce_sum3A_85[0, 0, 0] : f32 from vector<1x1x1xf32>
    %reshape3A = vector.broadcast %reduce_sum3A_86 : f32 to vector<1x1xf32>
    %mul3A_87 = arith.constant 4 : i32
    %mul3A_88 = arith.muli %arg0, %mul3A_87 : i32
    %add3A_89 = arith.constant 0 : i32
    %add3A_90 = arith.addi %mul3A_88, %add3A_89 : i32
    %get3A_91 = arith.index_cast %add3A_90 : i32 to index
    %get3A_92 = arith.constant 0 : index
    %get3A_93 = vector.load %arg16[%get3A_91, %get3A_92] : memref<8x1xf32, #tpu.memory_space<vmem>>, vector<1x1xf32>
    %add3A_94 = arith.addf %get3A_93, %reshape3A : vector<1x1xf32>
    %eq3A_95 = arith.constant 4 : i32
    %eq3A_96 = arith.cmpi eq, %arg1, %eq3A_95 : i32
    %convert_element_type3A_97 = arith.extui %eq3A_96 : i1 to i32
    %cond3A_98 = arith.constant 0 : i32
    %cond3A_99 = arith.cmpi ne, %convert_element_type3A_97, %cond3A_98 : i32
    scf.if %cond3A_99 {
      %get3A_428 = arith.constant 0 : index
      %get3A_429 = arith.constant 0 : index
      %get3A_430 = vector.load %arg15[%get3A_428, %get3A_429] : memref<1x1xf32, #tpu.memory_space<vmem>>, vector<1x1xf32>
      %get3A_431 = vector.extract %get3A_430[0, 0] : f32 from vector<1x1xf32>
      %add3A_432 = vector.broadcast %get3A_431 : f32 to vector<1x1xf32>
      %add3A_433 = arith.addf %add3A_94, %add3A_432 : vector<1x1xf32>
      %logistic3A_434 = arith.negf %add3A_433 : vector<1x1xf32>
      %logistic3A_435 = math.exp %logistic3A_434 : vector<1x1xf32>
      %logistic3A_436 = arith.constant 1.000000e+00 : f32
      %logistic3A_437 = vector.broadcast %logistic3A_436 : f32 to vector<1x1xf32>
      %logistic3A_438 = arith.addf %logistic3A_437, %logistic3A_435 : vector<1x1xf32>
      %logistic3A_439 = arith.divf %logistic3A_437, %logistic3A_438 : vector<1x1xf32>
      %swap3A = arith.index_cast %add3A_90 : i32 to index
      %swap3A_440 = arith.constant 0 : index
      %swap3A_441 = vector.load %arg16[%swap3A, %swap3A_440] : memref<8x1xf32, #tpu.memory_space<vmem>>, vector<1x1xf32>
      tpu.vector_store %arg16[%swap3A, %swap3A_440], %logistic3A_439 {strides = array<i32>} : memref<8x1xf32, #tpu.memory_space<vmem>>, vector<1x1xf32>,
    } else {
    }
    %ne3A = arith.constant 4 : i32
    %ne3A_100 = arith.cmpi ne, %arg1, %ne3A : i32
    %convert_element_type3A_101 = arith.extui %ne3A_100 : i1 to i32
    %cond3A_102 = arith.constant 0 : i32
    %cond3A_103 = arith.cmpi ne, %convert_element_type3A_101, %cond3A_102 : i32
    scf.if %cond3A_103 {
      %swap3A = arith.index_cast %add3A_90 : i32 to index
      %swap3A_428 = arith.constant 0 : index
      %swap3A_429 = vector.load %arg16[%swap3A, %swap3A_428] : memref<8x1xf32, #tpu.memory_space<vmem>>, vector<1x1xf32>
      tpu.vector_store %arg16[%swap3A, %swap3A_428], %add3A_94 {strides = array<i32>} : memref<8x1xf32, #tpu.memory_space<vmem>>, vector<1x1xf32>,
    } else {
    }
    %get3A_104 = arith.constant 0 : index
    %get3A_105 = arith.constant 0 : index
    %get3A_106 = arith.constant 1 : index
    %get3A_107 = arith.constant 0 : index
    %get3A_108 = vector.load %arg2[%get3A_104, %get3A_105, %get3A_106, %get3A_107] : memref<1x2000x4x48xbf16, #tpu.memory_space<vmem>>, vector<1x2000x1x48xbf16>
    %get3A_109 = vector.shape_cast %get3A_108 : vector<1x2000x1x48xbf16> to vector<2000x48xbf16>
    %convert_element_type3A_110 = arith.extf %get3A_109 : vector<2000x48xbf16> to vector<2000x48xf32>
    %get3A_111 = arith.constant 0 : index
    %get3A_112 = arith.constant 0 : index
    %get3A_113 = arith.constant 1 : index
    %get3A_114 = arith.constant 0 : index
    %get3A_115 = vector.load %arg3[%get3A_111, %get3A_112, %get3A_113, %get3A_114] : memref<1x2000x4x48xbf16, #tpu.memory_space<vmem>>, vector<1x2000x1x48xbf16>
    %get3A_116 = vector.shape_cast %get3A_115 : vector<1x2000x1x48xbf16> to vector<2000x48xbf16>
    %convert_element_type3A_117 = arith.extf %get3A_116 : vector<2000x48xbf16> to vector<2000x48xf32>
    %add3A_118 = arith.addf %convert_element_type3A_110, %convert_element_type3A_117 : vector<2000x48xf32>
    %mul3A_119 = vector.broadcast %get3A_1 : vector<2000x1xf32> to vector<2000x48xf32>
    %mul3A_120 = arith.mulf %mul3A_119, %add3A_118 : vector<2000x48xf32>
    %get3A_121 = arith.constant 0 : index
    %get3A_122 = arith.constant 0 : index
    %get3A_123 = vector.load %arg5[%get3A_121, %get3A_122] : memref<48x384xf32, #tpu.memory_space<vmem>>, vector<48x384xf32>
    %dot_general3A_124 = arith.constant dense<0.000000e+00> : vector<2000x384xf32>
    %dot_general3A_125 = tpu.matmul %mul3A_120, %get3A_123, %dot_general3A_124 {dimension_numbers = #tpu.dot_dimension_numbers<[1], [0], [0], [1], [0, 0, 1, 1], [], []>, transpose_lhs_hint = false} : vector<2000x48xf32>, vector<48x384xf32>, vector<2000x384xf32> -> vector<2000x384xf32>
    %get3A_126 = arith.constant 0 : index
    %get3A_127 = arith.constant 0 : index
    %get3A_128 = vector.load %arg7[%get3A_126, %get3A_127] : memref<1x384xf32, #tpu.memory_space<vmem>>, vector<1x384xf32>
    %add3A_129 = vector.broadcast %get3A_128 : vector<1x384xf32> to vector<2000x384xf32>
    %add3A_130 = arith.addf %dot_general3A_125, %add3A_129 : vector<2000x384xf32>
    %get3A_131 = arith.constant 0 : index
    %get3A_132 = arith.constant 0 : index
    %get3A_133 = vector.load %arg6[%get3A_131, %get3A_132] : memref<48x384xf32, #tpu.memory_space<vmem>>, vector<48x384xf32>
    %dot_general3A_134 = arith.constant dense<0.000000e+00> : vector<2000x384xf32>
    %dot_general3A_135 = tpu.matmul %mul3A_120, %get3A_133, %dot_general3A_134 {dimension_numbers = #tpu.dot_dimension_numbers<[1], [0], [0], [1], [0, 0, 1, 1], [], []>, transpose_lhs_hint = false} : vector<2000x48xf32>, vector<48x384xf32>, vector<2000x384xf32> -> vector<2000x384xf32>
    %get3A_136 = arith.constant 0 : index
    %get3A_137 = arith.constant 0 : index
    %get3A_138 = vector.load %arg8[%get3A_136, %get3A_137] : memref<1x384xf32, #tpu.memory_space<vmem>>, vector<1x384xf32>
    %add3A_139 = vector.broadcast %get3A_138 : vector<1x384xf32> to vector<2000x384xf32>
    %add3A_140 = arith.addf %dot_general3A_135, %add3A_139 : vector<2000x384xf32>
    %logistic3A_141 = arith.negf %add3A_130 : vector<2000x384xf32>
    %logistic3A_142 = math.exp %logistic3A_141 : vector<2000x384xf32>
    %logistic3A_143 = arith.constant 1.000000e+00 : f32
    %logistic3A_144 = vector.broadcast %logistic3A_143 : f32 to vector<2000x384xf32>
    %logistic3A_145 = arith.addf %logistic3A_144, %logistic3A_142 : vector<2000x384xf32>
    %logistic3A_146 = arith.divf %logistic3A_144, %logistic3A_145 : vector<2000x384xf32>
    %sub3A_147 = arith.constant 1.000000e+00 : f32
    %sub3A_148 = vector.broadcast %sub3A_147 : f32 to vector<2000x384xf32>
    %sub3A_149 = arith.subf %sub3A_148, %logistic3A_146 : vector<2000x384xf32>
    %tanh3A_150 = math.tanh %add3A_140 : vector<2000x384xf32>
    %mul3A_151 = arith.mulf %sub3A_149, %tanh3A_150 : vector<2000x384xf32>
    %get3A_152 = arith.constant 0 : index
    %get3A_153 = arith.constant 0 : index
    %get3A_154 = vector.load %arg9[%get3A_152, %get3A_153] : memref<384x32xf32, #tpu.memory_space<vmem>>, vector<384x32xf32>
    %dot_general3A_155 = arith.constant dense<0.000000e+00> : vector<2000x32xf32>
    %dot_general3A_156 = tpu.matmul %mul3A_151, %get3A_154, %dot_general3A_155 {dimension_numbers = #tpu.dot_dimension_numbers<[1], [0], [0], [1], [0, 0, 1, 1], [], []>, transpose_lhs_hint = false} : vector<2000x384xf32>, vector<384x32xf32>, vector<2000x32xf32> -> vector<2000x32xf32>
    %max3A_157 = arith.constant 0.000000e+00 : f32
    %max3A_158 = vector.broadcast %max3A_157 : f32 to vector<2000x32xf32>
    %max3A_159 = arith.maximumf %dot_general3A_156, %max3A_158 : vector<2000x32xf32>
    %get3A_160 = arith.constant 0 : index
    %get3A_161 = arith.constant 0 : index
    %get3A_162 = vector.load %arg10[%get3A_160, %get3A_161] : memref<32x32xf32, #tpu.memory_space<vmem>>, vector<32x32xf32>
    %dot_general3A_163 = arith.constant dense<0.000000e+00> : vector<2000x32xf32>
    %dot_general3A_164 = tpu.matmul %max3A_159, %get3A_162, %dot_general3A_163 {dimension_numbers = #tpu.dot_dimension_numbers<[1], [0], [0], [1], [0, 0, 1, 1], [], []>, transpose_lhs_hint = false} : vector<2000x32xf32>, vector<32x32xf32>, vector<2000x32xf32> -> vector<2000x32xf32>
    %get3A_165 = arith.constant 0 : index
    %get3A_166 = arith.constant 0 : index
    %get3A_167 = vector.load %arg11[%get3A_165, %get3A_166] : memref<1x32xf32, #tpu.memory_space<vmem>>, vector<1x32xf32>
    %add3A_168 = vector.broadcast %get3A_167 : vector<1x32xf32> to vector<2000x32xf32>
    %add3A_169 = arith.addf %dot_general3A_164, %add3A_168 : vector<2000x32xf32>
    %max3A_170 = arith.constant 0.000000e+00 : f32
    %max3A_171 = vector.broadcast %max3A_170 : f32 to vector<2000x32xf32>
    %max3A_172 = arith.maximumf %add3A_169, %max3A_171 : vector<2000x32xf32>
    %get3A_173 = arith.constant 0 : index
    %get3A_174 = arith.constant 0 : index
    %get3A_175 = vector.load %arg12[%get3A_173, %get3A_174] : memref<32x1xf32, #tpu.memory_space<vmem>>, vector<32x1xf32>
    %dot_general3A_176 = arith.constant dense<0.000000e+00> : vector<2000x1xf32>
    %dot_general3A_177 = tpu.matmul %max3A_172, %get3A_175, %dot_general3A_176 {dimension_numbers = #tpu.dot_dimension_numbers<[1], [0], [0], [1], [0, 0, 1, 1], [], []>, transpose_lhs_hint = false} : vector<2000x32xf32>, vector<32x1xf32>, vector<2000x1xf32> -> vector<2000x1xf32>
    %get3A_178 = arith.constant 0 : index
    %get3A_179 = arith.constant 0 : index
    %get3A_180 = vector.load %arg13[%get3A_178, %get3A_179] : memref<1x1xf32, #tpu.memory_space<vmem>>, vector<1x1xf32>
    %get3A_181 = vector.extract %get3A_180[0, 0] : f32 from vector<1x1xf32>
    %add3A_182 = vector.broadcast %get3A_181 : f32 to vector<2000x1xf32>
    %add3A_183 = arith.addf %dot_general3A_177, %add3A_182 : vector<2000x1xf32>
    %get3A_184 = arith.constant 0 : index
    %get3A_185 = arith.constant 0 : index
    %get3A_186 = vector.load %arg14[%get3A_184, %get3A_185] : memref<2000x1xf32, #tpu.memory_space<vmem>>, vector<2000x1xf32>
    %mul3A_187 = arith.mulf %add3A_183, %get3A_186 : vector<2000x1xf32>
    %reduce_sum3A_188 = vector.shape_cast %mul3A_187 : vector<2000x1xf32> to vector<1x2000x1xf32>
    %reduce_sum3A_189 = arith.constant dense<0.000000e+00> : vector<1xf32>
    %reduce_sum3A_190 = vector.multi_reduction <add>, %reduce_sum3A_188, %reduce_sum3A_189 [1, 2] : vector<1x2000x1xf32> to vector<1xf32>
    %reduce_sum3A_191 = vector.shape_cast %reduce_sum3A_190 : vector<1xf32> to vector<1x1x1xf32>
    %reduce_sum3A_192 = vector.extract %reduce_sum3A_191[0, 0, 0] : f32 from vector<1x1x1xf32>
    %reshape3A_193 = vector.broadcast %reduce_sum3A_192 : f32 to vector<1x1xf32>
    %mul3A_194 = arith.constant 4 : i32
    %mul3A_195 = arith.muli %arg0, %mul3A_194 : i32
    %add3A_196 = arith.constant 1 : i32
    %add3A_197 = arith.addi %mul3A_195, %add3A_196 : i32
    %get3A_198 = arith.index_cast %add3A_197 : i32 to index
    %get3A_199 = arith.constant 0 : index
    %get3A_200 = vector.load %arg16[%get3A_198, %get3A_199] : memref<8x1xf32, #tpu.memory_space<vmem>>, vector<1x1xf32>
    %add3A_201 = arith.addf %get3A_200, %reshape3A_193 : vector<1x1xf32>
    %eq3A_202 = arith.constant 4 : i32
    %eq3A_203 = arith.cmpi eq, %arg1, %eq3A_202 : i32
    %convert_element_type3A_204 = arith.extui %eq3A_203 : i1 to i32
    %cond3A_205 = arith.constant 0 : i32
    %cond3A_206 = arith.cmpi ne, %convert_element_type3A_204, %cond3A_205 : i32
    scf.if %cond3A_206 {
      %get3A_428 = arith.constant 0 : index
      %get3A_429 = arith.constant 0 : index
      %get3A_430 = vector.load %arg15[%get3A_428, %get3A_429] : memref<1x1xf32, #tpu.memory_space<vmem>>, vector<1x1xf32>
      %get3A_431 = vector.extract %get3A_430[0, 0] : f32 from vector<1x1xf32>
      %add3A_432 = vector.broadcast %get3A_431 : f32 to vector<1x1xf32>
      %add3A_433 = arith.addf %add3A_201, %add3A_432 : vector<1x1xf32>
      %logistic3A_434 = arith.negf %add3A_433 : vector<1x1xf32>
      %logistic3A_435 = math.exp %logistic3A_434 : vector<1x1xf32>
      %logistic3A_436 = arith.constant 1.000000e+00 : f32
      %logistic3A_437 = vector.broadcast %logistic3A_436 : f32 to vector<1x1xf32>
      %logistic3A_438 = arith.addf %logistic3A_437, %logistic3A_435 : vector<1x1xf32>
      %logistic3A_439 = arith.divf %logistic3A_437, %logistic3A_438 : vector<1x1xf32>
      %swap3A = arith.index_cast %add3A_197 : i32 to index
      %swap3A_440 = arith.constant 0 : index
      %swap3A_441 = vector.load %arg16[%swap3A, %swap3A_440] : memref<8x1xf32, #tpu.memory_space<vmem>>, vector<1x1xf32>
      tpu.vector_store %arg16[%swap3A, %swap3A_440], %logistic3A_439 {strides = array<i32>} : memref<8x1xf32, #tpu.memory_space<vmem>>, vector<1x1xf32>,
    } else {
    }
    %ne3A_207 = arith.constant 4 : i32
    %ne3A_208 = arith.cmpi ne, %arg1, %ne3A_207 : i32
    %convert_element_type3A_209 = arith.extui %ne3A_208 : i1 to i32
    %cond3A_210 = arith.constant 0 : i32
    %cond3A_211 = arith.cmpi ne, %convert_element_type3A_209, %cond3A_210 : i32
    scf.if %cond3A_211 {
      %swap3A = arith.index_cast %add3A_197 : i32 to index
      %swap3A_428 = arith.constant 0 : index
      %swap3A_429 = vector.load %arg16[%swap3A, %swap3A_428] : memref<8x1xf32, #tpu.memory_space<vmem>>, vector<1x1xf32>
      tpu.vector_store %arg16[%swap3A, %swap3A_428], %add3A_201 {strides = array<i32>} : memref<8x1xf32, #tpu.memory_space<vmem>>, vector<1x1xf32>,
    } else {
    }
    %get3A_212 = arith.constant 0 : index
    %get3A_213 = arith.constant 0 : index
    %get3A_214 = arith.constant 2 : index
    %get3A_215 = arith.constant 0 : index
    %get3A_216 = vector.load %arg2[%get3A_212, %get3A_213, %get3A_214, %get3A_215] : memref<1x2000x4x48xbf16, #tpu.memory_space<vmem>>, vector<1x2000x1x48xbf16>
    %get3A_217 = vector.shape_cast %get3A_216 : vector<1x2000x1x48xbf16> to vector<2000x48xbf16>
    %convert_element_type3A_218 = arith.extf %get3A_217 : vector<2000x48xbf16> to vector<2000x48xf32>
    %get3A_219 = arith.constant 0 : index
    %get3A_220 = arith.constant 0 : index
    %get3A_221 = arith.constant 2 : index
    %get3A_222 = arith.constant 0 : index
    %get3A_223 = vector.load %arg3[%get3A_219, %get3A_220, %get3A_221, %get3A_222] : memref<1x2000x4x48xbf16, #tpu.memory_space<vmem>>, vector<1x2000x1x48xbf16>
    %get3A_224 = vector.shape_cast %get3A_223 : vector<1x2000x1x48xbf16> to vector<2000x48xbf16>
    %convert_element_type3A_225 = arith.extf %get3A_224 : vector<2000x48xbf16> to vector<2000x48xf32>
    %add3A_226 = arith.addf %convert_element_type3A_218, %convert_element_type3A_225 : vector<2000x48xf32>
    %mul3A_227 = vector.broadcast %get3A_1 : vector<2000x1xf32> to vector<2000x48xf32>
    %mul3A_228 = arith.mulf %mul3A_227, %add3A_226 : vector<2000x48xf32>
    %get3A_229 = arith.constant 0 : index
    %get3A_230 = arith.constant 0 : index
    %get3A_231 = vector.load %arg5[%get3A_229, %get3A_230] : memref<48x384xf32, #tpu.memory_space<vmem>>, vector<48x384xf32>
    %dot_general3A_232 = arith.constant dense<0.000000e+00> : vector<2000x384xf32>
    %dot_general3A_233 = tpu.matmul %mul3A_228, %get3A_231, %dot_general3A_232 {dimension_numbers = #tpu.dot_dimension_numbers<[1], [0], [0], [1], [0, 0, 1, 1], [], []>, transpose_lhs_hint = false} : vector<2000x48xf32>, vector<48x384xf32>, vector<2000x384xf32> -> vector<2000x384xf32>
    %get3A_234 = arith.constant 0 : index
    %get3A_235 = arith.constant 0 : index
    %get3A_236 = vector.load %arg7[%get3A_234, %get3A_235] : memref<1x384xf32, #tpu.memory_space<vmem>>, vector<1x384xf32>
    %add3A_237 = vector.broadcast %get3A_236 : vector<1x384xf32> to vector<2000x384xf32>
    %add3A_238 = arith.addf %dot_general3A_233, %add3A_237 : vector<2000x384xf32>
    %get3A_239 = arith.constant 0 : index
    %get3A_240 = arith.constant 0 : index
    %get3A_241 = vector.load %arg6[%get3A_239, %get3A_240] : memref<48x384xf32, #tpu.memory_space<vmem>>, vector<48x384xf32>
    %dot_general3A_242 = arith.constant dense<0.000000e+00> : vector<2000x384xf32>
    %dot_general3A_243 = tpu.matmul %mul3A_228, %get3A_241, %dot_general3A_242 {dimension_numbers = #tpu.dot_dimension_numbers<[1], [0], [0], [1], [0, 0, 1, 1], [], []>, transpose_lhs_hint = false} : vector<2000x48xf32>, vector<48x384xf32>, vector<2000x384xf32> -> vector<2000x384xf32>
    %get3A_244 = arith.constant 0 : index
    %get3A_245 = arith.constant 0 : index
    %get3A_246 = vector.load %arg8[%get3A_244, %get3A_245] : memref<1x384xf32, #tpu.memory_space<vmem>>, vector<1x384xf32>
    %add3A_247 = vector.broadcast %get3A_246 : vector<1x384xf32> to vector<2000x384xf32>
    %add3A_248 = arith.addf %dot_general3A_243, %add3A_247 : vector<2000x384xf32>
    %logistic3A_249 = arith.negf %add3A_238 : vector<2000x384xf32>
    %logistic3A_250 = math.exp %logistic3A_249 : vector<2000x384xf32>
    %logistic3A_251 = arith.constant 1.000000e+00 : f32
    %logistic3A_252 = vector.broadcast %logistic3A_251 : f32 to vector<2000x384xf32>
    %logistic3A_253 = arith.addf %logistic3A_252, %logistic3A_250 : vector<2000x384xf32>
    %logistic3A_254 = arith.divf %logistic3A_252, %logistic3A_253 : vector<2000x384xf32>
    %sub3A_255 = arith.constant 1.000000e+00 : f32
    %sub3A_256 = vector.broadcast %sub3A_255 : f32 to vector<2000x384xf32>
    %sub3A_257 = arith.subf %sub3A_256, %logistic3A_254 : vector<2000x384xf32>
    %tanh3A_258 = math.tanh %add3A_248 : vector<2000x384xf32>
    %mul3A_259 = arith.mulf %sub3A_257, %tanh3A_258 : vector<2000x384xf32>
    %get3A_260 = arith.constant 0 : index
    %get3A_261 = arith.constant 0 : index
    %get3A_262 = vector.load %arg9[%get3A_260, %get3A_261] : memref<384x32xf32, #tpu.memory_space<vmem>>, vector<384x32xf32>
    %dot_general3A_263 = arith.constant dense<0.000000e+00> : vector<2000x32xf32>
    %dot_general3A_264 = tpu.matmul %mul3A_259, %get3A_262, %dot_general3A_263 {dimension_numbers = #tpu.dot_dimension_numbers<[1], [0], [0], [1], [0, 0, 1, 1], [], []>, transpose_lhs_hint = false} : vector<2000x384xf32>, vector<384x32xf32>, vector<2000x32xf32> -> vector<2000x32xf32>
    %max3A_265 = arith.constant 0.000000e+00 : f32
    %max3A_266 = vector.broadcast %max3A_265 : f32 to vector<2000x32xf32>
    %max3A_267 = arith.maximumf %dot_general3A_264, %max3A_266 : vector<2000x32xf32>
    %get3A_268 = arith.constant 0 : index
    %get3A_269 = arith.constant 0 : index
    %get3A_270 = vector.load %arg10[%get3A_268, %get3A_269] : memref<32x32xf32, #tpu.memory_space<vmem>>, vector<32x32xf32>
    %dot_general3A_271 = arith.constant dense<0.000000e+00> : vector<2000x32xf32>
    %dot_general3A_272 = tpu.matmul %max3A_267, %get3A_270, %dot_general3A_271 {dimension_numbers = #tpu.dot_dimension_numbers<[1], [0], [0], [1], [0, 0, 1, 1], [], []>, transpose_lhs_hint = false} : vector<2000x32xf32>, vector<32x32xf32>, vector<2000x32xf32> -> vector<2000x32xf32>
    %get3A_273 = arith.constant 0 : index
    %get3A_274 = arith.constant 0 : index
    %get3A_275 = vector.load %arg11[%get3A_273, %get3A_274] : memref<1x32xf32, #tpu.memory_space<vmem>>, vector<1x32xf32>
    %add3A_276 = vector.broadcast %get3A_275 : vector<1x32xf32> to vector<2000x32xf32>
    %add3A_277 = arith.addf %dot_general3A_272, %add3A_276 : vector<2000x32xf32>
    %max3A_278 = arith.constant 0.000000e+00 : f32
    %max3A_279 = vector.broadcast %max3A_278 : f32 to vector<2000x32xf32>
    %max3A_280 = arith.maximumf %add3A_277, %max3A_279 : vector<2000x32xf32>
    %get3A_281 = arith.constant 0 : index
    %get3A_282 = arith.constant 0 : index
    %get3A_283 = vector.load %arg12[%get3A_281, %get3A_282] : memref<32x1xf32, #tpu.memory_space<vmem>>, vector<32x1xf32>
    %dot_general3A_284 = arith.constant dense<0.000000e+00> : vector<2000x1xf32>
    %dot_general3A_285 = tpu.matmul %max3A_280, %get3A_283, %dot_general3A_284 {dimension_numbers = #tpu.dot_dimension_numbers<[1], [0], [0], [1], [0, 0, 1, 1], [], []>, transpose_lhs_hint = false} : vector<2000x32xf32>, vector<32x1xf32>, vector<2000x1xf32> -> vector<2000x1xf32>
    %get3A_286 = arith.constant 0 : index
    %get3A_287 = arith.constant 0 : index
    %get3A_288 = vector.load %arg13[%get3A_286, %get3A_287] : memref<1x1xf32, #tpu.memory_space<vmem>>, vector<1x1xf32>
    %get3A_289 = vector.extract %get3A_288[0, 0] : f32 from vector<1x1xf32>
    %add3A_290 = vector.broadcast %get3A_289 : f32 to vector<2000x1xf32>
    %add3A_291 = arith.addf %dot_general3A_285, %add3A_290 : vector<2000x1xf32>
    %get3A_292 = arith.constant 0 : index
    %get3A_293 = arith.constant 0 : index
    %get3A_294 = vector.load %arg14[%get3A_292, %get3A_293] : memref<2000x1xf32, #tpu.memory_space<vmem>>, vector<2000x1xf32>
    %mul3A_295 = arith.mulf %add3A_291, %get3A_294 : vector<2000x1xf32>
    %reduce_sum3A_296 = vector.shape_cast %mul3A_295 : vector<2000x1xf32> to vector<1x2000x1xf32>
    %reduce_sum3A_297 = arith.constant dense<0.000000e+00> : vector<1xf32>
    %reduce_sum3A_298 = vector.multi_reduction <add>, %reduce_sum3A_296, %reduce_sum3A_297 [1, 2] : vector<1x2000x1xf32> to vector<1xf32>
    %reduce_sum3A_299 = vector.shape_cast %reduce_sum3A_298 : vector<1xf32> to vector<1x1x1xf32>
    %reduce_sum3A_300 = vector.extract %reduce_sum3A_299[0, 0, 0] : f32 from vector<1x1x1xf32>
    %reshape3A_301 = vector.broadcast %reduce_sum3A_300 : f32 to vector<1x1xf32>
    %mul3A_302 = arith.constant 4 : i32
    %mul3A_303 = arith.muli %arg0, %mul3A_302 : i32
    %add3A_304 = arith.constant 2 : i32
    %add3A_305 = arith.addi %mul3A_303, %add3A_304 : i32
    %get3A_306 = arith.index_cast %add3A_305 : i32 to index
    %get3A_307 = arith.constant 0 : index
    %get3A_308 = vector.load %arg16[%get3A_306, %get3A_307] : memref<8x1xf32, #tpu.memory_space<vmem>>, vector<1x1xf32>
    %add3A_309 = arith.addf %get3A_308, %reshape3A_301 : vector<1x1xf32>
    %eq3A_310 = arith.constant 4 : i32
    %eq3A_311 = arith.cmpi eq, %arg1, %eq3A_310 : i32
    %convert_element_type3A_312 = arith.extui %eq3A_311 : i1 to i32
    %cond3A_313 = arith.constant 0 : i32
    %cond3A_314 = arith.cmpi ne, %convert_element_type3A_312, %cond3A_313 : i32
    scf.if %cond3A_314 {
      %get3A_428 = arith.constant 0 : index
      %get3A_429 = arith.constant 0 : index
      %get3A_430 = vector.load %arg15[%get3A_428, %get3A_429] : memref<1x1xf32, #tpu.memory_space<vmem>>, vector<1x1xf32>
      %get3A_431 = vector.extract %get3A_430[0, 0] : f32 from vector<1x1xf32>
      %add3A_432 = vector.broadcast %get3A_431 : f32 to vector<1x1xf32>
      %add3A_433 = arith.addf %add3A_309, %add3A_432 : vector<1x1xf32>
      %logistic3A_434 = arith.negf %add3A_433 : vector<1x1xf32>
      %logistic3A_435 = math.exp %logistic3A_434 : vector<1x1xf32>
      %logistic3A_436 = arith.constant 1.000000e+00 : f32
      %logistic3A_437 = vector.broadcast %logistic3A_436 : f32 to vector<1x1xf32>
      %logistic3A_438 = arith.addf %logistic3A_437, %logistic3A_435 : vector<1x1xf32>
      %logistic3A_439 = arith.divf %logistic3A_437, %logistic3A_438 : vector<1x1xf32>
      %swap3A = arith.index_cast %add3A_305 : i32 to index
      %swap3A_440 = arith.constant 0 : index
      %swap3A_441 = vector.load %arg16[%swap3A, %swap3A_440] : memref<8x1xf32, #tpu.memory_space<vmem>>, vector<1x1xf32>
      tpu.vector_store %arg16[%swap3A, %swap3A_440], %logistic3A_439 {strides = array<i32>} : memref<8x1xf32, #tpu.memory_space<vmem>>, vector<1x1xf32>,
    } else {
    }
    %ne3A_315 = arith.constant 4 : i32
    %ne3A_316 = arith.cmpi ne, %arg1, %ne3A_315 : i32
    %convert_element_type3A_317 = arith.extui %ne3A_316 : i1 to i32
    %cond3A_318 = arith.constant 0 : i32
    %cond3A_319 = arith.cmpi ne, %convert_element_type3A_317, %cond3A_318 : i32
    scf.if %cond3A_319 {
      %swap3A = arith.index_cast %add3A_305 : i32 to index
      %swap3A_428 = arith.constant 0 : index
      %swap3A_429 = vector.load %arg16[%swap3A, %swap3A_428] : memref<8x1xf32, #tpu.memory_space<vmem>>, vector<1x1xf32>
      tpu.vector_store %arg16[%swap3A, %swap3A_428], %add3A_309 {strides = array<i32>} : memref<8x1xf32, #tpu.memory_space<vmem>>, vector<1x1xf32>,
    } else {
    }
    %get3A_320 = arith.constant 0 : index
    %get3A_321 = arith.constant 0 : index
    %get3A_322 = arith.constant 3 : index
    %get3A_323 = arith.constant 0 : index
    %get3A_324 = vector.load %arg2[%get3A_320, %get3A_321, %get3A_322, %get3A_323] : memref<1x2000x4x48xbf16, #tpu.memory_space<vmem>>, vector<1x2000x1x48xbf16>
    %get3A_325 = vector.shape_cast %get3A_324 : vector<1x2000x1x48xbf16> to vector<2000x48xbf16>
    %convert_element_type3A_326 = arith.extf %get3A_325 : vector<2000x48xbf16> to vector<2000x48xf32>
    %get3A_327 = arith.constant 0 : index
    %get3A_328 = arith.constant 0 : index
    %get3A_329 = arith.constant 3 : index
    %get3A_330 = arith.constant 0 : index
    %get3A_331 = vector.load %arg3[%get3A_327, %get3A_328, %get3A_329, %get3A_330] : memref<1x2000x4x48xbf16, #tpu.memory_space<vmem>>, vector<1x2000x1x48xbf16>
    %get3A_332 = vector.shape_cast %get3A_331 : vector<1x2000x1x48xbf16> to vector<2000x48xbf16>
    %convert_element_type3A_333 = arith.extf %get3A_332 : vector<2000x48xbf16> to vector<2000x48xf32>
    %add3A_334 = arith.addf %convert_element_type3A_326, %convert_element_type3A_333 : vector<2000x48xf32>
    %mul3A_335 = vector.broadcast %get3A_1 : vector<2000x1xf32> to vector<2000x48xf32>
    %mul3A_336 = arith.mulf %mul3A_335, %add3A_334 : vector<2000x48xf32>
    %get3A_337 = arith.constant 0 : index
    %get3A_338 = arith.constant 0 : index
    %get3A_339 = vector.load %arg5[%get3A_337, %get3A_338] : memref<48x384xf32, #tpu.memory_space<vmem>>, vector<48x384xf32>
    %dot_general3A_340 = arith.constant dense<0.000000e+00> : vector<2000x384xf32>
    %dot_general3A_341 = tpu.matmul %mul3A_336, %get3A_339, %dot_general3A_340 {dimension_numbers = #tpu.dot_dimension_numbers<[1], [0], [0], [1], [0, 0, 1, 1], [], []>, transpose_lhs_hint = false} : vector<2000x48xf32>, vector<48x384xf32>, vector<2000x384xf32> -> vector<2000x384xf32>
    %get3A_342 = arith.constant 0 : index
    %get3A_343 = arith.constant 0 : index
    %get3A_344 = vector.load %arg7[%get3A_342, %get3A_343] : memref<1x384xf32, #tpu.memory_space<vmem>>, vector<1x384xf32>
    %add3A_345 = vector.broadcast %get3A_344 : vector<1x384xf32> to vector<2000x384xf32>
    %add3A_346 = arith.addf %dot_general3A_341, %add3A_345 : vector<2000x384xf32>
    %get3A_347 = arith.constant 0 : index
    %get3A_348 = arith.constant 0 : index
    %get3A_349 = vector.load %arg6[%get3A_347, %get3A_348] : memref<48x384xf32, #tpu.memory_space<vmem>>, vector<48x384xf32>
    %dot_general3A_350 = arith.constant dense<0.000000e+00> : vector<2000x384xf32>
    %dot_general3A_351 = tpu.matmul %mul3A_336, %get3A_349, %dot_general3A_350 {dimension_numbers = #tpu.dot_dimension_numbers<[1], [0], [0], [1], [0, 0, 1, 1], [], []>, transpose_lhs_hint = false} : vector<2000x48xf32>, vector<48x384xf32>, vector<2000x384xf32> -> vector<2000x384xf32>
    %get3A_352 = arith.constant 0 : index
    %get3A_353 = arith.constant 0 : index
    %get3A_354 = vector.load %arg8[%get3A_352, %get3A_353] : memref<1x384xf32, #tpu.memory_space<vmem>>, vector<1x384xf32>
    %add3A_355 = vector.broadcast %get3A_354 : vector<1x384xf32> to vector<2000x384xf32>
    %add3A_356 = arith.addf %dot_general3A_351, %add3A_355 : vector<2000x384xf32>
    %logistic3A_357 = arith.negf %add3A_346 : vector<2000x384xf32>
    %logistic3A_358 = math.exp %logistic3A_357 : vector<2000x384xf32>
    %logistic3A_359 = arith.constant 1.000000e+00 : f32
    %logistic3A_360 = vector.broadcast %logistic3A_359 : f32 to vector<2000x384xf32>
    %logistic3A_361 = arith.addf %logistic3A_360, %logistic3A_358 : vector<2000x384xf32>
    %logistic3A_362 = arith.divf %logistic3A_360, %logistic3A_361 : vector<2000x384xf32>
    %sub3A_363 = arith.constant 1.000000e+00 : f32
    %sub3A_364 = vector.broadcast %sub3A_363 : f32 to vector<2000x384xf32>
    %sub3A_365 = arith.subf %sub3A_364, %logistic3A_362 : vector<2000x384xf32>
    %tanh3A_366 = math.tanh %add3A_356 : vector<2000x384xf32>
    %mul3A_367 = arith.mulf %sub3A_365, %tanh3A_366 : vector<2000x384xf32>
    %get3A_368 = arith.constant 0 : index
    %get3A_369 = arith.constant 0 : index
    %get3A_370 = vector.load %arg9[%get3A_368, %get3A_369] : memref<384x32xf32, #tpu.memory_space<vmem>>, vector<384x32xf32>
    %dot_general3A_371 = arith.constant dense<0.000000e+00> : vector<2000x32xf32>
    %dot_general3A_372 = tpu.matmul %mul3A_367, %get3A_370, %dot_general3A_371 {dimension_numbers = #tpu.dot_dimension_numbers<[1], [0], [0], [1], [0, 0, 1, 1], [], []>, transpose_lhs_hint = false} : vector<2000x384xf32>, vector<384x32xf32>, vector<2000x32xf32> -> vector<2000x32xf32>
    %max3A_373 = arith.constant 0.000000e+00 : f32
    %max3A_374 = vector.broadcast %max3A_373 : f32 to vector<2000x32xf32>
    %max3A_375 = arith.maximumf %dot_general3A_372, %max3A_374 : vector<2000x32xf32>
    %get3A_376 = arith.constant 0 : index
    %get3A_377 = arith.constant 0 : index
    %get3A_378 = vector.load %arg10[%get3A_376, %get3A_377] : memref<32x32xf32, #tpu.memory_space<vmem>>, vector<32x32xf32>
    %dot_general3A_379 = arith.constant dense<0.000000e+00> : vector<2000x32xf32>
    %dot_general3A_380 = tpu.matmul %max3A_375, %get3A_378, %dot_general3A_379 {dimension_numbers = #tpu.dot_dimension_numbers<[1], [0], [0], [1], [0, 0, 1, 1], [], []>, transpose_lhs_hint = false} : vector<2000x32xf32>, vector<32x32xf32>, vector<2000x32xf32> -> vector<2000x32xf32>
    %get3A_381 = arith.constant 0 : index
    %get3A_382 = arith.constant 0 : index
    %get3A_383 = vector.load %arg11[%get3A_381, %get3A_382] : memref<1x32xf32, #tpu.memory_space<vmem>>, vector<1x32xf32>
    %add3A_384 = vector.broadcast %get3A_383 : vector<1x32xf32> to vector<2000x32xf32>
    %add3A_385 = arith.addf %dot_general3A_380, %add3A_384 : vector<2000x32xf32>
    %max3A_386 = arith.constant 0.000000e+00 : f32
    %max3A_387 = vector.broadcast %max3A_386 : f32 to vector<2000x32xf32>
    %max3A_388 = arith.maximumf %add3A_385, %max3A_387 : vector<2000x32xf32>
    %get3A_389 = arith.constant 0 : index
    %get3A_390 = arith.constant 0 : index
    %get3A_391 = vector.load %arg12[%get3A_389, %get3A_390] : memref<32x1xf32, #tpu.memory_space<vmem>>, vector<32x1xf32>
    %dot_general3A_392 = arith.constant dense<0.000000e+00> : vector<2000x1xf32>
    %dot_general3A_393 = tpu.matmul %max3A_388, %get3A_391, %dot_general3A_392 {dimension_numbers = #tpu.dot_dimension_numbers<[1], [0], [0], [1], [0, 0, 1, 1], [], []>, transpose_lhs_hint = false} : vector<2000x32xf32>, vector<32x1xf32>, vector<2000x1xf32> -> vector<2000x1xf32>
    %get3A_394 = arith.constant 0 : index
    %get3A_395 = arith.constant 0 : index
    %get3A_396 = vector.load %arg13[%get3A_394, %get3A_395] : memref<1x1xf32, #tpu.memory_space<vmem>>, vector<1x1xf32>
    %get3A_397 = vector.extract %get3A_396[0, 0] : f32 from vector<1x1xf32>
    %add3A_398 = vector.broadcast %get3A_397 : f32 to vector<2000x1xf32>
    %add3A_399 = arith.addf %dot_general3A_393, %add3A_398 : vector<2000x1xf32>
    %get3A_400 = arith.constant 0 : index
    %get3A_401 = arith.constant 0 : index
    %get3A_402 = vector.load %arg14[%get3A_400, %get3A_401] : memref<2000x1xf32, #tpu.memory_space<vmem>>, vector<2000x1xf32>
    %mul3A_403 = arith.mulf %add3A_399, %get3A_402 : vector<2000x1xf32>
    %reduce_sum3A_404 = vector.shape_cast %mul3A_403 : vector<2000x1xf32> to vector<1x2000x1xf32>
    %reduce_sum3A_405 = arith.constant dense<0.000000e+00> : vector<1xf32>
    %reduce_sum3A_406 = vector.multi_reduction <add>, %reduce_sum3A_404, %reduce_sum3A_405 [1, 2] : vector<1x2000x1xf32> to vector<1xf32>
    %reduce_sum3A_407 = vector.shape_cast %reduce_sum3A_406 : vector<1xf32> to vector<1x1x1xf32>
    %reduce_sum3A_408 = vector.extract %reduce_sum3A_407[0, 0, 0] : f32 from vector<1x1x1xf32>
    %reshape3A_409 = vector.broadcast %reduce_sum3A_408 : f32 to vector<1x1xf32>
    %mul3A_410 = arith.constant 4 : i32
    %mul3A_411 = arith.muli %arg0, %mul3A_410 : i32
    %add3A_412 = arith.constant 3 : i32
    %add3A_413 = arith.addi %mul3A_411, %add3A_412 : i32
    %get3A_414 = arith.index_cast %add3A_413 : i32 to index
    %get3A_415 = arith.constant 0 : index
    %get3A_416 = vector.load %arg16[%get3A_414, %get3A_415] : memref<8x1xf32, #tpu.memory_space<vmem>>, vector<1x1xf32>
    %add3A_417 = arith.addf %get3A_416, %reshape3A_409 : vector<1x1xf32>
    %eq3A_418 = arith.constant 4 : i32
    %eq3A_419 = arith.cmpi eq, %arg1, %eq3A_418 : i32
    %convert_element_type3A_420 = arith.extui %eq3A_419 : i1 to i32
    %cond3A_421 = arith.constant 0 : i32
    %cond3A_422 = arith.cmpi ne, %convert_element_type3A_420, %cond3A_421 : i32
    scf.if %cond3A_422 {
      %get3A_428 = arith.constant 0 : index
      %get3A_429 = arith.constant 0 : index
      %get3A_430 = vector.load %arg15[%get3A_428, %get3A_429] : memref<1x1xf32, #tpu.memory_space<vmem>>, vector<1x1xf32>
      %get3A_431 = vector.extract %get3A_430[0, 0] : f32 from vector<1x1xf32>
      %add3A_432 = vector.broadcast %get3A_431 : f32 to vector<1x1xf32>
      %add3A_433 = arith.addf %add3A_417, %add3A_432 : vector<1x1xf32>
      %logistic3A_434 = arith.negf %add3A_433 : vector<1x1xf32>
      %logistic3A_435 = math.exp %logistic3A_434 : vector<1x1xf32>
      %logistic3A_436 = arith.constant 1.000000e+00 : f32
      %logistic3A_437 = vector.broadcast %logistic3A_436 : f32 to vector<1x1xf32>
      %logistic3A_438 = arith.addf %logistic3A_437, %logistic3A_435 : vector<1x1xf32>
      %logistic3A_439 = arith.divf %logistic3A_437, %logistic3A_438 : vector<1x1xf32>
      %swap3A = arith.index_cast %add3A_413 : i32 to index
      %swap3A_440 = arith.constant 0 : index
      %swap3A_441 = vector.load %arg16[%swap3A, %swap3A_440] : memref<8x1xf32, #tpu.memory_space<vmem>>, vector<1x1xf32>
      tpu.vector_store %arg16[%swap3A, %swap3A_440], %logistic3A_439 {strides = array<i32>} : memref<8x1xf32, #tpu.memory_space<vmem>>, vector<1x1xf32>,
    } else {
    }
    %ne3A_423 = arith.constant 4 : i32
    %ne3A_424 = arith.cmpi ne, %arg1, %ne3A_423 : i32
    %convert_element_type3A_425 = arith.extui %ne3A_424 : i1 to i32
    %cond3A_426 = arith.constant 0 : i32
    %cond3A_427 = arith.cmpi ne, %convert_element_type3A_425, %cond3A_426 : i32
    scf.if %cond3A_427 {
      %swap3A = arith.index_cast %add3A_413 : i32 to index
      %swap3A_428 = arith.constant 0 : index
      %swap3A_429 = vector.load %arg16[%swap3A, %swap3A_428] : memref<8x1xf32, #tpu.memory_space<vmem>>, vector<1x1xf32>
      tpu.vector_store %arg16[%swap3A, %swap3A_428], %add3A_417 {strides = array<i32>} : memref<8x1xf32, #tpu.memory_space<vmem>>, vector<1x1xf32>,
    } else {
    }
    return
  }
  func.func @transform_0(%arg0: i32, %arg1: i32) -> (i32, i32, i32, i32) {
    %c0_i32 = arith.constant 0 : i32
    %c0_i32_0 = arith.constant 0 : i32
    %c0_i32_1 = arith.constant 0 : i32
    return %arg0, %arg1, %c0_i32, %c0_i32_0 : i32, i32, i32, i32
  }
  func.func @transform_1(%arg0: i32, %arg1: i32) -> (i32, i32, i32, i32) {
    %c0_i32 = arith.constant 0 : i32
    %c0_i32_0 = arith.constant 0 : i32
    %c0_i32_1 = arith.constant 0 : i32
    return %arg0, %arg1, %c0_i32, %c0_i32_0 : i32, i32, i32, i32
  }
  func.func @transform_2(%arg0: i32, %arg1: i32) -> (i32, i32) {
    %c0_i32 = arith.constant 0 : i32
    %c0_i32_0 = arith.constant 0 : i32
    return %arg1, %c0_i32 : i32, i32
  }
  func.func @transform_3(%arg0: i32, %arg1: i32) -> (i32, i32) {
    %c0_i32 = arith.constant 0 : i32
    %c0_i32_0 = arith.constant 0 : i32
    %c0_i32_1 = arith.constant 0 : i32
    return %c0_i32, %c0_i32_0 : i32, i32
  }
  func.func @transform_4(%arg0: i32, %arg1: i32) -> (i32, i32) {
    %c0_i32 = arith.constant 0 : i32
    %c0_i32_0 = arith.constant 0 : i32
    %c0_i32_1 = arith.constant 0 : i32
    return %c0_i32, %c0_i32_0 : i32, i32
  }
  func.func @transform_5(%arg0: i32, %arg1: i32) -> (i32, i32) {
    %c0_i32 = arith.constant 0 : i32
    %c0_i32_0 = arith.constant 0 : i32
    %c0_i32_1 = arith.constant 0 : i32
    return %c0_i32, %c0_i32_0 : i32, i32
  }
  func.func @transform_6(%arg0: i32, %arg1: i32) -> (i32, i32) {
    %c0_i32 = arith.constant 0 : i32
    %c0_i32_0 = arith.constant 0 : i32
    %c0_i32_1 = arith.constant 0 : i32
    return %c0_i32, %c0_i32_0 : i32, i32
  }
  func.func @transform_7(%arg0: i32, %arg1: i32) -> (i32, i32) {
    %c0_i32 = arith.constant 0 : i32
    %c0_i32_0 = arith.constant 0 : i32
    %c0_i32_1 = arith.constant 0 : i32
    return %c0_i32, %c0_i32_0 : i32, i32
  }
  func.func @transform_8(%arg0: i32, %arg1: i32) -> (i32, i32) {
    %c0_i32 = arith.constant 0 : i32
    %c0_i32_0 = arith.constant 0 : i32
    %c0_i32_1 = arith.constant 0 : i32
    return %c0_i32, %c0_i32_0 : i32, i32
  }
  func.func @transform_9(%arg0: i32, %arg1: i32) -> (i32, i32) {
    %c0_i32 = arith.constant 0 : i32
    %c0_i32_0 = arith.constant 0 : i32
    %c0_i32_1 = arith.constant 0 : i32
    return %c0_i32, %c0_i32_0 : i32, i32
  }
  func.func @transform_10(%arg0: i32, %arg1: i32) -> (i32, i32) {
    %c0_i32 = arith.constant 0 : i32
    %c0_i32_0 = arith.constant 0 : i32
    %c0_i32_1 = arith.constant 0 : i32
    return %c0_i32, %c0_i32_0 : i32, i32
  }
  func.func @transform_11(%arg0: i32, %arg1: i32) -> (i32, i32) {
    %c0_i32 = arith.constant 0 : i32
    %c0_i32_0 = arith.constant 0 : i32
    %c0_i32_1 = arith.constant 0 : i32
    return %c0_i32, %c0_i32_0 : i32, i32
  }
  func.func @transform_12(%arg0: i32, %arg1: i32) -> (i32, i32) {
    %c0_i32 = arith.constant 0 : i32
    %c0_i32_0 = arith.constant 0 : i32
    return %arg1, %c0_i32 : i32, i32
  }
  func.func @transform_13(%arg0: i32, %arg1: i32) -> (i32, i32) {
    %c0_i32 = arith.constant 0 : i32
    %c0_i32_0 = arith.constant 0 : i32
    %c0_i32_1 = arith.constant 0 : i32
    return %c0_i32, %c0_i32_0 : i32, i32
  }
  func.func @transform_14(%arg0: i32, %arg1: i32) -> (i32, i32) {
    %c0_i32 = arith.constant 0 : i32
    %c0_i32_0 = arith.constant 0 : i32
    %c0_i32_1 = arith.constant 0 : i32
    return %c0_i32, %c0_i32_0 : i32, i32
  }
}

</mosaic_0001>

<sc_bundles>
// kernel: kernel.6.cloned.1.call-start
scs
__scs_entry_jumppad:
0x0: {  	(pc) =	sbr.rel $0x88, $3  }
0x1: {  	(tag) =	ssettag $0x0;
	lr =	simm.s32 $0x1  }
0x2: {  	[smem:$0x3F90] =	sst lr;
	_ =	strace $0xD0000000  }
0x3: {  	_ = 	snop  }
0x4: {  	_ = 	snop  }
0x5: {  	_ = 	snop  }
0x6: {  	_ = 	snop  }
0x7: {  	_ = 	snop  }
__scs_overlays_trampoline_lowered:
0x8: {  	[smem:$0x3F9F] =	sst s0  }
0x9: {  	[smem:$0x3FA0] =	sst s1  }
0xa: {  	[smem:$0x3FA1] =	sst s2  }
0xb: {  	[smem:$0x3FA2] =	sst s3  }
0xc: {  	[smem:$0x3FA3] =	sst s4  }
0xd: {  	[smem:$0x3FA4] =	sst s5  }
0xe: {  	[smem:$0x3FA5] =	sst s6  }
0xf: {  	[smem:$0x3FA6] =	sst s7  }
0x10: {  	[smem:$0x3FA7] =	sst s8  }
0x11: {  	[smem:$0x3FA8] =	sst s9;
	s0 =	simm.s32 @!p0 $0x0  }
0x12: {  	s1 =	sld [smem:$0x3F8E];
	s0 =	simm.s32 @p0 $0x1  }
0x13: {  	[smem:$0x3FA9] =	sst s0;
	s0 =	simm.s32 @!p1 $0x0  }
0x14: {  	s2 =	sld [smem:$0x3F8D];
	s0 =	simm.s32 @p1 $0x1  }
0x15: {  	[smem:$0x3FAA] =	sst s0;
	s0 =	simm.s32 @!p2 $0x0  }
0x16: {  	s3 =	sld [smem:$0x3FDB];
	s0 =	simm.s32 @p2 $0x1  }
0x17: {  	s4 =	simm.s32 $0x1BF5;
	[smem:$0x3FAC] =	sst s0  }
0x18: {  	s0 =	sld [smem:$0x3F8F];
	_ =	swait.ge [sflag:s4], $0x0  }
0x19: {  	s7 =	sld [smem:$0x3F90]  }
0x1a: {  	s8 =	sadd.s32 $0xFFFFE003, lr  }
0x1b: {  	s9 =	sadd.s32 $0xFFFFFEF7, lr;
	s5 =	simm.s32 $0xFFFFFFFF;
	p2 =	slt.u32 s8, $0xFFFFF086  }
0x1c: {  	p1 =	slt.u32 s9, $0xF7A;
	s5 =	simm.s32 @!p2 $0x0  }
0x1d: {  	s5 =	simm.s32 @p1 $0x1;
	p0 =	seq.s32 s7, s2  }
0x1e: {  	s7 =	smul.u32 @!p0 $0xF7A, s2;
	p2 =	seq.s32 @!p0 s5, $0x0  }
0x1f: {  	s9 =	smul.u32 $0xF7A, s1;
	s8 =	simm.s32 @!p0 $0x1BF5;
	p2 =	por !p2, p0  }
0x20: {  	[sflag:s8] =	ssyncset.s32 @!p0 $0xFFFFF086;
	s6 =	sadd.s32 @!p0 s3, s7;
	s7 =	simm.s32 @!p0 $0x108  }
0x21: {  	s3 =	sadd.s32 s3, s9;
	s6 =	sadd.s32 @!p0 $0x88, s6;
	s7 =	simm.s32 @p2 $0x1082  }
0x22: {  	[simem:s7], [sflag:s8] =	dma.local @!p0 [hbm:s6], $0xF7A  }
0x23: {  	s9 =	sor.u32 $0xD0000000, s2;
	s6 =	simm.s32 $0x108;
	_ =	swait.ge @!p0 [sflag:s8], $0x0  }
0x24: {  	s3 =	sadd.s32 $0x88, s3;
	s6 =	simm.s32 @!p1 $0x1082;
	[sflag:s4] =	ssyncset.s32 $0xFFFFF086  }
0x25: {  	[simem:s6], [sflag:s4] =	dma.local [hbm:s3], $0xF7A  }
0x26: {  	[smem:$0x3F90] =	sst s1;
	(tag) =	ssettag s2;
	_ =	strace s9  }
0x27: {  	s1 =	sld [smem:$0x3FA0]  }
0x28: {  	s2 =	sld [smem:$0x3FA1]  }
0x29: {  	s4 =	sld [smem:$0x3FA3]  }
0x2a: {  	p0 =	seq.s32 s5, $0x0;
	s5 =	sld [smem:$0x3FA4]  }
0x2b: {  	s6 =	sld [smem:$0x3FA5]  }
0x2c: {  	s7 =	sld [smem:$0x3FA6]  }
0x2d: {  	s3 =	simm.s32 $0x108;
	s8 =	sld [smem:$0x3FA7]  }
0x2e: {  	s3 =	simm.s32 @!p0 $0x1082;
	s9 =	sld [smem:$0x3FA8]  }
0x2f: {  	lr =	sadd.s32 s0, s3;
	s0 =	sld [smem:$0x3F9F]  }
0x30: {  	s3 =	sld [smem:$0x3FA2]  }
0x31: {  	[smem:$0x3FAB] =	sst s10  }
0x32: {  	s10 =	sld [smem:$0x3FA9];
	_ =	sdelay $0x3  }
0x33: {  	p0 =	seq.s32 s10, $0x1;
	s10 =	sld [smem:$0x3FAB];
	_ =	sdelay $0x3  }
0x34: {  	[smem:$0x3FAB] =	sst s10  }
0x35: {  	s10 =	sld [smem:$0x3FAA];
	_ =	sdelay $0x3  }
0x36: {  	p1 =	seq.s32 s10, $0x1;
	s10 =	sld [smem:$0x3FAB];
	_ =	sdelay $0x3  }
0x37: {  	[smem:$0x3FAB] =	sst s10  }
0x38: {  	s10 =	sld [smem:$0x3FAC]  }
0x39: {  	_ = 	snop;
	(pc) =	sbr.ind lr, $3  }
0x3a: {  	_ = 	snop  }
0x3b: {  	_ = 	snop  }
0x3c: {  	p2 =	seq.s32 s10, $0x1;
	s10 =	sld [smem:$0x3FAB]  }
0x3d: {  	_ =	shalt  }
0x3e: {  	_ =	shalt  }
0x3f: {  	_ =	shalt  }
0x40: {  	_ =	shalt  }
0x41: {  	_ =	shalt  }
0x42: {  	_ =	shalt  }
0x43: {  	_ =	shalt  }
0x44: {  	_ =	shalt  }
0x45: {  	_ =	shalt  }
0x46: {  	_ =	shalt  }
0x47: {  	_ =	shalt  }
0x48: {  	_ =	shalt  }
0x49: {  	_ =	shalt  }
0x4a: {  	_ =	shalt  }
0x4b: {  	_ =	shalt  }
0x4c: {  	_ =	shalt  }
0x4d: {  	_ =	shalt  }
0x4e: {  	_ =	shalt  }
0x4f: {  	_ =	shalt  }
0x50: {  	_ =	shalt  }
0x51: {  	_ =	shalt  }
0x52: {  	_ =	shalt  }
0x53: {  	_ =	shalt  }
0x54: {  	_ =	shalt  }
0x55: {  	_ =	shalt  }
0x56: {  	_ =	shalt  }
0x57: {  	_ =	shalt  }
0x58: {  	_ =	shalt  }
0x59: {  	_ =	shalt  }
0x5a: {  	_ =	shalt  }
0x5b: {  	_ =	shalt  }
0x5c: {  	_ =	shalt  }
0x5d: {  	_ =	shalt  }
0x5e: {  	_ =	shalt  }
0x5f: {  	_ =	shalt  }
0x60: {  	_ =	shalt  }
0x61: {  	_ =	shalt  }
0x62: {  	_ =	shalt  }
0x63: {  	_ =	shalt  }
0x64: {  	_ =	shalt  }
0x65: {  	_ =	shalt  }
0x66: {  	_ =	shalt  }
0x67: {  	_ =	shalt  }
0x68: {  	_ =	shalt  }
0x69: {  	_ =	shalt  }
0x6a: {  	_ =	shalt  }
0x6b: {  	_ =	shalt  }
0x6c: {  	_ =	shalt  }
0x6d: {  	_ =	shalt  }
0x6e: {  	_ =	shalt  }
0x6f: {  	_ =	shalt  }
0x70: {  	_ =	shalt  }
0x71: {  	_ =	shalt  }
0x72: {  	_ =	shalt  }
0x73: {  	_ =	shalt  }
0x74: {  	_ =	shalt  }
0x75: {  	_ =	shalt  }
0x76: {  	_ =	shalt  }
0x77: {  	_ =	shalt  }
0x78: {  	_ =	shalt  }
0x79: {  	_ =	shalt  }
0x7a: {  	_ =	shalt  }
0x7b: {  	_ =	shalt  }
0x7c: {  	_ =	shalt  }
0x7d: {  	_ =	shalt  }
0x7e: {  	_ =	shalt  }
0x7f: {  	_ =	shalt  }
0x80: {  	_ =	shalt  }
0x81: {  	_ =	shalt  }
0x82: {  	_ =	shalt  }
0x83: {  	_ =	shalt  }
0x84: {  	_ =	shalt  }
0x85: {  	_ =	shalt  }
0x86: {  	_ =	shalt  }
0x87: {  	_ =	shalt  }
.Lfunc_end0:
.L_simem_size_0:
called_computation_lowered:
.L_overlay_start_0:
0x88: {  	s2 =	sld [smem:$0x3FD9]  }
0x89: {  	s3 =	sld [smem:$0x3FFE];
	_ =	sdelay $0x1  }
0x8a: {  	s1 =	srdreg.scid  }
0x8b: {  	s0 =	sand.u32 $0x1, s1  }
0x8c: {  	s16 =	sshll.u32 s0, $0xA;
	s2 =	sadd.s32 s3, s2  }
0x8d: {  	s2 =	sadd.s32 s2, s16  }
0x8e: {  	[smem:$0x3FB7] =	sst s2  }
0x8f: {  	_ = 	snop  }
0x90: {  	(tm) =	ssettm $0x1  }
0x91: {  	s17 =	sld [smem:$0x3FFB];
	_ =	sdelay $0x3  }
0x92: {  	_ =	strace s17  }
0x93: {  	s2 =	sld [smem:$0x3FFC];
	_ =	sdelay $0x3  }
0x94: {  	_ =	strace s2  }
0x95: {  	s2 =	sld [smem:$0x3FFD];
	_ =	sdelay $0x3  }
0x96: {  	_ =	strace s2  }
0x97: {  	_ =	strace $0x8FFFFFFF  }
0x98: {  	s18 =	sld [smem:$0x3FDB];
	_ =	sdelay $0x1  }
0x99: {  	s19 =	simm.s32 $_scs_section_size  }
0x9a: {  	s4 =	simm.s32 $_size__tile_overlayer_lowered;
	s5 =	simm.s32 $_tile_overlayer_lowered  }
0x9b: {  	s22 =	simm.s32 $0x1BFF;
	s21 =	sshll.u32 s5, $0x1;
	s2 =	sadd.s32 s19, s18  }
0x9c: {  	s6 =	simm.s32 $0x0;
	s20 =	sshll.u32 s4, $0x1;
	s4 =	sadd.s32 s21, s2  }
0x9d: {  	[timem:s6], [sflag:s22] =	dma.local [hbm:s4], s20  }
0x9e: {  	_ =	swait.ge [sflag:s22], s20  }
0x9f: {  	s3 =	ssub.s32 $0x0, s20;
	[sflag:s22] =	ssyncset.done $0x0  }
0xa0: {  	[sflag:s22] =	ssyncadd.s32 s3;
	_ =	sdelay $0x1  }
0xa1: {  	s23 =	simm.s32 $0x1B8B  }
0xa2: {  	_ =	swait.ge [sflag:s23], $0x1  }
0xa3: {  	[sflag:s23] =	ssyncset.done $0x0  }
0xa4: {  	s25 =	simm.s32 $0x1B8E;
	s24 =	sld [smem:$0x3FFE];
	[sflag:s23] =	ssyncadd.s32 $0xFFFFFFFF  }
0xa5: {  	s26 =	simm.s32 $execute0_lowered;
	[smem:$0x3FD2] =	sst s25  }
0xa6: {  	s4 =	sshll.u32 s26, $0x1;
	_ =	strace $0x80000046;
	[dreg:$0x1] =	wrdreg $0xFFFFFFFF  }
0xa7: {  	s28 =	simm.s32 $_size_execute0_lowered;
	s2 =	sadd.s32 s2, s4;
	[dreg:$0x0] =	wrdreg $0x0  }
0xa8: {  	s4 =	sshll.u32 s28, $0x1;
	[dreg:$0x2] =	wrdreg s2  }
0xa9: {  	[dreg:$0x3] =	wrdreg s4  }
0xaa: {  	[dreg:$0x4] =	wrdreg $0xC0  }
0xab: {  	_ =	task [dreg:s6], $0x5FFFF  }
0xac: {  	[dreg:$0x1] =	wrdreg $0xFFFFFFFF  }
0xad: {  	[dreg:$0x0] =	wrdreg $0x60  }
0xae: {  	[dreg:$0x2] =	wrdreg s24  }
0xaf: {  	[dreg:$0x3] =	wrdreg $0x1C000  }
0xb0: {  	[dreg:$0x4] =	wrdreg $0x9  }
0xb1: {  	_ =	task.clear_ibuf [dreg:s6], $0x5FFFF;
	_ =	strace $0x90000046  }
0xb2: {  	s29 =	simm.s32 $0x9;
	_ =	strace $0x80000048  }
0xb3: {  	_ =	swait.ge [sflag:s29], $0x1  }
0xb4: {  	[sflag:s29] =	ssyncadd.s32 $0xFFFFFFFF  }
0xb5: {  	_ =	strace $0x90000048  }
0xb6: {  	_ =	sfence  }
0xb7: {  	s30 =	sld [smem:$0x0];
	_ =	sdelay $0x2  }
0xb8: {  	s31 =	sshll.u32 s1, $0xD;
	s1 =	sshrl.u32 s1, $0x2  }
0xb9: {  	s3 =	sand.u32 $0x4000, s31;
	s1 =	sadd.s32 s1, s30  }
0xba: {  	s0 =	sor.u32 s3, s0;
	s1 =	sshll.u32 s1, $0x11  }
0xbb: {  	s0 =	sor.u32 s1, s0  }
0xbc: {  	s0 =	sadd.s32 $0x8F2B, s0  }
0xbd: {  	[sflag:s0] =	ssyncadd.remote.s32 $0x1  }
0xbe: {  	_ =	sfence.sel $0xFFFF  }
0xbf: {  	[dreg:$0x0] =	wrdreg $0xFFFFFFFF;
	(pc) =	sbr.abs _section_cstart, $3  }
0xc0: {  	[dreg:$0x1] =	wrdreg $0xFFFFFFFF  }
0xc1: {  	_ =	task.clear_ibuf [dreg:s6], $0x2FFFF;
	_ =	strace $0x9FFFFFFF  }
0xc2: {  	(tm) =	ssettm $0x7FFFFFFF  }
0xc3: {  	_ =	shalt  }
tec
execute0_lowered:
.L_overlay_start_1:
0x0: {  	(tag) =	ssettag $0x1  }
0x1: {  	s0 =	srdreg.scid;
	s5 =	rddreg [dreg:$0x0]  }
0x2: {  	s2 =	rddreg [dreg:$0x1];
	s25 =	simm.s32 $0x0;
	s4 =	sand.u32 $0x1, s0  }
0x3: {  	s0 =	stileid.u32;
	[smem:$0x7FF] =	sst s25;
	s1 =	sshll.u32 s4, $0x4  }
0x4: {  	s7 =	sadd.s32 $0x6000, s5;
	s3 =	sor.u32 s0, s1;
	s1 =	rddreg [dreg:$0x2]  }
0x5: {  	s26 =	sadd.s32 $0x5E00, s5;
	_ =	strace $0x80000047;
	[dreg:$0x3] =	wrdreg s7  }
0x6: {  	s13 =	simm.s32 $0x100;
	[dreg:$0x4] =	wrdreg s26  }
0x7: {  	s14 =	simm.s32 $0x180;
	[dreg:$0xb] =	wrdreg s13  }
0x8: {  	s15 =	simm.s32 $0x200;
	[dreg:$0xc] =	wrdreg s14  }
0x9: {  	s16 =	simm.s32 $0x280;
	[dreg:$0xd] =	wrdreg s15  }
0xa: {  	s17 =	simm.s32 $0x300;
	[dreg:$0xe] =	wrdreg s16  }
0xb: {  	s18 =	simm.s32 $0x380;
	[dreg:$0xf] =	wrdreg s17  }
0xc: {  	s19 =	simm.s32 $0x400;
	[dreg:$0x10] =	wrdreg s18  }
0xd: {  	s20 =	simm.s32 $0x480;
	[dreg:$0x11] =	wrdreg s19  }
0xe: {  	s21 =	simm.s32 $0x500;
	[dreg:$0x12] =	wrdreg s20  }
0xf: {  	s22 =	simm.s32 $0x580;
	s23 =	simm.s32 $0x600;
	[dreg:$0x13] =	wrdreg s21  }
0x10: {  	s24 =	simm.s32 $0x680;
	s6 =	smul.u32 $0x5000, s0;
	[dreg:$0x14] =	wrdreg s22  }
0x11: {  	p0 =	por $0x0, $0x0;
	s29 =	smul.u32 $0x280, s0;
	[dreg:$0x15] =	wrdreg s23  }
0x12: {  	s8 =	smul.u32 $0x2800, s4;
	s4 =	ssub.s32 $0x2, s4;
	[dreg:$0x16] =	wrdreg s24  }
0x13: {  	s26 =	simm.s32 $0x700;
	s7 =	simm.s32 $0x800;
	s24 =	simm.s32 $0x900  }
0x14: {  	s23 =	simm.s32 $0xB80;
	s22 =	simm.s32 $0xC00;
	s21 =	simm.s32 $0xC80  }
0x15: {  	s20 =	simm.s32 $0xD00;
	s19 =	simm.s32 $0xD80;
	s18 =	simm.s32 $0xE00  }
0x16: {  	s17 =	simm.s32 $0xE80;
	s16 =	simm.s32 $0xF00;
	s15 =	simm.s32 $0xF80  }
0x17: {  	s14 =	simm.s32 $0x1000;
	s13 =	simm.s32 $0x1080;
	[dreg:$0x17] =	wrdreg s26  }
0x18: {  	s3 =	smul.u32 $0x280, s3;
	s6 =	sshrl.u32 s6, $0x2;
	[dreg:$0x19] =	wrdreg s7  }
0x19: {  	[dreg:$0x1b] =	wrdreg s24;
	s26 =	simm.s32 $0x980;
	s24 =	simm.s32 $0xB00  }
0x1a: {  	[dreg:$0x1c] =	wrdreg s26;
	s3 =	sadd.s32 s3, s5;
	s5 =	sadd.s32 s29, s5  }
0x1b: {  	s29 =	sshrl.u32 s4, $0x1;
	s28 =	sadd.s32 $0xE00, s3;
	s3 =	sadd.s32 s6, s2  }
0x1c: {  	s5 =	sadd.s32 s8, s5;
	s8 =	simm.s32 $0x880;
	[dreg:$0x5] =	wrdreg s28  }
0x1d: {  	s4 =	ssub.s32 s4, s29;
	s29 =	simm.s32 $0xA80;
	[dreg:$0x1a] =	wrdreg s8  }
0x1e: {  	s7 =	simm.s32 $0x1380;
	s9 =	sadd.s32 $0x400, s3;
	[dreg:$0x1e] =	wrdreg s29  }
0x1f: {  	s26 =	simm.s32 $0x1800;
	s10 =	sadd.s32 $0x800, s3;
	[dreg:$0x6] =	wrdreg s9  }
0x20: {  	s6 =	simm.s32 $0x80;
	s11 =	sadd.s32 $0xC00, s3;
	[dreg:$0x7] =	wrdreg s10  }
0x21: {  	s12 =	sadd.s32 $0x1000, s3;
	[dreg:$0x8] =	wrdreg s11;
	s9 =	smax.u32 s4, $0x1  }
0x22: {  	s5 =	sadd.s32 $0x6200, s5;
	[dreg:$0x9] =	wrdreg s12;
	p1 =	sne.s32 s9, $0x1  }
.Ltmp0:
0x23: {  	s28 =	simm.s32 $0x780;
	[dreg:$0xa] =	wrdreg s5;
	(pc) =	sbr.rel @!p1 .LBB2_3-.Ltmp0, $4  }
0x24: {  	s8 =	simm.s32 $0x1280;
	[dreg:$0x18] =	wrdreg s28;
	s4 =	simm.s32 $0x1  }
0x25: {  	s5 =	simm.s32 $0x1400;
	s28 =	simm.s32 $0xA00;
	s12 =	simm.s32 $0x1100  }
0x26: {  	s11 =	simm.s32 $0x1180;
	s10 =	simm.s32 $0x1200;
	s31 =	rddreg [dreg:$0x5]  }
0x27: {  	[dreg:$0x1d] =	wrdreg s28;
	s30 =	sadd.s32 $0xFFFFFFFF, s9;
	s9 =	simm.s32 $0x1300  }
0x28: {  	[tilespmem:s25], [sflag:$0x1] =	stream.linear.gather [hbm4b:s31+s25], $0x1400, $0x38;
	[tilespmem:$0x1E80] =	vst v63  }
0x29: {  	_ =	swait.ge [sflag:s4], $0x1400  }
0x2a: {  	[sflag:s4] =	ssyncset.done $0x0  }
0x2b: {  	s28 =	rddreg [dreg:$0x3];
	[sflag:s4] =	ssyncadd.s32 $0xFFFFEC00  }
0x2c: {  	[tilespmem:s5], [sflag:$0x1] =	stream.linear.gather [hbm4b:s28+s25], $0x400, $0x38;
	[tilespmem:$0x1E80] =	vst v63  }
0x2d: {  	_ =	swait.ge [sflag:s4], $0x400  }
0x2e: {  	[sflag:s4] =	ssyncset.done $0x0  }
0x2f: {  	s28 =	rddreg [dreg:$0x4];
	[sflag:s4] =	ssyncadd.s32 $0xFFFFFC00  }
0x30: {  	[tilespmem:s26], [sflag:$0x1] =	stream.linear.gather [hbm4b:s28+s25], $0x400, $0x38;
	[tilespmem:$0x1E80] =	vst v63  }
0x31: {  	_ =	swait.ge [sflag:s4], $0x400  }
0x32: {  	[sflag:s4] =	ssyncset.done $0x0  }
0x33: {  	[sflag:s4] =	ssyncadd.s32 $0xFFFFFC00  }
0x34: {  	[spmem:s3] =	stream.linear.scatter [tilespmem:s26], [sflag:$0x1], $0x400, $0x38;
	[tilespmem:$0x1E80] =	vst v63  }
0x35: {  	_ =	swait.ge [sflag:s4], $0x400  }
0x36: {  	[sflag:s4] =	ssyncset.done $0x0  }
0x37: {  	s28 =	rddreg [dreg:$0x6];
	[sflag:s4] =	ssyncadd.s32 $0xFFFFFC00  }
0x38: {  	[spmem:s28] =	stream.linear.scatter [tilespmem:s26], [sflag:$0x1], $0x400, $0x38;
	[tilespmem:$0x1E80] =	vst v63  }
0x39: {  	_ =	swait.ge [sflag:s4], $0x400  }
0x3a: {  	[sflag:s4] =	ssyncset.done $0x0  }
0x3b: {  	s28 =	rddreg [dreg:$0x7];
	[sflag:s4] =	ssyncadd.s32 $0xFFFFFC00  }
0x3c: {  	[spmem:s28] =	stream.linear.scatter [tilespmem:s26], [sflag:$0x1], $0x400, $0x38;
	[tilespmem:$0x1E80] =	vst v63  }
0x3d: {  	_ =	swait.ge [sflag:s4], $0x400  }
0x3e: {  	[sflag:s4] =	ssyncset.done $0x0  }
0x3f: {  	s28 =	rddreg [dreg:$0x8];
	[sflag:s4] =	ssyncadd.s32 $0xFFFFFC00  }
0x40: {  	[spmem:s28] =	stream.linear.scatter [tilespmem:s26], [sflag:$0x1], $0x400, $0x38;
	[tilespmem:$0x1E80] =	vst v63  }
0x41: {  	_ =	swait.ge [sflag:s4], $0x400  }
0x42: {  	[sflag:s4] =	ssyncset.done $0x0  }
0x43: {  	s28 =	rddreg [dreg:$0x9];
	[sflag:s4] =	ssyncadd.s32 $0xFFFFFC00  }
0x44: {  	[spmem:s28] =	stream.linear.scatter [tilespmem:s26], [sflag:$0x1], $0x400, $0x38;
	[tilespmem:$0x1E80] =	vst v63  }
0x45: {  	_ =	swait.ge [sflag:s4], $0x400  }
0x46: {  	[sflag:s4] =	ssyncset.done $0x0  }
0x47: {  	[sflag:s4] =	ssyncadd.s32 $0xFFFFFC00  }
0x48: {  	[bflag:$0x0] =	sbarrier.arrive $0xFFFF  }
0x49: {  	[spmem:s2] =	stream.indirect.scatter.add.f32 [tilespmem:s5], [sflag:$0x1], $0x1, s25, s6, $0xb8;
	[tilespmem:$0x1E80] =	vst v63  }
0x4a: {  	_ =	swait.ge [sflag:s4], $0x80  }
0x4b: {  	[sflag:s4] =	ssyncset.done $0x0  }
0x4c: {  	[sflag:s4] =	ssyncadd.s32 $0xFFFFFF80  }
0x4d: {  	[spmem:s2] =	stream.indirect.scatter.add.f32 [tilespmem:s5], [sflag:$0x1], $0x1, s6, s6, $0xb8;
	[tilespmem:$0x1E80] =	vst v63  }
0x4e: {  	_ =	swait.ge [sflag:s4], $0x80  }
0x4f: {  	[sflag:s4] =	ssyncset.done $0x0  }
0x50: {  	s28 =	rddreg [dreg:$0xb];
	[sflag:s4] =	ssyncadd.s32 $0xFFFFFF80  }
0x51: {  	[spmem:s2] =	stream.indirect.scatter.add.f32 [tilespmem:s5], [sflag:$0x1], $0x1, s28, s6, $0xb8;
	[tilespmem:$0x1E80] =	vst v63  }
0x52: {  	_ =	swait.ge [sflag:s4], $0x80  }
0x53: {  	[sflag:s4] =	ssyncset.done $0x0  }
0x54: {  	s28 =	rddreg [dreg:$0xc];
	[sflag:s4] =	ssyncadd.s32 $0xFFFFFF80  }
0x55: {  	[spmem:s2] =	stream.indirect.scatter.add.f32 [tilespmem:s5], [sflag:$0x1], $0x1, s28, s6, $0xb8;
	[tilespmem:$0x1E80] =	vst v63  }
0x56: {  	_ =	swait.ge [sflag:s4], $0x80  }
0x57: {  	[sflag:s4] =	ssyncset.done $0x0  }
0x58: {  	s28 =	rddreg [dreg:$0xd];
	[sflag:s4] =	ssyncadd.s32 $0xFFFFFF80  }
0x59: {  	[spmem:s2] =	stream.indirect.scatter.add.f32 [tilespmem:s5], [sflag:$0x1], $0x1, s28, s6, $0xb8;
	[tilespmem:$0x1E80] =	vst v63  }
0x5a: {  	_ =	swait.ge [sflag:s4], $0x80  }
0x5b: {  	[sflag:s4] =	ssyncset.done $0x0  }
0x5c: {  	s28 =	rddreg [dreg:$0xe];
	[sflag:s4] =	ssyncadd.s32 $0xFFFFFF80  }
0x5d: {  	[spmem:s2] =	stream.indirect.scatter.add.f32 [tilespmem:s5], [sflag:$0x1], $0x1, s28, s6, $0xb8;
	[tilespmem:$0x1E80] =	vst v63  }
0x5e: {  	_ =	swait.ge [sflag:s4], $0x80  }
0x5f: {  	[sflag:s4] =	ssyncset.done $0x0  }
0x60: {  	s28 =	rddreg [dreg:$0xf];
	[sflag:s4] =	ssyncadd.s32 $0xFFFFFF80  }
0x61: {  	[spmem:s2] =	stream.indirect.scatter.add.f32 [tilespmem:s5], [sflag:$0x1], $0x1, s28, s6, $0xb8;
	[tilespmem:$0x1E80] =	vst v63  }
0x62: {  	_ =	swait.ge [sflag:s4], $0x80  }
0x63: {  	[sflag:s4] =	ssyncset.done $0x0  }
0x64: {  	s28 =	rddreg [dreg:$0x10];
	[sflag:s4] =	ssyncadd.s32 $0xFFFFFF80  }
0x65: {  	[spmem:s2] =	stream.indirect.scatter.add.f32 [tilespmem:s5], [sflag:$0x1], $0x1, s28, s6, $0xb8;
	[tilespmem:$0x1E80] =	vst v63  }
0x66: {  	_ =	swait.ge [sflag:s4], $0x80  }
0x67: {  	[sflag:s4] =	ssyncset.done $0x0  }
0x68: {  	s28 =	rddreg [dreg:$0x11];
	[sflag:s4] =	ssyncadd.s32 $0xFFFFFF80  }
0x69: {  	[spmem:s2] =	stream.indirect.scatter.add.f32 [tilespmem:s5], [sflag:$0x1], $0x1, s28, s6, $0xb8;
	[tilespmem:$0x1E80] =	vst v63  }
0x6a: {  	_ =	swait.ge [sflag:s4], $0x80  }
0x6b: {  	[sflag:s4] =	ssyncset.done $0x0  }
0x6c: {  	s28 =	rddreg [dreg:$0x12];
	[sflag:s4] =	ssyncadd.s32 $0xFFFFFF80  }
0x6d: {  	[spmem:s2] =	stream.indirect.scatter.add.f32 [tilespmem:s5], [sflag:$0x1], $0x1, s28, s6, $0xb8;
	[tilespmem:$0x1E80] =	vst v63  }
0x6e: {  	_ =	swait.ge [sflag:s4], $0x80  }
0x6f: {  	[sflag:s4] =	ssyncset.done $0x0  }
0x70: {  	s28 =	rddreg [dreg:$0x13];
	[sflag:s4] =	ssyncadd.s32 $0xFFFFFF80  }
0x71: {  	[spmem:s2] =	stream.indirect.scatter.add.f32 [tilespmem:s5], [sflag:$0x1], $0x1, s28, s6, $0xb8;
	[tilespmem:$0x1E80] =	vst v63  }
0x72: {  	_ =	swait.ge [sflag:s4], $0x80  }
0x73: {  	[sflag:s4] =	ssyncset.done $0x0  }
0x74: {  	s28 =	rddreg [dreg:$0x14];
	[sflag:s4] =	ssyncadd.s32 $0xFFFFFF80  }
0x75: {  	[spmem:s2] =	stream.indirect.scatter.add.f32 [tilespmem:s5], [sflag:$0x1], $0x1, s28, s6, $0xb8;
	[tilespmem:$0x1E80] =	vst v63  }
0x76: {  	_ =	swait.ge [sflag:s4], $0x80  }
0x77: {  	[sflag:s4] =	ssyncset.done $0x0  }
0x78: {  	s28 =	rddreg [dreg:$0x15];
	[sflag:s4] =	ssyncadd.s32 $0xFFFFFF80  }
0x79: {  	[spmem:s2] =	stream.indirect.scatter.add.f32 [tilespmem:s5], [sflag:$0x1], $0x1, s28, s6, $0xb8;
	[tilespmem:$0x1E80] =	vst v63  }
0x7a: {  	_ =	swait.ge [sflag:s4], $0x80  }
0x7b: {  	[sflag:s4] =	ssyncset.done $0x0  }
0x7c: {  	s28 =	rddreg [dreg:$0x16];
	[sflag:s4] =	ssyncadd.s32 $0xFFFFFF80  }
0x7d: {  	[spmem:s2] =	stream.indirect.scatter.add.f32 [tilespmem:s5], [sflag:$0x1], $0x1, s28, s6, $0xb8;
	[tilespmem:$0x1E80] =	vst v63  }
0x7e: {  	_ =	swait.ge [sflag:s4], $0x80  }
0x7f: {  	[sflag:s4] =	ssyncset.done $0x0  }
0x80: {  	s28 =	rddreg [dreg:$0x17];
	[sflag:s4] =	ssyncadd.s32 $0xFFFFFF80  }
0x81: {  	[spmem:s2] =	stream.indirect.scatter.add.f32 [tilespmem:s5], [sflag:$0x1], $0x1, s28, s6, $0xb8;
	[tilespmem:$0x1E80] =	vst v63  }
0x82: {  	_ =	swait.ge [sflag:s4], $0x80  }
0x83: {  	[sflag:s4] =	ssyncset.done $0x0  }
0x84: {  	s28 =	rddreg [dreg:$0x18];
	[sflag:s4] =	ssyncadd.s32 $0xFFFFFF80  }
0x85: {  	[spmem:s2] =	stream.indirect.scatter.add.f32 [tilespmem:s5], [sflag:$0x1], $0x1, s28, s6, $0xb8;
	[tilespmem:$0x1E80] =	vst v63  }
0x86: {  	_ =	swait.ge [sflag:s4], $0x80  }
0x87: {  	[sflag:s4] =	ssyncset.done $0x0  }
0x88: {  	s28 =	rddreg [dreg:$0x19];
	[sflag:s4] =	ssyncadd.s32 $0xFFFFFF80  }
0x89: {  	[spmem:s2] =	stream.indirect.scatter.add.f32 [tilespmem:s5], [sflag:$0x1], $0x1, s28, s6, $0xb8;
	[tilespmem:$0x1E80] =	vst v63  }
0x8a: {  	_ =	swait.ge [sflag:s4], $0x80  }
0x8b: {  	[sflag:s4] =	ssyncset.done $0x0  }
0x8c: {  	s28 =	rddreg [dreg:$0x1a];
	[sflag:s4] =	ssyncadd.s32 $0xFFFFFF80  }
0x8d: {  	[spmem:s2] =	stream.indirect.scatter.add.f32 [tilespmem:s5], [sflag:$0x1], $0x1, s28, s6, $0xb8;
	[tilespmem:$0x1E80] =	vst v63  }
0x8e: {  	_ =	swait.ge [sflag:s4], $0x80  }
0x8f: {  	[sflag:s4] =	ssyncset.done $0x0  }
0x90: {  	s28 =	rddreg [dreg:$0x1b];
	[sflag:s4] =	ssyncadd.s32 $0xFFFFFF80  }
0x91: {  	[spmem:s2] =	stream.indirect.scatter.add.f32 [tilespmem:s5], [sflag:$0x1], $0x1, s28, s6, $0xb8;
	[tilespmem:$0x1E80] =	vst v63  }
0x92: {  	_ =	swait.ge [sflag:s4], $0x80  }
0x93: {  	[sflag:s4] =	ssyncset.done $0x0  }
0x94: {  	s28 =	rddreg [dreg:$0x1c];
	[sflag:s4] =	ssyncadd.s32 $0xFFFFFF80  }
0x95: {  	[spmem:s2] =	stream.indirect.scatter.add.f32 [tilespmem:s5], [sflag:$0x1], $0x1, s28, s6, $0xb8;
	[tilespmem:$0x1E80] =	vst v63  }
0x96: {  	_ =	swait.ge [sflag:s4], $0x80  }
0x97: {  	[sflag:s4] =	ssyncset.done $0x0  }
0x98: {  	s28 =	rddreg [dreg:$0x1d];
	[sflag:s4] =	ssyncadd.s32 $0xFFFFFF80  }
0x99: {  	[spmem:s2] =	stream.indirect.scatter.add.f32 [tilespmem:s5], [sflag:$0x1], $0x1, s28, s6, $0xb8;
	[tilespmem:$0x1E80] =	vst v63  }
0x9a: {  	_ =	swait.ge [sflag:s4], $0x80  }
0x9b: {  	[sflag:s4] =	ssyncset.done $0x0  }
0x9c: {  	s28 =	rddreg [dreg:$0x1e];
	[sflag:s4] =	ssyncadd.s32 $0xFFFFFF80  }
0x9d: {  	[spmem:s2] =	stream.indirect.scatter.add.f32 [tilespmem:s5], [sflag:$0x1], $0x1, s28, s6, $0xb8;
	[tilespmem:$0x1E80] =	vst v63  }
0x9e: {  	_ =	swait.ge [sflag:s4], $0x80  }
0x9f: {  	[sflag:s4] =	ssyncset.done $0x0  }
0xa0: {  	[sflag:s4] =	ssyncadd.s32 $0xFFFFFF80  }
0xa1: {  	[spmem:s2] =	stream.indirect.scatter.add.f32 [tilespmem:s5], [sflag:$0x1], $0x1, s24, s6, $0xb8;
	[tilespmem:$0x1E80] =	vst v63  }
0xa2: {  	_ =	swait.ge [sflag:s4], $0x80  }
0xa3: {  	[sflag:s4] =	ssyncset.done $0x0  }
0xa4: {  	[sflag:s4] =	ssyncadd.s32 $0xFFFFFF80  }
0xa5: {  	[spmem:s2] =	stream.indirect.scatter.add.f32 [tilespmem:s5], [sflag:$0x1], $0x1, s23, s6, $0xb8;
	[tilespmem:$0x1E80] =	vst v63  }
0xa6: {  	_ =	swait.ge [sflag:s4], $0x80  }
0xa7: {  	[sflag:s4] =	ssyncset.done $0x0  }
0xa8: {  	[sflag:s4] =	ssyncadd.s32 $0xFFFFFF80  }
0xa9: {  	[spmem:s2] =	stream.indirect.scatter.add.f32 [tilespmem:s5], [sflag:$0x1], $0x1, s22, s6, $0xb8;
	[tilespmem:$0x1E80] =	vst v63  }
0xaa: {  	_ =	swait.ge [sflag:s4], $0x80  }
0xab: {  	[sflag:s4] =	ssyncset.done $0x0  }
0xac: {  	[sflag:s4] =	ssyncadd.s32 $0xFFFFFF80  }
0xad: {  	[spmem:s2] =	stream.indirect.scatter.add.f32 [tilespmem:s5], [sflag:$0x1], $0x1, s21, s6, $0xb8;
	[tilespmem:$0x1E80] =	vst v63  }
0xae: {  	_ =	swait.ge [sflag:s4], $0x80  }
0xaf: {  	[sflag:s4] =	ssyncset.done $0x0  }
0xb0: {  	[sflag:s4] =	ssyncadd.s32 $0xFFFFFF80  }
0xb1: {  	[spmem:s2] =	stream.indirect.scatter.add.f32 [tilespmem:s5], [sflag:$0x1], $0x1, s20, s6, $0xb8;
	[tilespmem:$0x1E80] =	vst v63  }
0xb2: {  	_ =	swait.ge [sflag:s4], $0x80  }
0xb3: {  	[sflag:s4] =	ssyncset.done $0x0  }
0xb4: {  	[sflag:s4] =	ssyncadd.s32 $0xFFFFFF80  }
0xb5: {  	[spmem:s2] =	stream.indirect.scatter.add.f32 [tilespmem:s5], [sflag:$0x1], $0x1, s19, s6, $0xb8;
	[tilespmem:$0x1E80] =	vst v63  }
0xb6: {  	_ =	swait.ge [sflag:s4], $0x80  }
0xb7: {  	[sflag:s4] =	ssyncset.done $0x0  }
0xb8: {  	[sflag:s4] =	ssyncadd.s32 $0xFFFFFF80  }
0xb9: {  	[spmem:s2] =	stream.indirect.scatter.add.f32 [tilespmem:s5], [sflag:$0x1], $0x1, s18, s6, $0xb8;
	[tilespmem:$0x1E80] =	vst v63  }
0xba: {  	_ =	swait.ge [sflag:s4], $0x80  }
0xbb: {  	[sflag:s4] =	ssyncset.done $0x0  }
0xbc: {  	[sflag:s4] =	ssyncadd.s32 $0xFFFFFF80  }
0xbd: {  	[spmem:s2] =	stream.indirect.scatter.add.f32 [tilespmem:s5], [sflag:$0x1], $0x1, s17, s6, $0xb8;
	[tilespmem:$0x1E80] =	vst v63  }
0xbe: {  	_ =	swait.ge [sflag:s4], $0x80  }
0xbf: {  	[sflag:s4] =	ssyncset.done $0x0  }
0xc0: {  	[sflag:s4] =	ssyncadd.s32 $0xFFFFFF80  }
0xc1: {  	[spmem:s2] =	stream.indirect.scatter.add.f32 [tilespmem:s5], [sflag:$0x1], $0x1, s16, s6, $0xb8;
	[tilespmem:$0x1E80] =	vst v63  }
0xc2: {  	_ =	swait.ge [sflag:s4], $0x80  }
0xc3: {  	[sflag:s4] =	ssyncset.done $0x0  }
0xc4: {  	[sflag:s4] =	ssyncadd.s32 $0xFFFFFF80  }
0xc5: {  	[spmem:s2] =	stream.indirect.scatter.add.f32 [tilespmem:s5], [sflag:$0x1], $0x1, s15, s6, $0xb8;
	[tilespmem:$0x1E80] =	vst v63  }
0xc6: {  	_ =	swait.ge [sflag:s4], $0x80  }
0xc7: {  	[sflag:s4] =	ssyncset.done $0x0  }
0xc8: {  	[sflag:s4] =	ssyncadd.s32 $0xFFFFFF80  }
0xc9: {  	[spmem:s2] =	stream.indirect.scatter.add.f32 [tilespmem:s5], [sflag:$0x1], $0x1, s14, s6, $0xb8;
	[tilespmem:$0x1E80] =	vst v63  }
0xca: {  	_ =	swait.ge [sflag:s4], $0x80  }
0xcb: {  	[sflag:s4] =	ssyncset.done $0x0  }
0xcc: {  	[sflag:s4] =	ssyncadd.s32 $0xFFFFFF80  }
0xcd: {  	[spmem:s2] =	stream.indirect.scatter.add.f32 [tilespmem:s5], [sflag:$0x1], $0x1, s13, s6, $0xb8;
	[tilespmem:$0x1E80] =	vst v63  }
0xce: {  	_ =	swait.ge [sflag:s4], $0x80  }
0xcf: {  	[sflag:s4] =	ssyncset.done $0x0  }
0xd0: {  	[sflag:s4] =	ssyncadd.s32 $0xFFFFFF80  }
0xd1: {  	[spmem:s2] =	stream.indirect.scatter.add.f32 [tilespmem:s5], [sflag:$0x1], $0x1, s12, s6, $0xb8;
	[tilespmem:$0x1E80] =	vst v63  }
0xd2: {  	_ =	swait.ge [sflag:s4], $0x80  }
0xd3: {  	[sflag:s4] =	ssyncset.done $0x0  }
0xd4: {  	[sflag:s4] =	ssyncadd.s32 $0xFFFFFF80  }
0xd5: {  	[spmem:s2] =	stream.indirect.scatter.add.f32 [tilespmem:s5], [sflag:$0x1], $0x1, s11, s6, $0xb8;
	[tilespmem:$0x1E80] =	vst v63  }
0xd6: {  	_ =	swait.ge [sflag:s4], $0x80  }
0xd7: {  	[sflag:s4] =	ssyncset.done $0x0  }
0xd8: {  	[sflag:s4] =	ssyncadd.s32 $0xFFFFFF80  }
0xd9: {  	[spmem:s2] =	stream.indirect.scatter.add.f32 [tilespmem:s5], [sflag:$0x1], $0x1, s10, s6, $0xb8;
	[tilespmem:$0x1E80] =	vst v63  }
0xda: {  	_ =	swait.ge [sflag:s4], $0x80  }
0xdb: {  	[sflag:s4] =	ssyncset.done $0x0  }
0xdc: {  	[sflag:s4] =	ssyncadd.s32 $0xFFFFFF80  }
0xdd: {  	[spmem:s2] =	stream.indirect.scatter.add.f32 [tilespmem:s5], [sflag:$0x1], $0x1, s8, s6, $0xb8;
	[tilespmem:$0x1E80] =	vst v63  }
0xde: {  	_ =	swait.ge [sflag:s4], $0x80  }
0xdf: {  	[sflag:s4] =	ssyncset.done $0x0  }
0xe0: {  	[sflag:s4] =	ssyncadd.s32 $0xFFFFFF80  }
0xe1: {  	[spmem:s2] =	stream.indirect.scatter.add.f32 [tilespmem:s5], [sflag:$0x1], $0x1, s9, s6, $0xb8;
	[tilespmem:$0x1E80] =	vst v63  }
0xe2: {  	_ =	swait.ge [sflag:s4], $0x80  }
0xe3: {  	[sflag:s4] =	ssyncset.done $0x0  }
0xe4: {  	[sflag:s4] =	ssyncadd.s32 $0xFFFFFF80  }
0xe5: {  	[spmem:s2] =	stream.indirect.scatter.add.f32 [tilespmem:s5], [sflag:$0x1], $0x1, s7, s6, $0xb8;
	[tilespmem:$0x1E80] =	vst v63  }
0xe6: {  	_ =	swait.ge [sflag:s4], $0x80  }
0xe7: {  	[sflag:s4] =	ssyncset.done $0x0  }
0xe8: {  	p1 =	sne.s32 s30, $0x1;
	[sflag:s4] =	ssyncadd.s32 $0xFFFFFF80  }
.Ltmp1:
0xe9: {  	s28 =	sshll.u32 s0, $0x6;
	[bflag:$0x0] =	sbarrier.arrive $0xFFFF;
	(pc) =	sbr.rel @!p1 .LBB2_3-.Ltmp1, $4  }
0xea: {  	s29 =	sshrl.u32 s3, $0x3;
	s28 =	sor.u32 $0x1C01, s28;
	s31 =	rddreg [dreg:$0xa]  }
0xeb: {  	[hbm:s31], [sflag:s28] =	dma.local [spmem:s29], $0x280  }
0xec: {  	s30 =	sadd.s32 $0xFFFFFFFF, s30;
	_ =	swait.ge [sflag:s4], $0x280  }
0xed: {  	p0 =	por $0x1, $0x1;
	s31 =	rddreg [dreg:$0x5];
	[sflag:s4] =	ssyncset.done $0x0  }
.LBB2_2:
0xee: {  	[sflag:s4] =	ssyncadd.s32 $0xFFFFFD80  }
0xef: {  	[tilespmem:s25], [sflag:$0x1] =	stream.linear.gather [hbm4b:s31+s25], $0x1400, $0x38;
	[tilespmem:$0x1E80] =	vst v63  }
0xf0: {  	_ =	swait.ge [sflag:s4], $0x1400  }
0xf1: {  	[sflag:s4] =	ssyncset.done $0x0  }
0xf2: {  	s31 =	rddreg [dreg:$0x3];
	[sflag:s4] =	ssyncadd.s32 $0xFFFFEC00  }
0xf3: {  	[tilespmem:s5], [sflag:$0x1] =	stream.linear.gather [hbm4b:s31+s25], $0x400, $0x38;
	[tilespmem:$0x1E80] =	vst v63  }
0xf4: {  	_ =	swait.ge [sflag:s4], $0x400  }
0xf5: {  	[sflag:s4] =	ssyncset.done $0x0  }
0xf6: {  	s31 =	rddreg [dreg:$0x4];
	[sflag:s4] =	ssyncadd.s32 $0xFFFFFC00  }
0xf7: {  	[tilespmem:s26], [sflag:$0x1] =	stream.linear.gather [hbm4b:s31+s25], $0x400, $0x38;
	[tilespmem:$0x1E80] =	vst v63  }
0xf8: {  	_ =	swait.ge [sflag:s4], $0x400  }
0xf9: {  	[sflag:s4] =	ssyncset.done $0x0  }
0xfa: {  	[sflag:s4] =	ssyncadd.s32 $0xFFFFFC00  }
0xfb: {  	[spmem:s3] =	stream.linear.scatter [tilespmem:s26], [sflag:$0x1], $0x400, $0x38;
	[tilespmem:$0x1E80] =	vst v63  }
0xfc: {  	_ =	swait.ge [sflag:s4], $0x400  }
0xfd: {  	[sflag:s4] =	ssyncset.done $0x0  }
0xfe: {  	s31 =	rddreg [dreg:$0x6];
	[sflag:s4] =	ssyncadd.s32 $0xFFFFFC00  }
0xff: {  	[spmem:s31] =	stream.linear.scatter [tilespmem:s26], [sflag:$0x1], $0x400, $0x38;
	[tilespmem:$0x1E80] =	vst v63  }
0x100: {  	_ =	swait.ge [sflag:s4], $0x400  }
0x101: {  	[sflag:s4] =	ssyncset.done $0x0  }
0x102: {  	s31 =	rddreg [dreg:$0x7];
	[sflag:s4] =	ssyncadd.s32 $0xFFFFFC00  }
0x103: {  	[spmem:s31] =	stream.linear.scatter [tilespmem:s26], [sflag:$0x1], $0x400, $0x38;
	[tilespmem:$0x1E80] =	vst v63  }
0x104: {  	_ =	swait.ge [sflag:s4], $0x400  }
0x105: {  	[sflag:s4] =	ssyncset.done $0x0  }
0x106: {  	s31 =	rddreg [dreg:$0x8];
	[sflag:s4] =	ssyncadd.s32 $0xFFFFFC00  }
0x107: {  	[spmem:s31] =	stream.linear.scatter [tilespmem:s26], [sflag:$0x1], $0x400, $0x38;
	[tilespmem:$0x1E80] =	vst v63  }
0x108: {  	_ =	swait.ge [sflag:s4], $0x400  }
0x109: {  	[sflag:s4] =	ssyncset.done $0x0  }
0x10a: {  	s31 =	rddreg [dreg:$0x9];
	[sflag:s4] =	ssyncadd.s32 $0xFFFFFC00  }
0x10b: {  	[spmem:s31] =	stream.linear.scatter [tilespmem:s26], [sflag:$0x1], $0x400, $0x38;
	[tilespmem:$0x1E80] =	vst v63  }
0x10c: {  	_ =	swait.ge [sflag:s4], $0x400  }
0x10d: {  	[sflag:s4] =	ssyncset.done $0x0  }
0x10e: {  	[sflag:s4] =	ssyncadd.s32 $0xFFFFFC00  }
0x10f: {  	[bflag:$0x0] =	sbarrier.arrive $0xFFFF  }
0x110: {  	[spmem:s2] =	stream.indirect.scatter.add.f32 [tilespmem:s5], [sflag:$0x1], $0x1, s25, s6, $0xb8;
	[tilespmem:$0x1E80] =	vst v63  }
0x111: {  	_ =	swait.ge [sflag:s4], $0x80  }
0x112: {  	[sflag:s4] =	ssyncset.done $0x0  }
0x113: {  	[sflag:s4] =	ssyncadd.s32 $0xFFFFFF80  }
0x114: {  	[spmem:s2] =	stream.indirect.scatter.add.f32 [tilespmem:s5], [sflag:$0x1], $0x1, s6, s6, $0xb8;
	[tilespmem:$0x1E80] =	vst v63  }
0x115: {  	_ =	swait.ge [sflag:s4], $0x80  }
0x116: {  	[sflag:s4] =	ssyncset.done $0x0  }
0x117: {  	s31 =	rddreg [dreg:$0xb];
	[sflag:s4] =	ssyncadd.s32 $0xFFFFFF80  }
0x118: {  	[spmem:s2] =	stream.indirect.scatter.add.f32 [tilespmem:s5], [sflag:$0x1], $0x1, s31, s6, $0xb8;
	[tilespmem:$0x1E80] =	vst v63  }
0x119: {  	_ =	swait.ge [sflag:s4], $0x80  }
0x11a: {  	[sflag:s4] =	ssyncset.done $0x0  }
0x11b: {  	s31 =	rddreg [dreg:$0xc];
	[sflag:s4] =	ssyncadd.s32 $0xFFFFFF80  }
0x11c: {  	[spmem:s2] =	stream.indirect.scatter.add.f32 [tilespmem:s5], [sflag:$0x1], $0x1, s31, s6, $0xb8;
	[tilespmem:$0x1E80] =	vst v63  }
0x11d: {  	_ =	swait.ge [sflag:s4], $0x80  }
0x11e: {  	[sflag:s4] =	ssyncset.done $0x0  }
0x11f: {  	s31 =	rddreg [dreg:$0xd];
	[sflag:s4] =	ssyncadd.s32 $0xFFFFFF80  }
0x120: {  	[spmem:s2] =	stream.indirect.scatter.add.f32 [tilespmem:s5], [sflag:$0x1], $0x1, s31, s6, $0xb8;
	[tilespmem:$0x1E80] =	vst v63  }
0x121: {  	_ =	swait.ge [sflag:s4], $0x80  }
0x122: {  	[sflag:s4] =	ssyncset.done $0x0  }
0x123: {  	s31 =	rddreg [dreg:$0xe];
	[sflag:s4] =	ssyncadd.s32 $0xFFFFFF80  }
0x124: {  	[spmem:s2] =	stream.indirect.scatter.add.f32 [tilespmem:s5], [sflag:$0x1], $0x1, s31, s6, $0xb8;
	[tilespmem:$0x1E80] =	vst v63  }
0x125: {  	_ =	swait.ge [sflag:s4], $0x80  }
0x126: {  	[sflag:s4] =	ssyncset.done $0x0  }
0x127: {  	s31 =	rddreg [dreg:$0xf];
	[sflag:s4] =	ssyncadd.s32 $0xFFFFFF80  }
0x128: {  	[spmem:s2] =	stream.indirect.scatter.add.f32 [tilespmem:s5], [sflag:$0x1], $0x1, s31, s6, $0xb8;
	[tilespmem:$0x1E80] =	vst v63  }
0x129: {  	_ =	swait.ge [sflag:s4], $0x80  }
0x12a: {  	[sflag:s4] =	ssyncset.done $0x0  }
0x12b: {  	s31 =	rddreg [dreg:$0x10];
	[sflag:s4] =	ssyncadd.s32 $0xFFFFFF80  }
0x12c: {  	[spmem:s2] =	stream.indirect.scatter.add.f32 [tilespmem:s5], [sflag:$0x1], $0x1, s31, s6, $0xb8;
	[tilespmem:$0x1E80] =	vst v63  }
0x12d: {  	_ =	swait.ge [sflag:s4], $0x80  }
0x12e: {  	[sflag:s4] =	ssyncset.done $0x0  }
0x12f: {  	s31 =	rddreg [dreg:$0x11];
	[sflag:s4] =	ssyncadd.s32 $0xFFFFFF80  }
0x130: {  	[spmem:s2] =	stream.indirect.scatter.add.f32 [tilespmem:s5], [sflag:$0x1], $0x1, s31, s6, $0xb8;
	[tilespmem:$0x1E80] =	vst v63  }
0x131: {  	_ =	swait.ge [sflag:s4], $0x80  }
0x132: {  	[sflag:s4] =	ssyncset.done $0x0  }
0x133: {  	s31 =	rddreg [dreg:$0x12];
	[sflag:s4] =	ssyncadd.s32 $0xFFFFFF80  }
0x134: {  	[spmem:s2] =	stream.indirect.scatter.add.f32 [tilespmem:s5], [sflag:$0x1], $0x1, s31, s6, $0xb8;
	[tilespmem:$0x1E80] =	vst v63  }
0x135: {  	_ =	swait.ge [sflag:s4], $0x80  }
0x136: {  	[sflag:s4] =	ssyncset.done $0x0  }
0x137: {  	s31 =	rddreg [dreg:$0x13];
	[sflag:s4] =	ssyncadd.s32 $0xFFFFFF80  }
0x138: {  	[spmem:s2] =	stream.indirect.scatter.add.f32 [tilespmem:s5], [sflag:$0x1], $0x1, s31, s6, $0xb8;
	[tilespmem:$0x1E80] =	vst v63  }
0x139: {  	_ =	swait.ge [sflag:s4], $0x80  }
0x13a: {  	[sflag:s4] =	ssyncset.done $0x0  }
0x13b: {  	s31 =	rddreg [dreg:$0x14];
	[sflag:s4] =	ssyncadd.s32 $0xFFFFFF80  }
0x13c: {  	[spmem:s2] =	stream.indirect.scatter.add.f32 [tilespmem:s5], [sflag:$0x1], $0x1, s31, s6, $0xb8;
	[tilespmem:$0x1E80] =	vst v63  }
0x13d: {  	_ =	swait.ge [sflag:s4], $0x80  }
0x13e: {  	[sflag:s4] =	ssyncset.done $0x0  }
0x13f: {  	s31 =	rddreg [dreg:$0x15];
	[sflag:s4] =	ssyncadd.s32 $0xFFFFFF80  }
0x140: {  	[spmem:s2] =	stream.indirect.scatter.add.f32 [tilespmem:s5], [sflag:$0x1], $0x1, s31, s6, $0xb8;
	[tilespmem:$0x1E80] =	vst v63  }
0x141: {  	_ =	swait.ge [sflag:s4], $0x80  }
0x142: {  	[sflag:s4] =	ssyncset.done $0x0  }
0x143: {  	s31 =	rddreg [dreg:$0x16];
	[sflag:s4] =	ssyncadd.s32 $0xFFFFFF80  }
0x144: {  	[spmem:s2] =	stream.indirect.scatter.add.f32 [tilespmem:s5], [sflag:$0x1], $0x1, s31, s6, $0xb8;
	[tilespmem:$0x1E80] =	vst v63  }
0x145: {  	_ =	swait.ge [sflag:s4], $0x80  }
0x146: {  	[sflag:s4] =	ssyncset.done $0x0  }
0x147: {  	s31 =	rddreg [dreg:$0x17];
	[sflag:s4] =	ssyncadd.s32 $0xFFFFFF80  }
0x148: {  	[spmem:s2] =	stream.indirect.scatter.add.f32 [tilespmem:s5], [sflag:$0x1], $0x1, s31, s6, $0xb8;
	[tilespmem:$0x1E80] =	vst v63  }
0x149: {  	_ =	swait.ge [sflag:s4], $0x80  }
0x14a: {  	[sflag:s4] =	ssyncset.done $0x0  }
0x14b: {  	s31 =	rddreg [dreg:$0x18];
	[sflag:s4] =	ssyncadd.s32 $0xFFFFFF80  }
0x14c: {  	[spmem:s2] =	stream.indirect.scatter.add.f32 [tilespmem:s5], [sflag:$0x1], $0x1, s31, s6, $0xb8;
	[tilespmem:$0x1E80] =	vst v63  }
0x14d: {  	_ =	swait.ge [sflag:s4], $0x80  }
0x14e: {  	[sflag:s4] =	ssyncset.done $0x0  }
0x14f: {  	s31 =	rddreg [dreg:$0x19];
	[sflag:s4] =	ssyncadd.s32 $0xFFFFFF80  }
0x150: {  	[spmem:s2] =	stream.indirect.scatter.add.f32 [tilespmem:s5], [sflag:$0x1], $0x1, s31, s6, $0xb8;
	[tilespmem:$0x1E80] =	vst v63  }
0x151: {  	_ =	swait.ge [sflag:s4], $0x80  }
0x152: {  	[sflag:s4] =	ssyncset.done $0x0  }
0x153: {  	s31 =	rddreg [dreg:$0x1a];
	[sflag:s4] =	ssyncadd.s32 $0xFFFFFF80  }
0x154: {  	[spmem:s2] =	stream.indirect.scatter.add.f32 [tilespmem:s5], [sflag:$0x1], $0x1, s31, s6, $0xb8;
	[tilespmem:$0x1E80] =	vst v63  }
0x155: {  	_ =	swait.ge [sflag:s4], $0x80  }
0x156: {  	[sflag:s4] =	ssyncset.done $0x0  }
0x157: {  	s31 =	rddreg [dreg:$0x1b];
	[sflag:s4] =	ssyncadd.s32 $0xFFFFFF80  }
0x158: {  	[spmem:s2] =	stream.indirect.scatter.add.f32 [tilespmem:s5], [sflag:$0x1], $0x1, s31, s6, $0xb8;
	[tilespmem:$0x1E80] =	vst v63  }
0x159: {  	_ =	swait.ge [sflag:s4], $0x80  }
0x15a: {  	[sflag:s4] =	ssyncset.done $0x0  }
0x15b: {  	s31 =	rddreg [dreg:$0x1c];
	[sflag:s4] =	ssyncadd.s32 $0xFFFFFF80  }
0x15c: {  	[spmem:s2] =	stream.indirect.scatter.add.f32 [tilespmem:s5], [sflag:$0x1], $0x1, s31, s6, $0xb8;
	[tilespmem:$0x1E80] =	vst v63  }
0x15d: {  	_ =	swait.ge [sflag:s4], $0x80  }
0x15e: {  	[sflag:s4] =	ssyncset.done $0x0  }
0x15f: {  	s31 =	rddreg [dreg:$0x1d];
	[sflag:s4] =	ssyncadd.s32 $0xFFFFFF80  }
0x160: {  	[spmem:s2] =	stream.indirect.scatter.add.f32 [tilespmem:s5], [sflag:$0x1], $0x1, s31, s6, $0xb8;
	[tilespmem:$0x1E80] =	vst v63  }
0x161: {  	_ =	swait.ge [sflag:s4], $0x80  }
0x162: {  	[sflag:s4] =	ssyncset.done $0x0  }
0x163: {  	s31 =	rddreg [dreg:$0x1e];
	[sflag:s4] =	ssyncadd.s32 $0xFFFFFF80  }
0x164: {  	[spmem:s2] =	stream.indirect.scatter.add.f32 [tilespmem:s5], [sflag:$0x1], $0x1, s31, s6, $0xb8;
	[tilespmem:$0x1E80] =	vst v63  }
0x165: {  	_ =	swait.ge [sflag:s4], $0x80  }
0x166: {  	[sflag:s4] =	ssyncset.done $0x0  }
0x167: {  	[sflag:s4] =	ssyncadd.s32 $0xFFFFFF80  }
0x168: {  	[spmem:s2] =	stream.indirect.scatter.add.f32 [tilespmem:s5], [sflag:$0x1], $0x1, s24, s6, $0xb8;
	[tilespmem:$0x1E80] =	vst v63  }
0x169: {  	_ =	swait.ge [sflag:s4], $0x80  }
0x16a: {  	[sflag:s4] =	ssyncset.done $0x0  }
0x16b: {  	[sflag:s4] =	ssyncadd.s32 $0xFFFFFF80  }
0x16c: {  	[spmem:s2] =	stream.indirect.scatter.add.f32 [tilespmem:s5], [sflag:$0x1], $0x1, s23, s6, $0xb8;
	[tilespmem:$0x1E80] =	vst v63  }
0x16d: {  	_ =	swait.ge [sflag:s4], $0x80  }
0x16e: {  	[sflag:s4] =	ssyncset.done $0x0  }
0x16f: {  	[sflag:s4] =	ssyncadd.s32 $0xFFFFFF80  }
0x170: {  	[spmem:s2] =	stream.indirect.scatter.add.f32 [tilespmem:s5], [sflag:$0x1], $0x1, s22, s6, $0xb8;
	[tilespmem:$0x1E80] =	vst v63  }
0x171: {  	_ =	swait.ge [sflag:s4], $0x80  }
0x172: {  	[sflag:s4] =	ssyncset.done $0x0  }
0x173: {  	[sflag:s4] =	ssyncadd.s32 $0xFFFFFF80  }
0x174: {  	[spmem:s2] =	stream.indirect.scatter.add.f32 [tilespmem:s5], [sflag:$0x1], $0x1, s21, s6, $0xb8;
	[tilespmem:$0x1E80] =	vst v63  }
0x175: {  	_ =	swait.ge [sflag:s4], $0x80  }
0x176: {  	[sflag:s4] =	ssyncset.done $0x0  }
0x177: {  	[sflag:s4] =	ssyncadd.s32 $0xFFFFFF80  }
0x178: {  	[spmem:s2] =	stream.indirect.scatter.add.f32 [tilespmem:s5], [sflag:$0x1], $0x1, s20, s6, $0xb8;
	[tilespmem:$0x1E80] =	vst v63  }
0x179: {  	_ =	swait.ge [sflag:s4], $0x80  }
0x17a: {  	[sflag:s4] =	ssyncset.done $0x0  }
0x17b: {  	[sflag:s4] =	ssyncadd.s32 $0xFFFFFF80  }
0x17c: {  	[spmem:s2] =	stream.indirect.scatter.add.f32 [tilespmem:s5], [sflag:$0x1], $0x1, s19, s6, $0xb8;
	[tilespmem:$0x1E80] =	vst v63  }
0x17d: {  	_ =	swait.ge [sflag:s4], $0x80  }
0x17e: {  	[sflag:s4] =	ssyncset.done $0x0  }
0x17f: {  	[sflag:s4] =	ssyncadd.s32 $0xFFFFFF80  }
0x180: {  	[spmem:s2] =	stream.indirect.scatter.add.f32 [tilespmem:s5], [sflag:$0x1], $0x1, s18, s6, $0xb8;
	[tilespmem:$0x1E80] =	vst v63  }
0x181: {  	_ =	swait.ge [sflag:s4], $0x80  }
0x182: {  	[sflag:s4] =	ssyncset.done $0x0  }
0x183: {  	[sflag:s4] =	ssyncadd.s32 $0xFFFFFF80  }
0x184: {  	[spmem:s2] =	stream.indirect.scatter.add.f32 [tilespmem:s5], [sflag:$0x1], $0x1, s17, s6, $0xb8;
	[tilespmem:$0x1E80] =	vst v63  }
0x185: {  	_ =	swait.ge [sflag:s4], $0x80  }
0x186: {  	[sflag:s4] =	ssyncset.done $0x0  }
0x187: {  	[sflag:s4] =	ssyncadd.s32 $0xFFFFFF80  }
0x188: {  	[spmem:s2] =	stream.indirect.scatter.add.f32 [tilespmem:s5], [sflag:$0x1], $0x1, s16, s6, $0xb8;
	[tilespmem:$0x1E80] =	vst v63  }
0x189: {  	_ =	swait.ge [sflag:s4], $0x80  }
0x18a: {  	[sflag:s4] =	ssyncset.done $0x0  }
0x18b: {  	[sflag:s4] =	ssyncadd.s32 $0xFFFFFF80  }
0x18c: {  	[spmem:s2] =	stream.indirect.scatter.add.f32 [tilespmem:s5], [sflag:$0x1], $0x1, s15, s6, $0xb8;
	[tilespmem:$0x1E80] =	vst v63  }
0x18d: {  	_ =	swait.ge [sflag:s4], $0x80  }
0x18e: {  	[sflag:s4] =	ssyncset.done $0x0  }
0x18f: {  	[sflag:s4] =	ssyncadd.s32 $0xFFFFFF80  }
0x190: {  	[spmem:s2] =	stream.indirect.scatter.add.f32 [tilespmem:s5], [sflag:$0x1], $0x1, s14, s6, $0xb8;
	[tilespmem:$0x1E80] =	vst v63  }
0x191: {  	_ =	swait.ge [sflag:s4], $0x80  }
0x192: {  	[sflag:s4] =	ssyncset.done $0x0  }
0x193: {  	[sflag:s4] =	ssyncadd.s32 $0xFFFFFF80  }
0x194: {  	[spmem:s2] =	stream.indirect.scatter.add.f32 [tilespmem:s5], [sflag:$0x1], $0x1, s13, s6, $0xb8;
	[tilespmem:$0x1E80] =	vst v63  }
0x195: {  	_ =	swait.ge [sflag:s4], $0x80  }
0x196: {  	[sflag:s4] =	ssyncset.done $0x0  }
0x197: {  	[sflag:s4] =	ssyncadd.s32 $0xFFFFFF80  }
0x198: {  	[spmem:s2] =	stream.indirect.scatter.add.f32 [tilespmem:s5], [sflag:$0x1], $0x1, s12, s6, $0xb8;
	[tilespmem:$0x1E80] =	vst v63  }
0x199: {  	_ =	swait.ge [sflag:s4], $0x80  }
0x19a: {  	[sflag:s4] =	ssyncset.done $0x0  }
0x19b: {  	[sflag:s4] =	ssyncadd.s32 $0xFFFFFF80  }
0x19c: {  	[spmem:s2] =	stream.indirect.scatter.add.f32 [tilespmem:s5], [sflag:$0x1], $0x1, s11, s6, $0xb8;
	[tilespmem:$0x1E80] =	vst v63  }
0x19d: {  	_ =	swait.ge [sflag:s4], $0x80  }
0x19e: {  	[sflag:s4] =	ssyncset.done $0x0  }
0x19f: {  	[sflag:s4] =	ssyncadd.s32 $0xFFFFFF80  }
0x1a0: {  	[spmem:s2] =	stream.indirect.scatter.add.f32 [tilespmem:s5], [sflag:$0x1], $0x1, s10, s6, $0xb8;
	[tilespmem:$0x1E80] =	vst v63  }
0x1a1: {  	_ =	swait.ge [sflag:s4], $0x80  }
0x1a2: {  	[sflag:s4] =	ssyncset.done $0x0  }
0x1a3: {  	[sflag:s4] =	ssyncadd.s32 $0xFFFFFF80  }
0x1a4: {  	[spmem:s2] =	stream.indirect.scatter.add.f32 [tilespmem:s5], [sflag:$0x1], $0x1, s8, s6, $0xb8;
	[tilespmem:$0x1E80] =	vst v63  }
0x1a5: {  	_ =	swait.ge [sflag:s4], $0x80  }
0x1a6: {  	[sflag:s4] =	ssyncset.done $0x0  }
0x1a7: {  	[sflag:s4] =	ssyncadd.s32 $0xFFFFFF80  }
0x1a8: {  	[spmem:s2] =	stream.indirect.scatter.add.f32 [tilespmem:s5], [sflag:$0x1], $0x1, s9, s6, $0xb8;
	[tilespmem:$0x1E80] =	vst v63  }
0x1a9: {  	_ =	swait.ge [sflag:s4], $0x80  }
0x1aa: {  	[sflag:s4] =	ssyncset.done $0x0  }
0x1ab: {  	[sflag:s4] =	ssyncadd.s32 $0xFFFFFF80  }
0x1ac: {  	[spmem:s2] =	stream.indirect.scatter.add.f32 [tilespmem:s5], [sflag:$0x1], $0x1, s7, s6, $0xb8;
	[tilespmem:$0x1E80] =	vst v63  }
0x1ad: {  	_ =	swait.ge [sflag:s4], $0x80  }
0x1ae: {  	[sflag:s4] =	ssyncset.done $0x0  }
0x1af: {  	p1 =	sne.s32 s30, $0x1;
	[sflag:s4] =	ssyncadd.s32 $0xFFFFFF80  }
.Ltmp2:
0x1b0: {  	[bflag:$0x0] =	sbarrier.arrive $0xFFFF;
	(pc) =	sbr.rel @p1 .LBB2_2-.Ltmp2, $4  }
0x1b1: {  	s31 =	rddreg [dreg:$0xa]  }
0x1b2: {  	[hbm:s31], [sflag:s28] =	dma.local [spmem:s29], $0x280  }
0x1b3: {  	_ =	swait.ge [sflag:s4], $0x280  }
0x1b4: {  	s30 =	sadd.s32 $0xFFFFFFFF, s30;
	s31 =	rddreg [dreg:$0x5];
	[sflag:s4] =	ssyncset.done $0x0  }
.LBB2_3:
0x1b5: {  	[sflag:s4] =	ssyncadd.s32 @p0 $0xFFFFFD80  }
0x1b6: {  	[tilespmem:s25], [sflag:$0x1] =	stream.linear.gather [hbm4b:s31+s25], $0x1400, $0x38;
	[tilespmem:$0x1E80] =	vst v63  }
0x1b7: {  	_ =	swait.ge [sflag:s4], $0x1400  }
0x1b8: {  	[sflag:s4] =	ssyncset.done $0x0  }
0x1b9: {  	s28 =	rddreg [dreg:$0x3];
	[sflag:s4] =	ssyncadd.s32 $0xFFFFEC00  }
0x1ba: {  	[tilespmem:s5], [sflag:$0x1] =	stream.linear.gather [hbm4b:s28+s25], $0x400, $0x38;
	[tilespmem:$0x1E80] =	vst v63  }
0x1bb: {  	_ =	swait.ge [sflag:s4], $0x400  }
0x1bc: {  	[sflag:s4] =	ssyncset.done $0x0  }
0x1bd: {  	s30 =	rddreg [dreg:$0x4];
	[sflag:s4] =	ssyncadd.s32 $0xFFFFFC00  }
0x1be: {  	[tilespmem:s26], [sflag:$0x1] =	stream.linear.gather [hbm4b:s30+s25], $0x400, $0x38;
	[tilespmem:$0x1E80] =	vst v63  }
0x1bf: {  	_ =	swait.ge [sflag:s4], $0x400  }
0x1c0: {  	[sflag:s4] =	ssyncset.done $0x0  }
0x1c1: {  	[sflag:s4] =	ssyncadd.s32 $0xFFFFFC00  }
0x1c2: {  	[spmem:s3] =	stream.linear.scatter [tilespmem:s26], [sflag:$0x1], $0x400, $0x38;
	[tilespmem:$0x1E80] =	vst v63  }
0x1c3: {  	_ =	swait.ge [sflag:s4], $0x400  }
0x1c4: {  	[sflag:s4] =	ssyncset.done $0x0  }
0x1c5: {  	s31 =	rddreg [dreg:$0x6];
	[sflag:s4] =	ssyncadd.s32 $0xFFFFFC00  }
0x1c6: {  	[spmem:s31] =	stream.linear.scatter [tilespmem:s26], [sflag:$0x1], $0x400, $0x38;
	[tilespmem:$0x1E80] =	vst v63  }
0x1c7: {  	_ =	swait.ge [sflag:s4], $0x400  }
0x1c8: {  	[sflag:s4] =	ssyncset.done $0x0  }
0x1c9: {  	s29 =	rddreg [dreg:$0x7];
	[sflag:s4] =	ssyncadd.s32 $0xFFFFFC00  }
0x1ca: {  	[spmem:s29] =	stream.linear.scatter [tilespmem:s26], [sflag:$0x1], $0x400, $0x38;
	[tilespmem:$0x1E80] =	vst v63  }
0x1cb: {  	_ =	swait.ge [sflag:s4], $0x400  }
0x1cc: {  	[sflag:s4] =	ssyncset.done $0x0  }
0x1cd: {  	s30 =	rddreg [dreg:$0x8];
	[sflag:s4] =	ssyncadd.s32 $0xFFFFFC00  }
0x1ce: {  	[spmem:s30] =	stream.linear.scatter [tilespmem:s26], [sflag:$0x1], $0x400, $0x38;
	[tilespmem:$0x1E80] =	vst v63  }
0x1cf: {  	_ =	swait.ge [sflag:s4], $0x400  }
0x1d0: {  	[sflag:s4] =	ssyncset.done $0x0  }
0x1d1: {  	s31 =	rddreg [dreg:$0x9];
	[sflag:s4] =	ssyncadd.s32 $0xFFFFFC00  }
0x1d2: {  	[spmem:s31] =	stream.linear.scatter [tilespmem:s26], [sflag:$0x1], $0x400, $0x38;
	[tilespmem:$0x1E80] =	vst v63  }
0x1d3: {  	_ =	swait.ge [sflag:s4], $0x400  }
0x1d4: {  	[sflag:s4] =	ssyncset.done $0x0  }
0x1d5: {  	[sflag:s4] =	ssyncadd.s32 $0xFFFFFC00  }
0x1d6: {  	[bflag:$0x0] =	sbarrier.arrive $0xFFFF  }
0x1d7: {  	[spmem:s2] =	stream.indirect.scatter.add.f32 [tilespmem:s5], [sflag:$0x1], $0x1, s25, s6, $0xb8;
	[tilespmem:$0x1E80] =	vst v63  }
0x1d8: {  	_ =	swait.ge [sflag:s4], $0x80  }
0x1d9: {  	[sflag:s4] =	ssyncset.done $0x0  }
0x1da: {  	[sflag:s4] =	ssyncadd.s32 $0xFFFFFF80  }
0x1db: {  	[spmem:s2] =	stream.indirect.scatter.add.f32 [tilespmem:s5], [sflag:$0x1], $0x1, s6, s6, $0xb8;
	[tilespmem:$0x1E80] =	vst v63  }
0x1dc: {  	_ =	swait.ge [sflag:s4], $0x80  }
0x1dd: {  	[sflag:s4] =	ssyncset.done $0x0  }
0x1de: {  	s29 =	rddreg [dreg:$0xb];
	[sflag:s4] =	ssyncadd.s32 $0xFFFFFF80  }
0x1df: {  	[spmem:s2] =	stream.indirect.scatter.add.f32 [tilespmem:s5], [sflag:$0x1], $0x1, s29, s6, $0xb8;
	[tilespmem:$0x1E80] =	vst v63  }
0x1e0: {  	_ =	swait.ge [sflag:s4], $0x80  }
0x1e1: {  	[sflag:s4] =	ssyncset.done $0x0  }
0x1e2: {  	s30 =	rddreg [dreg:$0xc];
	[sflag:s4] =	ssyncadd.s32 $0xFFFFFF80  }
0x1e3: {  	[spmem:s2] =	stream.indirect.scatter.add.f32 [tilespmem:s5], [sflag:$0x1], $0x1, s30, s6, $0xb8;
	[tilespmem:$0x1E80] =	vst v63  }
0x1e4: {  	_ =	swait.ge [sflag:s4], $0x80  }
0x1e5: {  	[sflag:s4] =	ssyncset.done $0x0  }
0x1e6: {  	s31 =	rddreg [dreg:$0xd];
	[sflag:s4] =	ssyncadd.s32 $0xFFFFFF80  }
0x1e7: {  	[spmem:s2] =	stream.indirect.scatter.add.f32 [tilespmem:s5], [sflag:$0x1], $0x1, s31, s6, $0xb8;
	[tilespmem:$0x1E80] =	vst v63  }
0x1e8: {  	_ =	swait.ge [sflag:s4], $0x80  }
0x1e9: {  	[sflag:s4] =	ssyncset.done $0x0  }
0x1ea: {  	s26 =	rddreg [dreg:$0xe];
	[sflag:s4] =	ssyncadd.s32 $0xFFFFFF80  }
0x1eb: {  	[spmem:s2] =	stream.indirect.scatter.add.f32 [tilespmem:s5], [sflag:$0x1], $0x1, s26, s6, $0xb8;
	[tilespmem:$0x1E80] =	vst v63  }
0x1ec: {  	_ =	swait.ge [sflag:s4], $0x80  }
0x1ed: {  	[sflag:s4] =	ssyncset.done $0x0  }
0x1ee: {  	s28 =	rddreg [dreg:$0xf];
	[sflag:s4] =	ssyncadd.s32 $0xFFFFFF80  }
0x1ef: {  	[spmem:s2] =	stream.indirect.scatter.add.f32 [tilespmem:s5], [sflag:$0x1], $0x1, s28, s6, $0xb8;
	[tilespmem:$0x1E80] =	vst v63  }
0x1f0: {  	_ =	swait.ge [sflag:s4], $0x80  }
0x1f1: {  	[sflag:s4] =	ssyncset.done $0x0  }
0x1f2: {  	s29 =	rddreg [dreg:$0x10];
	[sflag:s4] =	ssyncadd.s32 $0xFFFFFF80  }
0x1f3: {  	[spmem:s2] =	stream.indirect.scatter.add.f32 [tilespmem:s5], [sflag:$0x1], $0x1, s29, s6, $0xb8;
	[tilespmem:$0x1E80] =	vst v63  }
0x1f4: {  	_ =	swait.ge [sflag:s4], $0x80  }
0x1f5: {  	[sflag:s4] =	ssyncset.done $0x0  }
0x1f6: {  	s30 =	rddreg [dreg:$0x11];
	[sflag:s4] =	ssyncadd.s32 $0xFFFFFF80  }
0x1f7: {  	[spmem:s2] =	stream.indirect.scatter.add.f32 [tilespmem:s5], [sflag:$0x1], $0x1, s30, s6, $0xb8;
	[tilespmem:$0x1E80] =	vst v63  }
0x1f8: {  	_ =	swait.ge [sflag:s4], $0x80  }
0x1f9: {  	[sflag:s4] =	ssyncset.done $0x0  }
0x1fa: {  	s31 =	rddreg [dreg:$0x12];
	[sflag:s4] =	ssyncadd.s32 $0xFFFFFF80  }
0x1fb: {  	[spmem:s2] =	stream.indirect.scatter.add.f32 [tilespmem:s5], [sflag:$0x1], $0x1, s31, s6, $0xb8;
	[tilespmem:$0x1E80] =	vst v63  }
0x1fc: {  	_ =	swait.ge [sflag:s4], $0x80  }
0x1fd: {  	[sflag:s4] =	ssyncset.done $0x0  }
0x1fe: {  	s26 =	rddreg [dreg:$0x13];
	[sflag:s4] =	ssyncadd.s32 $0xFFFFFF80  }
0x1ff: {  	[spmem:s2] =	stream.indirect.scatter.add.f32 [tilespmem:s5], [sflag:$0x1], $0x1, s26, s6, $0xb8;
	[tilespmem:$0x1E80] =	vst v63  }
0x200: {  	_ =	swait.ge [sflag:s4], $0x80  }
0x201: {  	[sflag:s4] =	ssyncset.done $0x0  }
0x202: {  	s28 =	rddreg [dreg:$0x14];
	[sflag:s4] =	ssyncadd.s32 $0xFFFFFF80  }
0x203: {  	[spmem:s2] =	stream.indirect.scatter.add.f32 [tilespmem:s5], [sflag:$0x1], $0x1, s28, s6, $0xb8;
	[tilespmem:$0x1E80] =	vst v63  }
0x204: {  	_ =	swait.ge [sflag:s4], $0x80  }
0x205: {  	[sflag:s4] =	ssyncset.done $0x0  }
0x206: {  	s29 =	rddreg [dreg:$0x15];
	[sflag:s4] =	ssyncadd.s32 $0xFFFFFF80  }
0x207: {  	[spmem:s2] =	stream.indirect.scatter.add.f32 [tilespmem:s5], [sflag:$0x1], $0x1, s29, s6, $0xb8;
	[tilespmem:$0x1E80] =	vst v63  }
0x208: {  	_ =	swait.ge [sflag:s4], $0x80  }
0x209: {  	[sflag:s4] =	ssyncset.done $0x0  }
0x20a: {  	s30 =	rddreg [dreg:$0x16];
	[sflag:s4] =	ssyncadd.s32 $0xFFFFFF80  }
0x20b: {  	[spmem:s2] =	stream.indirect.scatter.add.f32 [tilespmem:s5], [sflag:$0x1], $0x1, s30, s6, $0xb8;
	[tilespmem:$0x1E80] =	vst v63  }
0x20c: {  	_ =	swait.ge [sflag:s4], $0x80  }
0x20d: {  	[sflag:s4] =	ssyncset.done $0x0  }
0x20e: {  	s31 =	rddreg [dreg:$0x17];
	[sflag:s4] =	ssyncadd.s32 $0xFFFFFF80  }
0x20f: {  	[spmem:s2] =	stream.indirect.scatter.add.f32 [tilespmem:s5], [sflag:$0x1], $0x1, s31, s6, $0xb8;
	[tilespmem:$0x1E80] =	vst v63  }
0x210: {  	_ =	swait.ge [sflag:s4], $0x80  }
0x211: {  	[sflag:s4] =	ssyncset.done $0x0  }
0x212: {  	s26 =	rddreg [dreg:$0x18];
	[sflag:s4] =	ssyncadd.s32 $0xFFFFFF80  }
0x213: {  	[spmem:s2] =	stream.indirect.scatter.add.f32 [tilespmem:s5], [sflag:$0x1], $0x1, s26, s6, $0xb8;
	[tilespmem:$0x1E80] =	vst v63  }
0x214: {  	_ =	swait.ge [sflag:s4], $0x80  }
0x215: {  	[sflag:s4] =	ssyncset.done $0x0  }
0x216: {  	s28 =	rddreg [dreg:$0x19];
	[sflag:s4] =	ssyncadd.s32 $0xFFFFFF80  }
0x217: {  	[spmem:s2] =	stream.indirect.scatter.add.f32 [tilespmem:s5], [sflag:$0x1], $0x1, s28, s6, $0xb8;
	[tilespmem:$0x1E80] =	vst v63  }
0x218: {  	_ =	swait.ge [sflag:s4], $0x80  }
0x219: {  	[sflag:s4] =	ssyncset.done $0x0  }
0x21a: {  	s29 =	rddreg [dreg:$0x1a];
	[sflag:s4] =	ssyncadd.s32 $0xFFFFFF80  }
0x21b: {  	[spmem:s2] =	stream.indirect.scatter.add.f32 [tilespmem:s5], [sflag:$0x1], $0x1, s29, s6, $0xb8;
	[tilespmem:$0x1E80] =	vst v63  }
0x21c: {  	_ =	swait.ge [sflag:s4], $0x80  }
0x21d: {  	[sflag:s4] =	ssyncset.done $0x0  }
0x21e: {  	s30 =	rddreg [dreg:$0x1b];
	[sflag:s4] =	ssyncadd.s32 $0xFFFFFF80  }
0x21f: {  	[spmem:s2] =	stream.indirect.scatter.add.f32 [tilespmem:s5], [sflag:$0x1], $0x1, s30, s6, $0xb8;
	[tilespmem:$0x1E80] =	vst v63  }
0x220: {  	_ =	swait.ge [sflag:s4], $0x80  }
0x221: {  	[sflag:s4] =	ssyncset.done $0x0  }
0x222: {  	s31 =	rddreg [dreg:$0x1c];
	[sflag:s4] =	ssyncadd.s32 $0xFFFFFF80  }
0x223: {  	[spmem:s2] =	stream.indirect.scatter.add.f32 [tilespmem:s5], [sflag:$0x1], $0x1, s31, s6, $0xb8;
	[tilespmem:$0x1E80] =	vst v63  }
0x224: {  	_ =	swait.ge [sflag:s4], $0x80  }
0x225: {  	[sflag:s4] =	ssyncset.done $0x0  }
0x226: {  	s26 =	rddreg [dreg:$0x1d];
	[sflag:s4] =	ssyncadd.s32 $0xFFFFFF80  }
0x227: {  	[spmem:s2] =	stream.indirect.scatter.add.f32 [tilespmem:s5], [sflag:$0x1], $0x1, s26, s6, $0xb8;
	[tilespmem:$0x1E80] =	vst v63  }
0x228: {  	_ =	swait.ge [sflag:s4], $0x80  }
0x229: {  	[sflag:s4] =	ssyncset.done $0x0  }
0x22a: {  	s28 =	rddreg [dreg:$0x1e];
	[sflag:s4] =	ssyncadd.s32 $0xFFFFFF80  }
0x22b: {  	[spmem:s2] =	stream.indirect.scatter.add.f32 [tilespmem:s5], [sflag:$0x1], $0x1, s28, s6, $0xb8;
	[tilespmem:$0x1E80] =	vst v63  }
0x22c: {  	_ =	swait.ge [sflag:s4], $0x80  }
0x22d: {  	[sflag:s4] =	ssyncset.done $0x0  }
0x22e: {  	[sflag:s4] =	ssyncadd.s32 $0xFFFFFF80  }
0x22f: {  	[spmem:s2] =	stream.indirect.scatter.add.f32 [tilespmem:s5], [sflag:$0x1], $0x1, s24, s6, $0xb8;
	[tilespmem:$0x1E80] =	vst v63  }
0x230: {  	_ =	swait.ge [sflag:s4], $0x80  }
0x231: {  	[sflag:s4] =	ssyncset.done $0x0  }
0x232: {  	[sflag:s4] =	ssyncadd.s32 $0xFFFFFF80  }
0x233: {  	[spmem:s2] =	stream.indirect.scatter.add.f32 [tilespmem:s5], [sflag:$0x1], $0x1, s23, s6, $0xb8;
	[tilespmem:$0x1E80] =	vst v63  }
0x234: {  	_ =	swait.ge [sflag:s4], $0x80  }
0x235: {  	[sflag:s4] =	ssyncset.done $0x0  }
0x236: {  	[sflag:s4] =	ssyncadd.s32 $0xFFFFFF80  }
0x237: {  	[spmem:s2] =	stream.indirect.scatter.add.f32 [tilespmem:s5], [sflag:$0x1], $0x1, s22, s6, $0xb8;
	[tilespmem:$0x1E80] =	vst v63  }
0x238: {  	_ =	swait.ge [sflag:s4], $0x80  }
0x239: {  	[sflag:s4] =	ssyncset.done $0x0  }
0x23a: {  	[sflag:s4] =	ssyncadd.s32 $0xFFFFFF80  }
0x23b: {  	[spmem:s2] =	stream.indirect.scatter.add.f32 [tilespmem:s5], [sflag:$0x1], $0x1, s21, s6, $0xb8;
	[tilespmem:$0x1E80] =	vst v63  }
0x23c: {  	_ =	swait.ge [sflag:s4], $0x80  }
0x23d: {  	[sflag:s4] =	ssyncset.done $0x0  }
0x23e: {  	[sflag:s4] =	ssyncadd.s32 $0xFFFFFF80  }
0x23f: {  	[spmem:s2] =	stream.indirect.scatter.add.f32 [tilespmem:s5], [sflag:$0x1], $0x1, s20, s6, $0xb8;
	[tilespmem:$0x1E80] =	vst v63  }
0x240: {  	_ =	swait.ge [sflag:s4], $0x80  }
0x241: {  	[sflag:s4] =	ssyncset.done $0x0  }
0x242: {  	[sflag:s4] =	ssyncadd.s32 $0xFFFFFF80  }
0x243: {  	[spmem:s2] =	stream.indirect.scatter.add.f32 [tilespmem:s5], [sflag:$0x1], $0x1, s19, s6, $0xb8;
	[tilespmem:$0x1E80] =	vst v63  }
0x244: {  	_ =	swait.ge [sflag:s4], $0x80  }
0x245: {  	[sflag:s4] =	ssyncset.done $0x0  }
0x246: {  	[sflag:s4] =	ssyncadd.s32 $0xFFFFFF80  }
0x247: {  	[spmem:s2] =	stream.indirect.scatter.add.f32 [tilespmem:s5], [sflag:$0x1], $0x1, s18, s6, $0xb8;
	[tilespmem:$0x1E80] =	vst v63  }
0x248: {  	_ =	swait.ge [sflag:s4], $0x80  }
0x249: {  	[sflag:s4] =	ssyncset.done $0x0  }
0x24a: {  	[sflag:s4] =	ssyncadd.s32 $0xFFFFFF80  }
0x24b: {  	[spmem:s2] =	stream.indirect.scatter.add.f32 [tilespmem:s5], [sflag:$0x1], $0x1, s17, s6, $0xb8;
	[tilespmem:$0x1E80] =	vst v63  }
0x24c: {  	_ =	swait.ge [sflag:s4], $0x80  }
0x24d: {  	[sflag:s4] =	ssyncset.done $0x0  }
0x24e: {  	[sflag:s4] =	ssyncadd.s32 $0xFFFFFF80  }
0x24f: {  	[spmem:s2] =	stream.indirect.scatter.add.f32 [tilespmem:s5], [sflag:$0x1], $0x1, s16, s6, $0xb8;
	[tilespmem:$0x1E80] =	vst v63  }
0x250: {  	_ =	swait.ge [sflag:s4], $0x80  }
0x251: {  	[sflag:s4] =	ssyncset.done $0x0  }
0x252: {  	[sflag:s4] =	ssyncadd.s32 $0xFFFFFF80  }
0x253: {  	[spmem:s2] =	stream.indirect.scatter.add.f32 [tilespmem:s5], [sflag:$0x1], $0x1, s15, s6, $0xb8;
	[tilespmem:$0x1E80] =	vst v63  }
0x254: {  	_ =	swait.ge [sflag:s4], $0x80  }
0x255: {  	[sflag:s4] =	ssyncset.done $0x0  }
0x256: {  	[sflag:s4] =	ssyncadd.s32 $0xFFFFFF80  }
0x257: {  	[spmem:s2] =	stream.indirect.scatter.add.f32 [tilespmem:s5], [sflag:$0x1], $0x1, s14, s6, $0xb8;
	[tilespmem:$0x1E80] =	vst v63  }
0x258: {  	_ =	swait.ge [sflag:s4], $0x80  }
0x259: {  	[sflag:s4] =	ssyncset.done $0x0  }
0x25a: {  	[sflag:s4] =	ssyncadd.s32 $0xFFFFFF80  }
0x25b: {  	[spmem:s2] =	stream.indirect.scatter.add.f32 [tilespmem:s5], [sflag:$0x1], $0x1, s13, s6, $0xb8;
	[tilespmem:$0x1E80] =	vst v63  }
0x25c: {  	_ =	swait.ge [sflag:s4], $0x80  }
0x25d: {  	[sflag:s4] =	ssyncset.done $0x0  }
0x25e: {  	[sflag:s4] =	ssyncadd.s32 $0xFFFFFF80  }
0x25f: {  	[spmem:s2] =	stream.indirect.scatter.add.f32 [tilespmem:s5], [sflag:$0x1], $0x1, s12, s6, $0xb8;
	[tilespmem:$0x1E80] =	vst v63  }
0x260: {  	_ =	swait.ge [sflag:s4], $0x80  }
0x261: {  	[sflag:s4] =	ssyncset.done $0x0  }
0x262: {  	[sflag:s4] =	ssyncadd.s32 $0xFFFFFF80  }
0x263: {  	[spmem:s2] =	stream.indirect.scatter.add.f32 [tilespmem:s5], [sflag:$0x1], $0x1, s11, s6, $0xb8;
	[tilespmem:$0x1E80] =	vst v63  }
0x264: {  	_ =	swait.ge [sflag:s4], $0x80  }
0x265: {  	[sflag:s4] =	ssyncset.done $0x0  }
0x266: {  	[sflag:s4] =	ssyncadd.s32 $0xFFFFFF80  }
0x267: {  	[spmem:s2] =	stream.indirect.scatter.add.f32 [tilespmem:s5], [sflag:$0x1], $0x1, s10, s6, $0xb8;
	[tilespmem:$0x1E80] =	vst v63  }
0x268: {  	_ =	swait.ge [sflag:s4], $0x80  }
0x269: {  	[sflag:s4] =	ssyncset.done $0x0  }
0x26a: {  	[sflag:s4] =	ssyncadd.s32 $0xFFFFFF80  }
0x26b: {  	[spmem:s2] =	stream.indirect.scatter.add.f32 [tilespmem:s5], [sflag:$0x1], $0x1, s8, s6, $0xb8;
	[tilespmem:$0x1E80] =	vst v63  }
0x26c: {  	_ =	swait.ge [sflag:s4], $0x80  }
0x26d: {  	[sflag:s4] =	ssyncset.done $0x0  }
0x26e: {  	[sflag:s4] =	ssyncadd.s32 $0xFFFFFF80  }
0x26f: {  	[spmem:s2] =	stream.indirect.scatter.add.f32 [tilespmem:s5], [sflag:$0x1], $0x1, s9, s6, $0xb8;
	[tilespmem:$0x1E80] =	vst v63  }
0x270: {  	_ =	swait.ge [sflag:s4], $0x80  }
0x271: {  	[sflag:s4] =	ssyncset.done $0x0  }
0x272: {  	[sflag:s4] =	ssyncadd.s32 $0xFFFFFF80  }
0x273: {  	[spmem:s2] =	stream.indirect.scatter.add.f32 [tilespmem:s5], [sflag:$0x1], $0x1, s7, s6, $0xb8;
	[tilespmem:$0x1E80] =	vst v63  }
0x274: {  	_ =	swait.ge [sflag:s4], $0x80  }
0x275: {  	[sflag:s4] =	ssyncset.done $0x0  }
0x276: {  	[sflag:s4] =	ssyncadd.s32 $0xFFFFFF80  }
0x277: {  	s30 =	sshll.u32 s0, $0x6;
	[bflag:$0x0] =	sbarrier.arrive $0xFFFF  }
0x278: {  	s31 =	sshrl.u32 s3, $0x3;
	s5 =	sor.u32 $0x1C01, s30;
	s29 =	rddreg [dreg:$0xa]  }
0x279: {  	[hbm:s29], [sflag:s5] =	dma.local [spmem:s31], $0x280  }
0x27a: {  	_ =	swait.ge [sflag:s4], $0x280  }
0x27b: {  	[sflag:s4] =	ssyncset.done $0x0  }
0x27c: {  	[sflag:s4] =	ssyncadd.s32 $0xFFFFFD80  }
0x27d: {  	_ =	sfence.sel $0x180000  }
0x27e: {  	[bflag:$0x0] =	sbarrier.arrive $0xFFFF  }
0x27f: {  	p0 =	sne.s32 s0, $0x0;
	_ =	strace $0x90000047  }
0x280: {  	s0 =	sadd.s32 @!p0 $0x100000, s1;
	[bflag:$0x2] =	sbarrier.arrive $0xFFFF  }
0x281: {  	[sflag:s0] =	ssyncadd.tile.s32 @!p0 $0x1;
	_ =	shalt  }
.Lfunc_end2:
_tile_overlayer_lowered:
.L_overlay_start_2:
0x282: {  	(tag) =	ssettag $0x2  }
0x283: {  	s0 =	rddreg [dreg:$0x0];
	s2 =	stileid.u32  }
0x284: {  	s1 =	rddreg [dreg:$0x1];
	p0 =	sne.s32 s2, $0x0  }
0x285: {  	s3 =	rddreg [dreg:$0x2];
	[bflag:$0x3] =	sbarrier.arrive $0xFFFF;
	s2 =	simm.s32 @!p0 $0x1C01  }
0x286: {  	[timem:s3], [sflag:s2] =	dma.local @!p0 [hbm:s0], s1  }
0x287: {  	s0 =	simm.s32 @!p0 $0x1  }
0x288: {  	_ =	swait.ge @!p0 [sflag:s0], s1  }
0x289: {  	s1 =	ssub.s32 @!p0 $0x0, s1;
	[sflag:s0] =	ssyncset.done @!p0 $0x0  }
0x28a: {  	[sflag:s0] =	ssyncadd.s32 @!p0 s1  }
0x28b: {  	[bflag:$0x3] =	sbarrier.arrive $0xFFFF  }
0x28c: {  	_ =	shalt  }

// kernel: kernel.9.cloned.1.call-start
scs
__scs_entry_jumppad:
0x0: {  	(pc) =	sbr.rel $0x88, $3  }
0x1: {  	(tag) =	ssettag $0x0;
	lr =	simm.s32 $0x1  }
0x2: {  	[smem:$0x3F90] =	sst lr;
	_ =	strace $0xD0000000  }
0x3: {  	_ = 	snop  }
0x4: {  	_ = 	snop  }
0x5: {  	_ = 	snop  }
0x6: {  	_ = 	snop  }
0x7: {  	_ = 	snop  }
__scs_overlays_trampoline_lowered:
0x8: {  	[smem:$0x3F9F] =	sst s0  }
0x9: {  	[smem:$0x3FA0] =	sst s1  }
0xa: {  	[smem:$0x3FA1] =	sst s2  }
0xb: {  	[smem:$0x3FA2] =	sst s3  }
0xc: {  	[smem:$0x3FA3] =	sst s4  }
0xd: {  	[smem:$0x3FA4] =	sst s5  }
0xe: {  	[smem:$0x3FA5] =	sst s6  }
0xf: {  	[smem:$0x3FA6] =	sst s7  }
0x10: {  	[smem:$0x3FA7] =	sst s8  }
0x11: {  	[smem:$0x3FA8] =	sst s9;
	s0 =	simm.s32 @!p0 $0x0  }
0x12: {  	s1 =	sld [smem:$0x3F8E];
	s0 =	simm.s32 @p0 $0x1  }
0x13: {  	[smem:$0x3FA9] =	sst s0;
	s0 =	simm.s32 @!p1 $0x0  }
0x14: {  	s2 =	sld [smem:$0x3F8D];
	s0 =	simm.s32 @p1 $0x1  }
0x15: {  	[smem:$0x3FAA] =	sst s0;
	s0 =	simm.s32 @!p2 $0x0  }
0x16: {  	s3 =	sld [smem:$0x3FDB];
	s0 =	simm.s32 @p2 $0x1  }
0x17: {  	s4 =	simm.s32 $0x1BF5;
	[smem:$0x3FAC] =	sst s0  }
0x18: {  	s0 =	sld [smem:$0x3F8F];
	_ =	swait.ge [sflag:s4], $0x0  }
0x19: {  	s7 =	sld [smem:$0x3F90]  }
0x1a: {  	s8 =	sadd.s32 $0xFFFFE003, lr  }
0x1b: {  	s9 =	sadd.s32 $0xFFFFFEF7, lr;
	s5 =	simm.s32 $0xFFFFFFFF;
	p2 =	slt.u32 s8, $0xFFFFF086  }
0x1c: {  	p1 =	slt.u32 s9, $0xF7A;
	s5 =	simm.s32 @!p2 $0x0  }
0x1d: {  	s5 =	simm.s32 @p1 $0x1;
	p0 =	seq.s32 s7, s2  }
0x1e: {  	s7 =	smul.u32 @!p0 $0xF7A, s2;
	p2 =	seq.s32 @!p0 s5, $0x0  }
0x1f: {  	s9 =	smul.u32 $0xF7A, s1;
	s8 =	simm.s32 @!p0 $0x1BF5;
	p2 =	por !p2, p0  }
0x20: {  	[sflag:s8] =	ssyncset.s32 @!p0 $0xFFFFF086;
	s6 =	sadd.s32 @!p0 s3, s7;
	s7 =	simm.s32 @!p0 $0x108  }
0x21: {  	s3 =	sadd.s32 s3, s9;
	s6 =	sadd.s32 @!p0 $0x88, s6;
	s7 =	simm.s32 @p2 $0x1082  }
0x22: {  	[simem:s7], [sflag:s8] =	dma.local @!p0 [hbm:s6], $0xF7A  }
0x23: {  	s9 =	sor.u32 $0xD0000000, s2;
	s6 =	simm.s32 $0x108;
	_ =	swait.ge @!p0 [sflag:s8], $0x0  }
0x24: {  	s3 =	sadd.s32 $0x88, s3;
	s6 =	simm.s32 @!p1 $0x1082;
	[sflag:s4] =	ssyncset.s32 $0xFFFFF086  }
0x25: {  	[simem:s6], [sflag:s4] =	dma.local [hbm:s3], $0xF7A  }
0x26: {  	[smem:$0x3F90] =	sst s1;
	(tag) =	ssettag s2;
	_ =	strace s9  }
0x27: {  	s1 =	sld [smem:$0x3FA0]  }
0x28: {  	s2 =	sld [smem:$0x3FA1]  }
0x29: {  	s4 =	sld [smem:$0x3FA3]  }
0x2a: {  	p0 =	seq.s32 s5, $0x0;
	s5 =	sld [smem:$0x3FA4]  }
0x2b: {  	s6 =	sld [smem:$0x3FA5]  }
0x2c: {  	s7 =	sld [smem:$0x3FA6]  }
0x2d: {  	s3 =	simm.s32 $0x108;
	s8 =	sld [smem:$0x3FA7]  }
0x2e: {  	s3 =	simm.s32 @!p0 $0x1082;
	s9 =	sld [smem:$0x3FA8]  }
0x2f: {  	lr =	sadd.s32 s0, s3;
	s0 =	sld [smem:$0x3F9F]  }
0x30: {  	s3 =	sld [smem:$0x3FA2]  }
0x31: {  	[smem:$0x3FAB] =	sst s10  }
0x32: {  	s10 =	sld [smem:$0x3FA9];
	_ =	sdelay $0x3  }
0x33: {  	p0 =	seq.s32 s10, $0x1;
	s10 =	sld [smem:$0x3FAB];
	_ =	sdelay $0x3  }
0x34: {  	[smem:$0x3FAB] =	sst s10  }
0x35: {  	s10 =	sld [smem:$0x3FAA];
	_ =	sdelay $0x3  }
0x36: {  	p1 =	seq.s32 s10, $0x1;
	s10 =	sld [smem:$0x3FAB];
	_ =	sdelay $0x3  }
0x37: {  	[smem:$0x3FAB] =	sst s10  }
0x38: {  	s10 =	sld [smem:$0x3FAC]  }
0x39: {  	_ = 	snop;
	(pc) =	sbr.ind lr, $3  }
0x3a: {  	_ = 	snop  }
0x3b: {  	_ = 	snop  }
0x3c: {  	p2 =	seq.s32 s10, $0x1;
	s10 =	sld [smem:$0x3FAB]  }
0x3d: {  	_ =	shalt  }
0x3e: {  	_ =	shalt  }
0x3f: {  	_ =	shalt  }
0x40: {  	_ =	shalt  }
0x41: {  	_ =	shalt  }
0x42: {  	_ =	shalt  }
0x43: {  	_ =	shalt  }
0x44: {  	_ =	shalt  }
0x45: {  	_ =	shalt  }
0x46: {  	_ =	shalt  }
0x47: {  	_ =	shalt  }
0x48: {  	_ =	shalt  }
0x49: {  	_ =	shalt  }
0x4a: {  	_ =	shalt  }
0x4b: {  	_ =	shalt  }
0x4c: {  	_ =	shalt  }
0x4d: {  	_ =	shalt  }
0x4e: {  	_ =	shalt  }
0x4f: {  	_ =	shalt  }
0x50: {  	_ =	shalt  }
0x51: {  	_ =	shalt  }
0x52: {  	_ =	shalt  }
0x53: {  	_ =	shalt  }
0x54: {  	_ =	shalt  }
0x55: {  	_ =	shalt  }
0x56: {  	_ =	shalt  }
0x57: {  	_ =	shalt  }
0x58: {  	_ =	shalt  }
0x59: {  	_ =	shalt  }
0x5a: {  	_ =	shalt  }
0x5b: {  	_ =	shalt  }
0x5c: {  	_ =	shalt  }
0x5d: {  	_ =	shalt  }
0x5e: {  	_ =	shalt  }
0x5f: {  	_ =	shalt  }
0x60: {  	_ =	shalt  }
0x61: {  	_ =	shalt  }
0x62: {  	_ =	shalt  }
0x63: {  	_ =	shalt  }
0x64: {  	_ =	shalt  }
0x65: {  	_ =	shalt  }
0x66: {  	_ =	shalt  }
0x67: {  	_ =	shalt  }
0x68: {  	_ =	shalt  }
0x69: {  	_ =	shalt  }
0x6a: {  	_ =	shalt  }
0x6b: {  	_ =	shalt  }
0x6c: {  	_ =	shalt  }
0x6d: {  	_ =	shalt  }
0x6e: {  	_ =	shalt  }
0x6f: {  	_ =	shalt  }
0x70: {  	_ =	shalt  }
0x71: {  	_ =	shalt  }
0x72: {  	_ =	shalt  }
0x73: {  	_ =	shalt  }
0x74: {  	_ =	shalt  }
0x75: {  	_ =	shalt  }
0x76: {  	_ =	shalt  }
0x77: {  	_ =	shalt  }
0x78: {  	_ =	shalt  }
0x79: {  	_ =	shalt  }
0x7a: {  	_ =	shalt  }
0x7b: {  	_ =	shalt  }
0x7c: {  	_ =	shalt  }
0x7d: {  	_ =	shalt  }
0x7e: {  	_ =	shalt  }
0x7f: {  	_ =	shalt  }
0x80: {  	_ =	shalt  }
0x81: {  	_ =	shalt  }
0x82: {  	_ =	shalt  }
0x83: {  	_ =	shalt  }
0x84: {  	_ =	shalt  }
0x85: {  	_ =	shalt  }
0x86: {  	_ =	shalt  }
0x87: {  	_ =	shalt  }
.Lfunc_end0:
.L_simem_size_0:
called_computation.1_lowered:
.L_overlay_start_0:
0x88: {  	s2 =	sld [smem:$0x3FD9]  }
0x89: {  	s3 =	sld [smem:$0x3FFE];
	_ =	sdelay $0x1  }
0x8a: {  	s1 =	srdreg.scid  }
0x8b: {  	s0 =	sand.u32 $0x1, s1  }
0x8c: {  	s16 =	sshll.u32 s0, $0xA;
	s2 =	sadd.s32 s3, s2  }
0x8d: {  	s2 =	sadd.s32 s2, s16  }
0x8e: {  	[smem:$0x3FB7] =	sst s2  }
0x8f: {  	_ = 	snop  }
0x90: {  	(tm) =	ssettm $0x1  }
0x91: {  	s17 =	sld [smem:$0x3FFB];
	_ =	sdelay $0x3  }
0x92: {  	_ =	strace s17  }
0x93: {  	s2 =	sld [smem:$0x3FFC];
	_ =	sdelay $0x3  }
0x94: {  	_ =	strace s2  }
0x95: {  	s2 =	sld [smem:$0x3FFD];
	_ =	sdelay $0x3  }
0x96: {  	_ =	strace s2  }
0x97: {  	_ =	strace $0x8FFFFFFF  }
0x98: {  	s18 =	sld [smem:$0x3FDB];
	_ =	sdelay $0x1  }
0x99: {  	s19 =	simm.s32 $_scs_section_size  }
0x9a: {  	s4 =	simm.s32 $_size__tile_overlayer_lowered;
	s5 =	simm.s32 $_tile_overlayer_lowered  }
0x9b: {  	s22 =	simm.s32 $0x1BFF;
	s21 =	sshll.u32 s5, $0x1;
	s2 =	sadd.s32 s19, s18  }
0x9c: {  	s6 =	simm.s32 $0x0;
	s20 =	sshll.u32 s4, $0x1;
	s4 =	sadd.s32 s21, s2  }
0x9d: {  	[timem:s6], [sflag:s22] =	dma.local [hbm:s4], s20  }
0x9e: {  	_ =	swait.ge [sflag:s22], s20  }
0x9f: {  	s3 =	ssub.s32 $0x0, s20;
	[sflag:s22] =	ssyncset.done $0x0  }
0xa0: {  	[sflag:s22] =	ssyncadd.s32 s3;
	_ =	sdelay $0x1  }
0xa1: {  	s23 =	simm.s32 $0x1B8B  }
0xa2: {  	_ =	swait.ge [sflag:s23], $0x1  }
0xa3: {  	[sflag:s23] =	ssyncset.done $0x0  }
0xa4: {  	s25 =	simm.s32 $0x1B8E;
	s24 =	sld [smem:$0x3FFE];
	[sflag:s23] =	ssyncadd.s32 $0xFFFFFFFF  }
0xa5: {  	s26 =	simm.s32 $execute0_lowered;
	[smem:$0x3FD2] =	sst s25  }
0xa6: {  	s4 =	sshll.u32 s26, $0x1;
	_ =	strace $0x80000049;
	[dreg:$0x1] =	wrdreg $0xFFFFFFFF  }
0xa7: {  	s28 =	simm.s32 $_size_execute0_lowered;
	s2 =	sadd.s32 s2, s4;
	[dreg:$0x0] =	wrdreg $0x0  }
0xa8: {  	s4 =	sshll.u32 s28, $0x1;
	[dreg:$0x2] =	wrdreg s2  }
0xa9: {  	[dreg:$0x3] =	wrdreg s4  }
0xaa: {  	[dreg:$0x4] =	wrdreg $0xC0  }
0xab: {  	_ =	task [dreg:s6], $0x5FFFF  }
0xac: {  	[dreg:$0x1] =	wrdreg $0xFFFFFFFF  }
0xad: {  	[dreg:$0x0] =	wrdreg $0x60  }
0xae: {  	[dreg:$0x2] =	wrdreg s24  }
0xaf: {  	[dreg:$0x3] =	wrdreg $0xE0000  }
0xb0: {  	[dreg:$0x4] =	wrdreg $0x9  }
0xb1: {  	_ =	task.clear_ibuf [dreg:s6], $0x5FFFF;
	_ =	strace $0x90000049  }
0xb2: {  	s29 =	simm.s32 $0x9;
	_ =	strace $0x8000004B  }
0xb3: {  	_ =	swait.ge [sflag:s29], $0x1  }
0xb4: {  	[sflag:s29] =	ssyncadd.s32 $0xFFFFFFFF  }
0xb5: {  	_ =	strace $0x9000004B  }
0xb6: {  	_ =	sfence  }
0xb7: {  	s30 =	sld [smem:$0x0];
	_ =	sdelay $0x2  }
0xb8: {  	s31 =	sshll.u32 s1, $0xD;
	s1 =	sshrl.u32 s1, $0x2  }
0xb9: {  	s3 =	sand.u32 $0x4000, s31;
	s1 =	sadd.s32 s1, s30  }
0xba: {  	s0 =	sor.u32 s3, s0;
	s1 =	sshll.u32 s1, $0x11  }
0xbb: {  	s0 =	sor.u32 s1, s0  }
0xbc: {  	s0 =	sadd.s32 $0x8F2B, s0  }
0xbd: {  	[sflag:s0] =	ssyncadd.remote.s32 $0x1  }
0xbe: {  	_ =	sfence.sel $0xFFFF  }
0xbf: {  	[dreg:$0x0] =	wrdreg $0xFFFFFFFF;
	(pc) =	sbr.abs _section_cstart, $3  }
0xc0: {  	[dreg:$0x1] =	wrdreg $0xFFFFFFFF  }
0xc1: {  	_ =	task.clear_ibuf [dreg:s6], $0x2FFFF;
	_ =	strace $0x9FFFFFFF  }
0xc2: {  	(tm) =	ssettm $0x7FFFFFFF  }
0xc3: {  	_ =	shalt  }
tec
execute0_lowered:
.L_overlay_start_1:
0x0: {  	(tag) =	ssettag $0x1  }
0x1: {  	s0 =	srdreg.scid;
	s7 =	rddreg [dreg:$0x0]  }
0x2: {  	s29 =	stileid.u32;
	s2 =	rddreg [dreg:$0x1]  }
0x3: {  	s3 =	simm.s32 $0x0;
	s15 =	simm.s32 $0x5000;
	s16 =	simm.s32 $0x3  }
0x4: {  	s17 =	simm.s32 $0x2800;
	s18 =	simm.s32 $0x80;
	s19 =	simm.s32 $0x8000  }
0x5: {  	s20 =	simm.s32 $0xB000;
	s21 =	simm.s32 $0x1;
	s22 =	simm.s32 $0x2  }
0x6: {  	s23 =	simm.s32 $0x2780;
	s24 =	simm.s32 $0x4F00;
	s26 =	simm.s32 $0x4F80  }
0x7: {  	s28 =	simm.s32 $0x0;
	s6 =	sand.u32 $0x1, s0;
	s8 =	smul.u32 $0x1E00, s29  }
0x8: {  	[smem:$0x7FF] =	sst s3;
	s11 =	smul.u32 $0x3C000, s29;
	s25 =	sshll.u32 s29, $0x6  }
0x9: {  	s1 =	sshll.u32 s6, $0x4;
	_ =	strace $0x8000004A;
	s9 =	smul.u32 $0x1E000, s6  }
0xa: {  	s6 =	ssub.s32 $0x2, s6;
	s25 =	sor.u32 $0x1C03, s25;
	s4 =	sor.u32 s29, s1  }
0xb: {  	s30 =	sshrl.u32 s6, $0x1;
	s31 =	sshrl.u32 s11, $0x2;
	s5 =	smul.u32 $0x500, s4  }
0xc: {  	s4 =	sadd.s32 $0xD7C00, s7;
	s8 =	sadd.s32 s8, s9;
	s14 =	ssub.s32 s6, s30  }
0xd: {  	s13 =	sadd.s32 s8, s7;
	s14 =	smax.u32 s14, $0x1;
	s10 =	sadd.s32 s5, s7  }
0xe: {  	s5 =	sadd.s32 $0x157A00, s7;
	s7 =	sadd.s32 s31, s2;
	s6 =	sadd.s32 $0x14DA00, s10  }
0xf: {  	s13 =	sadd.s32 $0x158000, s13;
	s8 =	sadd.s32 $0x143A00, s10;
	s9 =	sadd.s32 $0x3000, s7  }
0x10: {  	s10 =	sadd.s32 $0x6000, s7;
	s11 =	sadd.s32 $0x9000, s7;
	s12 =	sadd.s32 $0xC000, s7  }
.LBB2_1:
0x11: {  	[tilespmem:s15], [sflag:$0x3] =	stream.linear.gather [hbm4b:s5+s3], $0x3000, $0x38;
	[tilespmem:$0x1D000] =	vst v63  }
0x12: {  	_ =	swait.ge [sflag:s16], $0x3000  }
0x13: {  	[sflag:s16] =	ssyncset.done $0x0  }
0x14: {  	[sflag:s16] =	ssyncadd.s32 $0xFFFFD000  }
0x15: {  	[tilespmem:s3], [sflag:$0x3] =	stream.linear.gather [hbm4b:s6+s3], $0x2800, $0x38;
	[tilespmem:$0x1D000] =	vst v63  }
0x16: {  	_ =	swait.ge [sflag:s16], $0x2800  }
0x17: {  	[sflag:s16] =	ssyncset.done $0x0  }
0x18: {  	[sflag:s16] =	ssyncadd.s32 $0xFFFFD800  }
0x19: {  	[tilespmem:s17], [sflag:$0x3] =	stream.linear.gather [hbm4b:s8+s3], $0x2800, $0x38;
	[tilespmem:$0x1D000] =	vst v63  }
0x1a: {  	_ =	swait.ge [sflag:s16], $0x2800  }
0x1b: {  	[sflag:s16] =	ssyncset.done $0x0  }
0x1c: {  	[sflag:s16] =	ssyncadd.s32 $0xFFFFD800  }
0x1d: {  	[spmem:s7] =	stream.linear.scatter [tilespmem:s15], [sflag:$0x3], $0x3000, $0x38;
	[tilespmem:$0x1D000] =	vst v63  }
0x1e: {  	_ =	swait.ge [sflag:s16], $0x3000  }
0x1f: {  	[sflag:s16] =	ssyncset.done $0x0  }
0x20: {  	[sflag:s16] =	ssyncadd.s32 $0xFFFFD000  }
0x21: {  	[spmem:s9] =	stream.linear.scatter [tilespmem:s15], [sflag:$0x3], $0x3000, $0x38;
	[tilespmem:$0x1D000] =	vst v63  }
0x22: {  	_ =	swait.ge [sflag:s16], $0x3000  }
0x23: {  	[sflag:s16] =	ssyncset.done $0x0  }
0x24: {  	[sflag:s16] =	ssyncadd.s32 $0xFFFFD000  }
0x25: {  	[spmem:s10] =	stream.linear.scatter [tilespmem:s15], [sflag:$0x3], $0x3000, $0x38;
	[tilespmem:$0x1D000] =	vst v63  }
0x26: {  	_ =	swait.ge [sflag:s16], $0x3000  }
0x27: {  	[sflag:s16] =	ssyncset.done $0x0  }
0x28: {  	[sflag:s16] =	ssyncadd.s32 $0xFFFFD000  }
0x29: {  	[spmem:s11] =	stream.linear.scatter [tilespmem:s15], [sflag:$0x3], $0x3000, $0x38;
	[tilespmem:$0x1D000] =	vst v63  }
0x2a: {  	_ =	swait.ge [sflag:s16], $0x3000  }
0x2b: {  	[sflag:s16] =	ssyncset.done $0x0  }
0x2c: {  	[sflag:s16] =	ssyncadd.s32 $0xFFFFD000  }
0x2d: {  	[spmem:s12] =	stream.linear.scatter [tilespmem:s15], [sflag:$0x3], $0x3000, $0x38;
	[tilespmem:$0x1D000] =	vst v63  }
0x2e: {  	_ =	swait.ge [sflag:s16], $0x3000  }
0x2f: {  	[sflag:s16] =	ssyncset.done $0x0  }
0x30: {  	[sflag:s16] =	ssyncadd.s32 $0xFFFFD000  }
0x31: {  	[bflag:$0x0] =	sbarrier.arrive $0xFFFF  }
0x32: {  	[tilespmem:s19], [sflag:$0x1] =	stream.indirect.gather [hbm4b:s4+s18], $0x60, s3, s18, $0xb8;
	[tilespmem:$0x1D000] =	vst v63  }
0x33: {  	s29 =	simm.s32 $0x80  }
0x34: {  	[tilespmem:s20], [sflag:$0x2] =	stream.indirect.gather [hbm4b:s4+s18], $0x60, s29, s18, $0xb8;
	[tilespmem:$0x1D000] =	vst v63  }
0x35: {  	_ =	swait.ge [sflag:s21], $0x3000  }
0x36: {  	[sflag:s21] =	ssyncset.done $0x0  }
0x37: {  	s29 =	simm.s32 $0x2800;
	[sflag:s21] =	ssyncadd.s32 $0xFFFFD000  }
0x38: {  	[spmem:s2] =	stream.indirect.scatter.add.bf16 [tilespmem:s19], [sflag:$0x3], $0x60, s29, s18, $0xb8;
	[tilespmem:$0x1D000] =	vst v63  }
0x39: {  	_ =	swait.ge [sflag:s16], $0x3000  }
0x3a: {  	[sflag:s16] =	ssyncset.done $0x0  }
0x3b: {  	s29 =	simm.s32 $0x100;
	[sflag:s16] =	ssyncadd.s32 $0xFFFFD000  }
0x3c: {  	[tilespmem:s19], [sflag:$0x1] =	stream.indirect.gather [hbm4b:s4+s18], $0x60, s29, s18, $0xb8;
	[tilespmem:$0x1D000] =	vst v63  }
0x3d: {  	_ =	swait.ge [sflag:s22], $0x3000  }
0x3e: {  	[sflag:s22] =	ssyncset.done $0x0  }
0x3f: {  	s29 =	simm.s32 $0x2880;
	[sflag:s22] =	ssyncadd.s32 $0xFFFFD000  }
0x40: {  	[spmem:s2] =	stream.indirect.scatter.add.bf16 [tilespmem:s20], [sflag:$0x3], $0x60, s29, s18, $0xb8;
	[tilespmem:$0x1D000] =	vst v63  }
0x41: {  	_ =	swait.ge [sflag:s16], $0x3000  }
0x42: {  	s30 =	simm.s32 $0x800;
	s29 =	simm.s32 $0x100;
	[sflag:s16] =	ssyncset.done $0x0  }
.LBB2_2:
0x43: {  	s31 =	sadd.s32 $0x80, s29  }
0x44: {  	[sflag:s16] =	ssyncadd.s32 $0xFFFFD000;
	s1 =	smov.u32 s30;
	s0 =	sadd.s32 $0x400, s30  }
0x45: {  	[tilespmem:s20], [sflag:$0x2] =	stream.indirect.gather [hbm4b:s4+s18], $0x60, s31, s18, $0xb8;
	[tilespmem:$0x1D000] =	vst v63  }
0x46: {  	p0 =	sne.s32 s30, $0x9800;
	_ =	swait.ge [sflag:s21], $0x3000  }
0x47: {  	[sflag:s21] =	ssyncset.done $0x0  }
0x48: {  	s30 =	sadd.s32 $0x2800, s29;
	[sflag:s21] =	ssyncadd.s32 $0xFFFFD000  }
0x49: {  	[spmem:s2] =	stream.indirect.scatter.add.bf16 [tilespmem:s19], [sflag:$0x3], $0x60, s30, s18, $0xb8;
	[tilespmem:$0x1D000] =	vst v63  }
0x4a: {  	_ =	swait.ge [sflag:s16], $0x3000  }
0x4b: {  	[sflag:s16] =	ssyncset.done $0x0  }
0x4c: {  	s30 =	sadd.s32 $0x100, s29;
	[sflag:s16] =	ssyncadd.s32 $0xFFFFD000  }
0x4d: {  	[tilespmem:s19], [sflag:$0x1] =	stream.indirect.gather [hbm4b:s4+s18], $0x60, s30, s18, $0xb8;
	[tilespmem:$0x1D000] =	vst v63  }
0x4e: {  	_ =	swait.ge [sflag:s22], $0x3000  }
.Ltmp0:
0x4f: {  	[sflag:s22] =	ssyncset.done $0x0;
	(pc) =	sbr.rel @p0 .LBB2_2-.Ltmp0, $4  }
0x50: {  	s29 =	sadd.s32 $0x2880, s29;
	[sflag:s22] =	ssyncadd.s32 $0xFFFFD000  }
0x51: {  	[spmem:s2] =	stream.indirect.scatter.add.bf16 [tilespmem:s20], [sflag:$0x3], $0x60, s29, s18, $0xb8;
	[tilespmem:$0x1D000] =	vst v63  }
0x52: {  	_ =	swait.ge [sflag:s16], $0x3000  }
0x53: {  	s30 =	smov.u32 s0;
	s29 =	sshra.s32 s1, $0x2;
	[sflag:s16] =	ssyncset.done $0x0  }
0x54: {  	s0 =	sadd.s32 $0x80, s29;
	[sflag:s16] =	ssyncadd.s32 $0xFFFFD000  }
0x55: {  	[tilespmem:s20], [sflag:$0x2] =	stream.indirect.gather [hbm4b:s4+s18], $0x60, s0, s18, $0xb8;
	[tilespmem:$0x1D000] =	vst v63  }
0x56: {  	_ =	swait.ge [sflag:s21], $0x3000  }
0x57: {  	[sflag:s21] =	ssyncset.done $0x0  }
0x58: {  	s31 =	sadd.s32 $0x2800, s29;
	[sflag:s21] =	ssyncadd.s32 $0xFFFFD000  }
0x59: {  	[spmem:s2] =	stream.indirect.scatter.add.bf16 [tilespmem:s19], [sflag:$0x3], $0x60, s31, s18, $0xb8;
	[tilespmem:$0x1D000] =	vst v63  }
0x5a: {  	_ =	swait.ge [sflag:s16], $0x3000  }
0x5b: {  	[sflag:s16] =	ssyncset.done $0x0  }
0x5c: {  	s1 =	sadd.s32 $0x100, s29;
	[sflag:s16] =	ssyncadd.s32 $0xFFFFD000  }
0x5d: {  	[tilespmem:s19], [sflag:$0x1] =	stream.indirect.gather [hbm4b:s4+s18], $0x60, s1, s18, $0xb8;
	[tilespmem:$0x1D000] =	vst v63  }
0x5e: {  	_ =	swait.ge [sflag:s22], $0x3000  }
0x5f: {  	[sflag:s22] =	ssyncset.done $0x0  }
0x60: {  	s30 =	sadd.s32 $0x2880, s29;
	[sflag:s22] =	ssyncadd.s32 $0xFFFFD000  }
0x61: {  	[spmem:s2] =	stream.indirect.scatter.add.bf16 [tilespmem:s20], [sflag:$0x3], $0x60, s30, s18, $0xb8;
	[tilespmem:$0x1D000] =	vst v63  }
0x62: {  	_ =	swait.ge [sflag:s16], $0x3000  }
0x63: {  	[sflag:s16] =	ssyncset.done $0x0  }
0x64: {  	[sflag:s16] =	ssyncadd.s32 $0xFFFFD000  }
0x65: {  	[tilespmem:s20], [sflag:$0x2] =	stream.indirect.gather [hbm4b:s4+s18], $0x60, s23, s18, $0xb8;
	[tilespmem:$0x1D000] =	vst v63  }
0x66: {  	_ =	swait.ge [sflag:s21], $0x3000  }
0x67: {  	[sflag:s21] =	ssyncset.done $0x0  }
0x68: {  	[sflag:s21] =	ssyncadd.s32 $0xFFFFD000  }
0x69: {  	[spmem:s2] =	stream.indirect.scatter.add.bf16 [tilespmem:s19], [sflag:$0x3], $0x60, s24, s18, $0xb8;
	[tilespmem:$0x1D000] =	vst v63  }
0x6a: {  	_ =	swait.ge [sflag:s16], $0x3000  }
0x6b: {  	[sflag:s16] =	ssyncset.done $0x0  }
0x6c: {  	[sflag:s16] =	ssyncadd.s32 $0xFFFFD000  }
0x6d: {  	_ =	swait.ge [sflag:s22], $0x3000  }
0x6e: {  	[sflag:s22] =	ssyncset.done $0x0  }
0x6f: {  	[sflag:s22] =	ssyncadd.s32 $0xFFFFD000  }
0x70: {  	[spmem:s2] =	stream.indirect.scatter.add.bf16 [tilespmem:s20], [sflag:$0x3], $0x60, s26, s18, $0xb8;
	[tilespmem:$0x1D000] =	vst v63  }
0x71: {  	_ =	swait.ge [sflag:s16], $0x3000  }
0x72: {  	s28 =	sadd.s32 $0x1, s28;
	[sflag:s16] =	ssyncset.done $0x0  }
0x73: {  	p0 =	sne.s32 s28, s14;
	[sflag:s16] =	ssyncadd.s32 $0xFFFFD000  }
.Ltmp1:
0x74: {  	s31 =	sshrl.u32 s7, $0x3;
	[bflag:$0x0] =	sbarrier.arrive $0xFFFF;
	(pc) =	sbr.rel @p0 .LBB2_1-.Ltmp1, $4  }
0x75: {  	[hbm:s13], [sflag:s25] =	dma.local [spmem:s31], $0x1E00  }
0x76: {  	_ =	swait.ge [sflag:s16], $0x1E00  }
0x77: {  	[sflag:s16] =	ssyncset.done $0x0  }
0x78: {  	[sflag:s16] =	ssyncadd.s32 $0xFFFFE200  }
0x79: {  	_ =	sfence.sel $0x180000  }
0x7a: {  	[bflag:$0x0] =	sbarrier.arrive $0xFFFF  }
0x7b: {  	_ =	strace $0x9000004A  }
0x7c: {  	s0 =	stileid.u32;
	[bflag:$0x2] =	sbarrier.arrive $0xFFFF  }
0x7d: {  	p0 =	sne.s32 s0, $0x0;
	s0 =	rddreg [dreg:$0x2]  }
0x7e: {  	s0 =	sadd.s32 @!p0 $0x100000, s0  }
0x7f: {  	[sflag:s0] =	ssyncadd.tile.s32 @!p0 $0x1;
	_ =	shalt  }
.Lfunc_end2:
_tile_overlayer_lowered:
.L_overlay_start_2:
0x80: {  	(tag) =	ssettag $0x2  }
0x81: {  	s0 =	rddreg [dreg:$0x0];
	s2 =	stileid.u32  }
0x82: {  	s1 =	rddreg [dreg:$0x1];
	p0 =	sne.s32 s2, $0x0  }
0x83: {  	s3 =	rddreg [dreg:$0x2];
	[bflag:$0x3] =	sbarrier.arrive $0xFFFF;
	s2 =	simm.s32 @!p0 $0x1C03  }
0x84: {  	[timem:s3], [sflag:s2] =	dma.local @!p0 [hbm:s0], s1  }
0x85: {  	s0 =	simm.s32 @!p0 $0x3  }
0x86: {  	_ =	swait.ge @!p0 [sflag:s0], s1  }
0x87: {  	s1 =	ssub.s32 @!p0 $0x0, s1;
	[sflag:s0] =	ssyncset.done @!p0 $0x0  }
0x88: {  	[sflag:s0] =	ssyncadd.s32 @!p0 s1  }
0x89: {  	[bflag:$0x3] =	sbarrier.arrive $0xFFFF  }
0x8a: {  	_ =	shalt  }

</sc_bundles>
